<compile_context>
chip_gen: v7x
topology: tpu7x:2x2x1
jax: 0.10.2.dev20260603
libtpu: 0.0.44.dev20260713+nightly
codegen_flags: <defaults>
</compile_context>

<pallas_src>
import functools

import jax
import jax.numpy as jnp
from jax import lax
from jax.experimental import pallas as pl
from jax.experimental.pallas import tpu as pltpu
from jax.experimental.pallas import tpu_sc as plsc

N = 100000
E = 6400000
H = 32
NPAD = 100352
ROWS = 784
SEG = NPAD // 16
CH = 2048
NCHUNK = E // CH
NW = 32
CHUNK_ITERS = -(-NCHUNK // NW)
SLOTS3 = 33


def _gsq_body(w0_ref, b0_ref, w1_ref, b1_ref, v_ref, a0_ref, a1_ref, o_ref):
    x0 = v_ref[...]
    x1 = a0_ref[...]
    x2 = a1_ref[...]
    acc = jnp.full((ROWS, 128), b1_ref[0], dtype=jnp.float32)
    for j in range(H):
        h = jnp.tanh(x0 * w0_ref[0, j] + x1 * w0_ref[1, j]
                     + x2 * w0_ref[2, j] + b0_ref[j])
        acc = acc + h * w1_ref[j]
    o_ref[...] = acc * acc


def _out_body(w0_ref, b0_ref, w1_ref, b1_ref, v_ref, a0_ref, a1_ref,
              e_ref, p0_ref, p1_ref, o_ref):
    x0 = v_ref[...]
    x1 = a0_ref[...]
    x2 = a1_ref[...]
    x3 = p0_ref[...] + p1_ref[...]
    x4 = e_ref[...]
    acc = jnp.full((ROWS, 128), b1_ref[0], dtype=jnp.float32)
    for j in range(H):
        h = jnp.tanh(x0 * w0_ref[0, j] + x1 * w0_ref[1, j]
                     + x2 * w0_ref[2, j] + x3 * w0_ref[3, j]
                     + x4 * w0_ref[4, j] + b0_ref[j])
        acc = acc + h * w1_ref[j]
    o_ref[...] = acc


_smem_spec = pl.BlockSpec(memory_space=pltpu.SMEM)
_vmem_spec = pl.BlockSpec(memory_space=pltpu.VMEM)


def _edge_kernel(gsq_hbm, src_hbm, dst_hbm, w_hbm, out_hbm,
                 gsq_v,
                 src_v0, src_v1, src_v2, w_v0, w_v1, w_v2,
                 dst_v0, dst_v1, dst_v2, msg_v0, msg_v1, msg_v2,
                 zero_v,
                 sem_in0, sem_in1, sem_in2, sem_sc0, sem_sc1, sem_sc2, agg):
    c = lax.axis_index("c")
    s = lax.axis_index("s")
    wid = s * 2 + c
    src_v = (src_v0, src_v1, src_v2)
    w_v = (w_v0, w_v1, w_v2)
    dst_v = (dst_v0, dst_v1, dst_v2)
    msg_v = (msg_v0, msg_v1, msg_v2)
    sem_in = (sem_in0, sem_in1, sem_in2)
    sem_sc = (sem_sc0, sem_sc1, sem_sc2)

    for k in range(8):
        zero_v[pl.ds(k * 16, 16)] = jnp.zeros((16,), jnp.float32)

    def zcopy(k, carry):
        pltpu.sync_copy(zero_v, agg.at[pl.ds(s * SEG + k * 128, 128)])
        return carry
    lax.fori_loop(0, SEG // 128, zcopy, 0)
    pltpu.sync_copy(gsq_hbm.at[pl.ds(0, N)], gsq_v)
    plsc.subcore_barrier()

    def fire_in(i, b):
        cid = wid + NW * i

        @pl.when(cid < NCHUNK)
        def _():
            pltpu.async_copy(src_hbm.at[0, pl.ds(cid * CH, CH)], src_v[b],
                             sem_in[b])
            pltpu.async_copy(dst_hbm.at[1, pl.ds(cid * CH, CH)],
                             dst_v[b], sem_in[b])
            pltpu.async_copy(w_hbm.at[pl.ds(cid * CH, CH)], w_v[b], sem_in[b])

    def drain_scatters(i, b):
        @pl.when(jnp.logical_and(i >= 0, wid + NW * i < NCHUNK))
        def _():
            pltpu.make_async_copy(gsq_hbm.at[pl.ds(0, CH)],
                                  w_v[b], sem_sc[b]).wait()

    def process(i, b):
        cid = wid + NW * i

        @pl.when(cid < NCHUNK)
        def _():
            pltpu.make_async_copy(src_hbm.at[0, pl.ds(cid * CH, CH)],
                                  src_v[b], sem_in[b]).wait()
            pltpu.make_async_copy(dst_hbm.at[1, pl.ds(cid * CH, CH)],
                                  dst_v[b], sem_in[b]).wait()
            pltpu.make_async_copy(w_hbm.at[pl.ds(cid * CH, CH)], w_v[b],
                                  sem_in[b]).wait()

            def row_body(j, rcarry):
                for k in range(8):
                    base = j * 128 + k * 16
                    idx = src_v[b][pl.ds(base, 16)]
                    wv = w_v[b][pl.ds(base, 16)]
                    g = plsc.load_gather(gsq_v, [idx])
                    msg_v[b][j, pl.ds(k * 16, 16)] = wv * g
                pltpu.async_copy(msg_v[b].at[j],
                                 agg.at[dst_v[b].at[pl.ds(j * 128, 128)]],
                                 sem_sc[b], add=True)
                return rcarry
            lax.fori_loop(0, 16, row_body, 0)

    fire_in(0, 0)
    fire_in(1, 1)

    def triple_body(i3, carry):
        i0 = 3 * i3
        for d in range(3):
            i = i0 + d
            process(i, d)
            drain_scatters(i - 1, (d + 2) % 3)
            fire_in(i + 2, (d + 2) % 3)
        return carry
    lax.fori_loop(0, SLOTS3, triple_body, 0)

    plsc.subcore_barrier()
    pltpu.sync_copy(agg.at[pl.ds(s * SEG, SEG)],
                    out_hbm.at[pl.ds(c * NPAD + s * SEG, SEG)])


_edge_call = functools.partial(
    pl.kernel,
    out_type=jax.ShapeDtypeStruct((2 * NPAD,), jnp.float32),
    mesh=plsc.VectorSubcoreMesh(core_axis_name="c", subcore_axis_name="s"),
    scratch_types=[
        pltpu.VMEM((N,), jnp.float32),
        pltpu.VMEM((CH,), jnp.int32),
        pltpu.VMEM((CH,), jnp.int32),
        pltpu.VMEM((CH,), jnp.int32),
        pltpu.VMEM((CH,), jnp.float32),
        pltpu.VMEM((CH,), jnp.float32),
        pltpu.VMEM((CH,), jnp.float32),
        pltpu.VMEM((CH,), jnp.int32),
        pltpu.VMEM((CH,), jnp.int32),
        pltpu.VMEM((CH,), jnp.int32),
        pltpu.VMEM((16, 128), jnp.float32),
        pltpu.VMEM((16, 128), jnp.float32),
        pltpu.VMEM((16, 128), jnp.float32),
        pltpu.VMEM((128,), jnp.float32),
        pltpu.SemaphoreType.DMA,
        pltpu.SemaphoreType.DMA,
        pltpu.SemaphoreType.DMA,
        pltpu.SemaphoreType.DMA,
        pltpu.SemaphoreType.DMA,
        pltpu.SemaphoreType.DMA,
        pltpu.VMEM_SHARED((NPAD,), jnp.float32),
    ],
    compiler_params=pltpu.CompilerParams(needs_layout_passes=False),
)(_edge_kernel)


def _pad_nodes(x):
    return jnp.pad(x, (0, NPAD - N)).reshape(ROWS, 128)


@jax.jit
def kernel(v, excitation, edge_index, a, W,
           Wg0, bg0, Wg1, bg1, Wf0, bf0, Wf1, bf1):
    vp = _pad_nodes(v[:, 0])
    a0p = _pad_nodes(a[:, 0])
    a1p = _pad_nodes(a[:, 1])
    ep = _pad_nodes(excitation[:, 0])

    gsq = pl.pallas_call(
        _gsq_body,
        out_shape=jax.ShapeDtypeStruct((ROWS, 128), jnp.float32),
        in_specs=[_smem_spec, _smem_spec, _smem_spec, _smem_spec,
                  _vmem_spec, _vmem_spec, _vmem_spec],
        out_specs=_vmem_spec,
    )(Wg0, bg0, Wg1[:, 0], bg1, vp, a0p, a1p)

    partials = _edge_call(gsq.reshape(NPAD), edge_index, edge_index, W)

    p0 = partials[:NPAD].reshape(ROWS, 128)
    p1 = partials[NPAD:].reshape(ROWS, 128)

    dudt = pl.pallas_call(
        _out_body,
        out_shape=jax.ShapeDtypeStruct((ROWS, 128), jnp.float32),
        in_specs=[_smem_spec, _smem_spec, _smem_spec, _smem_spec,
                  _vmem_spec, _vmem_spec, _vmem_spec, _vmem_spec,
                  _vmem_spec, _vmem_spec],
        out_specs=_vmem_spec,
    )(Wf0, bf0, Wf1[:, 0], bf1, vp, a0p, a1p, ep, p0, p1)

    return dudt.reshape(NPAD)[:N].reshape(N, 1)

# --- scband reference (transcript-rebuilt; emitter-appended) ---
"""Pipeline reference for scband-fly-vis-gnn-1992864825731 (READ-ONLY COPY).

The authoritative reference and input builder live on the scoring server;
editing this copy changes nothing except your own understanding.
"""

import jax, jax.numpy as jnp
import numpy as np

N = 100000
E = 6400000
EMB = 2
H = 32


def _mlp2(x, W0, b0, W1, b1):
    # MLP with nlayers=2: linear -> tanh -> linear (output_size=1)
    h = jnp.tanh(x @ W0 + b0)
    return h @ W1 + b1


def setup_inputs(seed: int = 0) -> dict:
    key = jax.random.key(seed)
    ks = jax.random.split(key, 16)
    v = jax.random.normal(ks[0], (N, 1), dtype=jnp.float32)
    excitation = jax.random.uniform(ks[1], (N, 1), dtype=jnp.float32)
    edge_index = jax.random.randint(ks[2], (2, E), 0, N, dtype=jnp.int32)
    # learned parameters
    a = jax.random.normal(ks[3], (N, EMB), dtype=jnp.float32) * 0.1  # node embeddings
    W = jax.random.normal(ks[4], (E,), dtype=jnp.float32) * (1.0 / np.sqrt(E))  # per-edge weights (randn_scaled)
    # g_phi MLP: input (v_j, a_j) -> 3, hidden 32, out 1
    Wg0 = jax.random.normal(ks[5], (3, H), dtype=jnp.float32) * (1.0 / np.sqrt(3))
    bg0 = jnp.zeros((H,), dtype=jnp.float32)
    Wg1 = jax.random.normal(ks[6], (H, 1), dtype=jnp.float32) * (1.0 / np.sqrt(H))
    bg1 = jnp.zeros((1,), dtype=jnp.float32)
    # f_theta MLP: input (v, a, msg, excitation) -> 5, hidden 32, out 1
    Wf0 = jax.random.normal(ks[7], (5, H), dtype=jnp.float32) * (1.0 / np.sqrt(5))
    bf0 = jnp.zeros((H,), dtype=jnp.float32)
    Wf1 = jax.random.normal(ks[8], (H, 1), dtype=jnp.float32) * (1.0 / np.sqrt(H))
    bf1 = jnp.zeros((1,), dtype=jnp.float32)
    return {"v": v, "excitation": excitation, "edge_index": edge_index,
            "a": a, "W": W,
            "Wg0": Wg0, "bg0": bg0, "Wg1": Wg1, "bg1": bg1,
            "Wf0": Wf0, "bf0": bf0, "Wf1": Wf1, "bf1": bf1}


def reference(v, excitation, edge_index, a, W, Wg0, bg0, Wg1, bg1, Wf0, bf0, Wf1, bf1):
    # flyvis_A with g_phi_positive=True:
    #   msg_e = W[e] * g_phi(v_j, a_j)^2 ; aggregate by scatter_add onto dst node i
    #   du/dt = f_theta(v, a, sum(msg), excitation)
    src = edge_index[0]
    dst = edge_index[1]
    xj = jnp.concatenate([jnp.take(v, src, axis=0), jnp.take(a, src, axis=0)], axis=1)  # [E, 3]
    g = _mlp2(xj, Wg0, bg0, Wg1, bg1)  # [E, 1]
    msg = W[:, None] * (g * g)  # positive messages
    agg = jnp.zeros((v.shape[0], 1), dtype=v.dtype).at[dst].add(msg)  # scatter_add
    fin = jnp.concatenate([v, a, agg, excitation], axis=1)  # [N, 5]
    dudt = _mlp2(fin, Wf0, bf0, Wf1, bf1)  # [N, 1]
    return dudt

if __name__ == "__main__":
    import jax
    _d = setup_inputs()
    print(jax.jit(kernel)(*tuple(_d.values())))

</pallas_src>

<mosaic_0001>
#map = affine_map<(d0, d1) -> (0)>
#map1 = affine_map<(d0, d1) -> (0, 0)>
module attributes {stable_mosaic.version = 14 : i64} {
  func.func @_edge_kernel(%arg0: i32, %arg1: i32, %arg2: memref<100352xf32, #tpu.memory_space<hbm>>, %arg3: memref<2x6400000xi32, #tpu.memory_space<hbm>>, %arg4: memref<2x6400000xi32, #tpu.memory_space<hbm>>, %arg5: memref<6400000xf32, #tpu.memory_space<hbm>>, %arg6: memref<200704xf32, #tpu.memory_space<hbm>>, %arg7: memref<100000xf32, #tpu.memory_space<vmem>>, %arg8: memref<2048xi32, #tpu.memory_space<vmem>>, %arg9: memref<2048xi32, #tpu.memory_space<vmem>>, %arg10: memref<2048xi32, #tpu.memory_space<vmem>>, %arg11: memref<2048xf32, #tpu.memory_space<vmem>>, %arg12: memref<2048xf32, #tpu.memory_space<vmem>>, %arg13: memref<2048xf32, #tpu.memory_space<vmem>>, %arg14: memref<2048xi32, #tpu.memory_space<vmem>>, %arg15: memref<2048xi32, #tpu.memory_space<vmem>>, %arg16: memref<2048xi32, #tpu.memory_space<vmem>>, %arg17: memref<16x128xf32, #tpu.memory_space<vmem>>, %arg18: memref<16x128xf32, #tpu.memory_space<vmem>>, %arg19: memref<16x128xf32, #tpu.memory_space<vmem>>, %arg20: memref<128xf32, #tpu.memory_space<vmem>>, %arg21: memref<!tpu.dma_semaphore, #tpu.memory_space<semaphore_mem>>, %arg22: memref<!tpu.dma_semaphore, #tpu.memory_space<semaphore_mem>>, %arg23: memref<!tpu.dma_semaphore, #tpu.memory_space<semaphore_mem>>, %arg24: memref<!tpu.dma_semaphore, #tpu.memory_space<semaphore_mem>>, %arg25: memref<!tpu.dma_semaphore, #tpu.memory_space<semaphore_mem>>, %arg26: memref<!tpu.dma_semaphore, #tpu.memory_space<semaphore_mem>>, %arg27: memref<100352xf32, #tpu.memory_space<vmem_shared>>) attributes {dimension_semantics = [#tpu.dimension_semantics<core_parallel>, #tpu.dimension_semantics<subcore_parallel>], iteration_bounds = array<i64: 2, 16>, scalar_prefetch = 0 : i64, scratch_operands = 21 : i64, tpu.core_type = #tpu.core_type<sc_vector_subcore>, window_params = [{transform_indices = #map}, {transform_indices = #map1}, {transform_indices = #map1}, {transform_indices = #map}, {transform_indices = #map}]} {
    %mul3A = arith.constant 2 : i32
    %mul3A_0 = arith.muli %arg1, %mul3A : i32
    %add3A = arith.addi %mul3A_0, %arg0 : i32
    %broadcast_in_dim3A = arith.constant 0.000000e+00 : f32
    %broadcast_in_dim3A_1 = vector.broadcast %broadcast_in_dim3A : f32 to vector<16xf32>
    %swap3A = arith.constant 0 : index
    %swap3A_2 = tpu.vector_load %arg20[%swap3A] {strides = array<i32>} : memref<128xf32, #tpu.memory_space<vmem>>, vector<16xf32>,
    tpu.vector_store %arg20[%swap3A], %broadcast_in_dim3A_1 {strides = array<i32>} : memref<128xf32, #tpu.memory_space<vmem>>, vector<16xf32>,
    %broadcast_in_dim3A_3 = arith.constant 0.000000e+00 : f32
    %broadcast_in_dim3A_4 = vector.broadcast %broadcast_in_dim3A_3 : f32 to vector<16xf32>
    %swap3A_5 = arith.constant 16 : index
    %swap3A_6 = tpu.vector_load %arg20[%swap3A_5] {strides = array<i32>} : memref<128xf32, #tpu.memory_space<vmem>>, vector<16xf32>,
    tpu.vector_store %arg20[%swap3A_5], %broadcast_in_dim3A_4 {strides = array<i32>} : memref<128xf32, #tpu.memory_space<vmem>>, vector<16xf32>,
    %broadcast_in_dim3A_7 = arith.constant 0.000000e+00 : f32
    %broadcast_in_dim3A_8 = vector.broadcast %broadcast_in_dim3A_7 : f32 to vector<16xf32>
    %swap3A_9 = arith.constant 32 : index
    %swap3A_10 = tpu.vector_load %arg20[%swap3A_9] {strides = array<i32>} : memref<128xf32, #tpu.memory_space<vmem>>, vector<16xf32>,
    tpu.vector_store %arg20[%swap3A_9], %broadcast_in_dim3A_8 {strides = array<i32>} : memref<128xf32, #tpu.memory_space<vmem>>, vector<16xf32>,
    %broadcast_in_dim3A_11 = arith.constant 0.000000e+00 : f32
    %broadcast_in_dim3A_12 = vector.broadcast %broadcast_in_dim3A_11 : f32 to vector<16xf32>
    %swap3A_13 = arith.constant 48 : index
    %swap3A_14 = tpu.vector_load %arg20[%swap3A_13] {strides = array<i32>} : memref<128xf32, #tpu.memory_space<vmem>>, vector<16xf32>,
    tpu.vector_store %arg20[%swap3A_13], %broadcast_in_dim3A_12 {strides = array<i32>} : memref<128xf32, #tpu.memory_space<vmem>>, vector<16xf32>,
    %broadcast_in_dim3A_15 = arith.constant 0.000000e+00 : f32
    %broadcast_in_dim3A_16 = vector.broadcast %broadcast_in_dim3A_15 : f32 to vector<16xf32>
    %swap3A_17 = arith.constant 64 : index
    %swap3A_18 = tpu.vector_load %arg20[%swap3A_17] {strides = array<i32>} : memref<128xf32, #tpu.memory_space<vmem>>, vector<16xf32>,
    tpu.vector_store %arg20[%swap3A_17], %broadcast_in_dim3A_16 {strides = array<i32>} : memref<128xf32, #tpu.memory_space<vmem>>, vector<16xf32>,
    %broadcast_in_dim3A_19 = arith.constant 0.000000e+00 : f32
    %broadcast_in_dim3A_20 = vector.broadcast %broadcast_in_dim3A_19 : f32 to vector<16xf32>
    %swap3A_21 = arith.constant 80 : index
    %swap3A_22 = tpu.vector_load %arg20[%swap3A_21] {strides = array<i32>} : memref<128xf32, #tpu.memory_space<vmem>>, vector<16xf32>,
    tpu.vector_store %arg20[%swap3A_21], %broadcast_in_dim3A_20 {strides = array<i32>} : memref<128xf32, #tpu.memory_space<vmem>>, vector<16xf32>,
    %broadcast_in_dim3A_23 = arith.constant 0.000000e+00 : f32
    %broadcast_in_dim3A_24 = vector.broadcast %broadcast_in_dim3A_23 : f32 to vector<16xf32>
    %swap3A_25 = arith.constant 96 : index
    %swap3A_26 = tpu.vector_load %arg20[%swap3A_25] {strides = array<i32>} : memref<128xf32, #tpu.memory_space<vmem>>, vector<16xf32>,
    tpu.vector_store %arg20[%swap3A_25], %broadcast_in_dim3A_24 {strides = array<i32>} : memref<128xf32, #tpu.memory_space<vmem>>, vector<16xf32>,
    %broadcast_in_dim3A_27 = arith.constant 0.000000e+00 : f32
    %broadcast_in_dim3A_28 = vector.broadcast %broadcast_in_dim3A_27 : f32 to vector<16xf32>
    %swap3A_29 = arith.constant 112 : index
    %swap3A_30 = tpu.vector_load %arg20[%swap3A_29] {strides = array<i32>} : memref<128xf32, #tpu.memory_space<vmem>>, vector<16xf32>,
    tpu.vector_store %arg20[%swap3A_29], %broadcast_in_dim3A_28 {strides = array<i32>} : memref<128xf32, #tpu.memory_space<vmem>>, vector<16xf32>,
    %scan3A = arith.constant 0 : i32
    %scan3A_31 = arith.constant 0 : i32
    %scan3A_32 = arith.constant 49 : i32
    %scan3A_33 = arith.addi %scan3A_31, %scan3A_32 : i32
    %scan3A_34 = arith.constant 1 : i32
    scf.for %scan3A_61 = %scan3A_31 to %scan3A_33 step %scan3A_34  : i32 {
      %mul3A_62 = arith.constant 6272 : i32
      %mul3A_63 = arith.muli %arg1, %mul3A_62 : i32
      %mul3A_64 = arith.constant 128 : i32
      %mul3A_65 = arith.muli %scan3A_61, %mul3A_64 : i32
      %add3A_66 = arith.addi %mul3A_63, %mul3A_65 : i32
      "tpu.region"() ({
        %run_scoped3A = tpu.sem_alloc : memref<!tpu.dma_semaphore, #tpu.memory_space<semaphore_mem>>
        %dma_start3A = tpu.memref_slice %arg27[%add3A_66] : memref<100352xf32, #tpu.memory_space<vmem_shared>> -> memref<128xf32, #tpu.memory_space<vmem_shared>>
        %dma_start3A_67 = tpu.memref_slice %arg27[%add3A_66] : memref<100352xf32, #tpu.memory_space<vmem_shared>> -> memref<128xf32, #tpu.memory_space<vmem_shared>>
        tpu.enqueue_dma source(%arg20 : memref<128xf32, #tpu.memory_space<vmem>>) target(%dma_start3A_67 : memref<128xf32, #tpu.memory_space<vmem_shared>>) target_semaphore(%run_scoped3A : memref<!tpu.dma_semaphore, #tpu.memory_space<semaphore_mem>>)
        %dma_wait3A = tpu.memref_slice %arg27[%add3A_66] : memref<100352xf32, #tpu.memory_space<vmem_shared>> -> memref<128xf32, #tpu.memory_space<vmem_shared>>
        %dma_wait3A_68 = tpu.memref_slice %arg27[%add3A_66] : memref<100352xf32, #tpu.memory_space<vmem_shared>> -> memref<128xf32, #tpu.memory_space<vmem_shared>>
        tpu.wait_dma2 semaphore(%run_scoped3A : memref<!tpu.dma_semaphore, #tpu.memory_space<semaphore_mem>>) src(%arg20 : memref<128xf32, #tpu.memory_space<vmem>>) dst(%dma_wait3A_68 : memref<128xf32, #tpu.memory_space<vmem_shared>>)
        tpu.yield
      }) : () -> ()
    }
    %scan3A_35 = arith.constant 49 : i32
    "tpu.region"() ({
      %run_scoped3A = tpu.sem_alloc : memref<!tpu.dma_semaphore, #tpu.memory_space<semaphore_mem>>
      %dma_start3A = arith.constant 0 : i32
      %dma_start3A_61 = tpu.memref_slice %arg2[%dma_start3A] : memref<100352xf32, #tpu.memory_space<hbm>> -> memref<100000xf32, #tpu.memory_space<hbm>>
      %dma_start3A_62 = arith.constant 0 : i32
      %dma_start3A_63 = tpu.memref_slice %arg2[%dma_start3A_62] : memref<100352xf32, #tpu.memory_space<hbm>> -> memref<100000xf32, #tpu.memory_space<hbm>>
      tpu.enqueue_dma source(%dma_start3A_63 : memref<100000xf32, #tpu.memory_space<hbm>>) target(%arg7 : memref<100000xf32, #tpu.memory_space<vmem>>) target_semaphore(%run_scoped3A : memref<!tpu.dma_semaphore, #tpu.memory_space<semaphore_mem>>)
      %dma_wait3A = arith.constant 0 : i32
      %dma_wait3A_64 = tpu.memref_slice %arg2[%dma_wait3A] : memref<100352xf32, #tpu.memory_space<hbm>> -> memref<100000xf32, #tpu.memory_space<hbm>>
      %dma_wait3A_65 = arith.constant 0 : i32
      %dma_wait3A_66 = tpu.memref_slice %arg2[%dma_wait3A_65] : memref<100352xf32, #tpu.memory_space<hbm>> -> memref<100000xf32, #tpu.memory_space<hbm>>
      tpu.wait_dma2 semaphore(%run_scoped3A : memref<!tpu.dma_semaphore, #tpu.memory_space<semaphore_mem>>) src(%dma_wait3A_66 : memref<100000xf32, #tpu.memory_space<hbm>>) dst(%arg7 : memref<100000xf32, #tpu.memory_space<vmem>>)
      tpu.yield
    }) : () -> ()
    %barrier3A = arith.constant 0 : index
    tpu.barrier barrier_id(%barrier3A)
    %add3A_36 = arith.constant 0 : i32
    %add3A_37 = arith.addi %add3A, %add3A_36 : i32
    %lt3A = arith.constant 3125 : i32
    %lt3A_38 = arith.cmpi slt, %add3A_37, %lt3A : i32
    %convert_element_type3A = arith.extui %lt3A_38 : i1 to i32
    %cond3A = arith.constant 0 : i32
    %cond3A_39 = arith.cmpi ne, %convert_element_type3A, %cond3A : i32
    scf.if %cond3A_39 {
      %mul3A_61 = arith.constant 2048 : i32
      %mul3A_62 = arith.muli %add3A_37, %mul3A_61 : i32
      %dma_start3A = arith.constant 0 : i32
      %dma_start3A_63 = tpu.memref_slice %arg3[%dma_start3A, %mul3A_62] : memref<2x6400000xi32, #tpu.memory_space<hbm>> -> memref<1x2048xi32, #tpu.memory_space<hbm>>
      %dma_start3A_64 = tpu.memref_squeeze %dma_start3A_63 : memref<1x2048xi32, #tpu.memory_space<hbm>> -> memref<2048xi32, #tpu.memory_space<hbm>>
      %dma_start3A_65 = tpu.memref_slice %arg3[%dma_start3A, %mul3A_62] : memref<2x6400000xi32, #tpu.memory_space<hbm>> -> memref<1x2048xi32, #tpu.memory_space<hbm>>
      %dma_start3A_66 = tpu.memref_squeeze %dma_start3A_65 : memref<1x2048xi32, #tpu.memory_space<hbm>> -> memref<2048xi32, #tpu.memory_space<hbm>>
      tpu.enqueue_dma source(%dma_start3A_66 : memref<2048xi32, #tpu.memory_space<hbm>>) target(%arg8 : memref<2048xi32, #tpu.memory_space<vmem>>) target_semaphore(%arg21 : memref<!tpu.dma_semaphore, #tpu.memory_space<semaphore_mem>>)
      %mul3A_67 = arith.constant 2048 : i32
      %mul3A_68 = arith.muli %add3A_37, %mul3A_67 : i32
      %dma_start3A_69 = arith.constant 1 : i32
      %dma_start3A_70 = tpu.memref_slice %arg4[%dma_start3A_69, %mul3A_68] : memref<2x6400000xi32, #tpu.memory_space<hbm>> -> memref<1x2048xi32, #tpu.memory_space<hbm>>
      %dma_start3A_71 = tpu.memref_squeeze %dma_start3A_70 : memref<1x2048xi32, #tpu.memory_space<hbm>> -> memref<2048xi32, #tpu.memory_space<hbm>>
      %dma_start3A_72 = tpu.memref_slice %arg4[%dma_start3A_69, %mul3A_68] : memref<2x6400000xi32, #tpu.memory_space<hbm>> -> memref<1x2048xi32, #tpu.memory_space<hbm>>
      %dma_start3A_73 = tpu.memref_squeeze %dma_start3A_72 : memref<1x2048xi32, #tpu.memory_space<hbm>> -> memref<2048xi32, #tpu.memory_space<hbm>>
      tpu.enqueue_dma source(%dma_start3A_73 : memref<2048xi32, #tpu.memory_space<hbm>>) target(%arg14 : memref<2048xi32, #tpu.memory_space<vmem>>) target_semaphore(%arg21 : memref<!tpu.dma_semaphore, #tpu.memory_space<semaphore_mem>>)
      %mul3A_74 = arith.constant 2048 : i32
      %mul3A_75 = arith.muli %add3A_37, %mul3A_74 : i32
      %dma_start3A_76 = tpu.memref_slice %arg5[%mul3A_75] : memref<6400000xf32, #tpu.memory_space<hbm>> -> memref<2048xf32, #tpu.memory_space<hbm>>
      %dma_start3A_77 = tpu.memref_slice %arg5[%mul3A_75] : memref<6400000xf32, #tpu.memory_space<hbm>> -> memref<2048xf32, #tpu.memory_space<hbm>>
      tpu.enqueue_dma source(%dma_start3A_77 : memref<2048xf32, #tpu.memory_space<hbm>>) target(%arg11 : memref<2048xf32, #tpu.memory_space<vmem>>) target_semaphore(%arg21 : memref<!tpu.dma_semaphore, #tpu.memory_space<semaphore_mem>>)
    } else {
    }
    %add3A_40 = arith.constant 32 : i32
    %add3A_41 = arith.addi %add3A, %add3A_40 : i32
    %lt3A_42 = arith.constant 3125 : i32
    %lt3A_43 = arith.cmpi slt, %add3A_41, %lt3A_42 : i32
    %convert_element_type3A_44 = arith.extui %lt3A_43 : i1 to i32
    %cond3A_45 = arith.constant 0 : i32
    %cond3A_46 = arith.cmpi ne, %convert_element_type3A_44, %cond3A_45 : i32
    scf.if %cond3A_46 {
      %mul3A_61 = arith.constant 2048 : i32
      %mul3A_62 = arith.muli %add3A_41, %mul3A_61 : i32
      %dma_start3A = arith.constant 0 : i32
      %dma_start3A_63 = tpu.memref_slice %arg3[%dma_start3A, %mul3A_62] : memref<2x6400000xi32, #tpu.memory_space<hbm>> -> memref<1x2048xi32, #tpu.memory_space<hbm>>
      %dma_start3A_64 = tpu.memref_squeeze %dma_start3A_63 : memref<1x2048xi32, #tpu.memory_space<hbm>> -> memref<2048xi32, #tpu.memory_space<hbm>>
      %dma_start3A_65 = tpu.memref_slice %arg3[%dma_start3A, %mul3A_62] : memref<2x6400000xi32, #tpu.memory_space<hbm>> -> memref<1x2048xi32, #tpu.memory_space<hbm>>
      %dma_start3A_66 = tpu.memref_squeeze %dma_start3A_65 : memref<1x2048xi32, #tpu.memory_space<hbm>> -> memref<2048xi32, #tpu.memory_space<hbm>>
      tpu.enqueue_dma source(%dma_start3A_66 : memref<2048xi32, #tpu.memory_space<hbm>>) target(%arg9 : memref<2048xi32, #tpu.memory_space<vmem>>) target_semaphore(%arg22 : memref<!tpu.dma_semaphore, #tpu.memory_space<semaphore_mem>>)
      %mul3A_67 = arith.constant 2048 : i32
      %mul3A_68 = arith.muli %add3A_41, %mul3A_67 : i32
      %dma_start3A_69 = arith.constant 1 : i32
      %dma_start3A_70 = tpu.memref_slice %arg4[%dma_start3A_69, %mul3A_68] : memref<2x6400000xi32, #tpu.memory_space<hbm>> -> memref<1x2048xi32, #tpu.memory_space<hbm>>
      %dma_start3A_71 = tpu.memref_squeeze %dma_start3A_70 : memref<1x2048xi32, #tpu.memory_space<hbm>> -> memref<2048xi32, #tpu.memory_space<hbm>>
      %dma_start3A_72 = tpu.memref_slice %arg4[%dma_start3A_69, %mul3A_68] : memref<2x6400000xi32, #tpu.memory_space<hbm>> -> memref<1x2048xi32, #tpu.memory_space<hbm>>
      %dma_start3A_73 = tpu.memref_squeeze %dma_start3A_72 : memref<1x2048xi32, #tpu.memory_space<hbm>> -> memref<2048xi32, #tpu.memory_space<hbm>>
      tpu.enqueue_dma source(%dma_start3A_73 : memref<2048xi32, #tpu.memory_space<hbm>>) target(%arg15 : memref<2048xi32, #tpu.memory_space<vmem>>) target_semaphore(%arg22 : memref<!tpu.dma_semaphore, #tpu.memory_space<semaphore_mem>>)
      %mul3A_74 = arith.constant 2048 : i32
      %mul3A_75 = arith.muli %add3A_41, %mul3A_74 : i32
      %dma_start3A_76 = tpu.memref_slice %arg5[%mul3A_75] : memref<6400000xf32, #tpu.memory_space<hbm>> -> memref<2048xf32, #tpu.memory_space<hbm>>
      %dma_start3A_77 = tpu.memref_slice %arg5[%mul3A_75] : memref<6400000xf32, #tpu.memory_space<hbm>> -> memref<2048xf32, #tpu.memory_space<hbm>>
      tpu.enqueue_dma source(%dma_start3A_77 : memref<2048xf32, #tpu.memory_space<hbm>>) target(%arg12 : memref<2048xf32, #tpu.memory_space<vmem>>) target_semaphore(%arg22 : memref<!tpu.dma_semaphore, #tpu.memory_space<semaphore_mem>>)
    } else {
    }
    %scan3A_47 = arith.constant 0 : i32
    %scan3A_48 = arith.constant 0 : i32
    %scan3A_49 = arith.constant 33 : i32
    %scan3A_50 = arith.addi %scan3A_48, %scan3A_49 : i32
    %scan3A_51 = arith.constant 1 : i32
    scf.for %scan3A_61 = %scan3A_48 to %scan3A_50 step %scan3A_51  : i32 {
      %mul3A_62 = arith.constant 3 : i32
      %mul3A_63 = arith.muli %mul3A_62, %scan3A_61 : i32
      %add3A_64 = arith.constant 0 : i32
      %add3A_65 = arith.addi %mul3A_63, %add3A_64 : i32
      %mul3A_66 = arith.constant 32 : i32
      %mul3A_67 = arith.muli %mul3A_66, %add3A_65 : i32
      %add3A_68 = arith.addi %add3A, %mul3A_67 : i32
      %lt3A_69 = arith.constant 3125 : i32
      %lt3A_70 = arith.cmpi slt, %add3A_68, %lt3A_69 : i32
      %convert_element_type3A_71 = arith.extui %lt3A_70 : i1 to i32
      %cond3A_72 = arith.constant 0 : i32
      %cond3A_73 = arith.cmpi ne, %convert_element_type3A_71, %cond3A_72 : i32
      scf.if %cond3A_73 {
        %mul3A_160 = arith.constant 2048 : i32
        %mul3A_161 = arith.muli %add3A_68, %mul3A_160 : i32
        %dma_wait3A = arith.constant 0 : i32
        %dma_wait3A_162 = tpu.memref_slice %arg3[%dma_wait3A, %mul3A_161] : memref<2x6400000xi32, #tpu.memory_space<hbm>> -> memref<1x2048xi32, #tpu.memory_space<hbm>>
        %dma_wait3A_163 = tpu.memref_squeeze %dma_wait3A_162 : memref<1x2048xi32, #tpu.memory_space<hbm>> -> memref<2048xi32, #tpu.memory_space<hbm>>
        %dma_wait3A_164 = tpu.memref_slice %arg3[%dma_wait3A, %mul3A_161] : memref<2x6400000xi32, #tpu.memory_space<hbm>> -> memref<1x2048xi32, #tpu.memory_space<hbm>>
        %dma_wait3A_165 = tpu.memref_squeeze %dma_wait3A_164 : memref<1x2048xi32, #tpu.memory_space<hbm>> -> memref<2048xi32, #tpu.memory_space<hbm>>
        tpu.wait_dma2 semaphore(%arg21 : memref<!tpu.dma_semaphore, #tpu.memory_space<semaphore_mem>>) src(%dma_wait3A_165 : memref<2048xi32, #tpu.memory_space<hbm>>) dst(%arg8 : memref<2048xi32, #tpu.memory_space<vmem>>)
        %mul3A_166 = arith.constant 2048 : i32
        %mul3A_167 = arith.muli %add3A_68, %mul3A_166 : i32
        %dma_wait3A_168 = arith.constant 1 : i32
        %dma_wait3A_169 = tpu.memref_slice %arg4[%dma_wait3A_168, %mul3A_167] : memref<2x6400000xi32, #tpu.memory_space<hbm>> -> memref<1x2048xi32, #tpu.memory_space<hbm>>
        %dma_wait3A_170 = tpu.memref_squeeze %dma_wait3A_169 : memref<1x2048xi32, #tpu.memory_space<hbm>> -> memref<2048xi32, #tpu.memory_space<hbm>>
        %dma_wait3A_171 = tpu.memref_slice %arg4[%dma_wait3A_168, %mul3A_167] : memref<2x6400000xi32, #tpu.memory_space<hbm>> -> memref<1x2048xi32, #tpu.memory_space<hbm>>
        %dma_wait3A_172 = tpu.memref_squeeze %dma_wait3A_171 : memref<1x2048xi32, #tpu.memory_space<hbm>> -> memref<2048xi32, #tpu.memory_space<hbm>>
        tpu.wait_dma2 semaphore(%arg21 : memref<!tpu.dma_semaphore, #tpu.memory_space<semaphore_mem>>) src(%dma_wait3A_172 : memref<2048xi32, #tpu.memory_space<hbm>>) dst(%arg14 : memref<2048xi32, #tpu.memory_space<vmem>>)
        %mul3A_173 = arith.constant 2048 : i32
        %mul3A_174 = arith.muli %add3A_68, %mul3A_173 : i32
        %dma_wait3A_175 = tpu.memref_slice %arg5[%mul3A_174] : memref<6400000xf32, #tpu.memory_space<hbm>> -> memref<2048xf32, #tpu.memory_space<hbm>>
        %dma_wait3A_176 = tpu.memref_slice %arg5[%mul3A_174] : memref<6400000xf32, #tpu.memory_space<hbm>> -> memref<2048xf32, #tpu.memory_space<hbm>>
        tpu.wait_dma2 semaphore(%arg21 : memref<!tpu.dma_semaphore, #tpu.memory_space<semaphore_mem>>) src(%dma_wait3A_176 : memref<2048xf32, #tpu.memory_space<hbm>>) dst(%arg11 : memref<2048xf32, #tpu.memory_space<vmem>>)
        %scan3A_177 = arith.constant 0 : i32
        %scan3A_178 = arith.constant 0 : i32
        %scan3A_179 = arith.constant 16 : i32
        %scan3A_180 = arith.addi %scan3A_178, %scan3A_179 : i32
        %scan3A_181 = arith.constant 1 : i32
        scf.for %scan3A_183 = %scan3A_178 to %scan3A_180 step %scan3A_181  : i32 {
          %mul3A_184 = arith.constant 128 : i32
          %mul3A_185 = arith.muli %scan3A_183, %mul3A_184 : i32
          %add3A_186 = arith.constant 0 : i32
          %add3A_187 = arith.addi %mul3A_185, %add3A_186 : i32
          %get3A = arith.index_cast %add3A_187 : i32 to index
          %get3A_188 = tpu.vector_load %arg8[%get3A] {strides = array<i32>} : memref<2048xi32, #tpu.memory_space<vmem>>, vector<16xi32>,
          %get3A_189 = arith.index_cast %add3A_187 : i32 to index
          %get3A_190 = tpu.vector_load %arg11[%get3A_189] {strides = array<i32>} : memref<2048xf32, #tpu.memory_space<vmem>>, vector<16xf32>,
          %gather3A = tpu.vector_load_idx %arg7[%get3A_188] : memref<100000xf32, #tpu.memory_space<vmem>>[vector<16xi32>], vector<16xf32>,
          %mul3A_191 = arith.mulf %get3A_190, %gather3A : vector<16xf32>
          %swap3A_192 = arith.index_cast %scan3A_183 : i32 to index
          %swap3A_193 = arith.constant 0 : index
          %swap3A_194 = tpu.vector_load %arg17[%swap3A_192, %swap3A_193] {strides = array<i32>} : memref<16x128xf32, #tpu.memory_space<vmem>>, vector<16xf32>,
          tpu.vector_store %arg17[%swap3A_192, %swap3A_193], %mul3A_191 {strides = array<i32>} : memref<16x128xf32, #tpu.memory_space<vmem>>, vector<16xf32>,
          %mul3A_195 = arith.constant 128 : i32
          %mul3A_196 = arith.muli %scan3A_183, %mul3A_195 : i32
          %add3A_197 = arith.constant 16 : i32
          %add3A_198 = arith.addi %mul3A_196, %add3A_197 : i32
          %get3A_199 = arith.index_cast %add3A_198 : i32 to index
          %get3A_200 = tpu.vector_load %arg8[%get3A_199] {strides = array<i32>} : memref<2048xi32, #tpu.memory_space<vmem>>, vector<16xi32>,
          %get3A_201 = arith.index_cast %add3A_198 : i32 to index
          %get3A_202 = tpu.vector_load %arg11[%get3A_201] {strides = array<i32>} : memref<2048xf32, #tpu.memory_space<vmem>>, vector<16xf32>,
          %gather3A_203 = tpu.vector_load_idx %arg7[%get3A_200] : memref<100000xf32, #tpu.memory_space<vmem>>[vector<16xi32>], vector<16xf32>,
          %mul3A_204 = arith.mulf %get3A_202, %gather3A_203 : vector<16xf32>
          %swap3A_205 = arith.index_cast %scan3A_183 : i32 to index
          %swap3A_206 = arith.constant 16 : index
          %swap3A_207 = tpu.vector_load %arg17[%swap3A_205, %swap3A_206] {strides = array<i32>} : memref<16x128xf32, #tpu.memory_space<vmem>>, vector<16xf32>,
          tpu.vector_store %arg17[%swap3A_205, %swap3A_206], %mul3A_204 {strides = array<i32>} : memref<16x128xf32, #tpu.memory_space<vmem>>, vector<16xf32>,
          %mul3A_208 = arith.constant 128 : i32
          %mul3A_209 = arith.muli %scan3A_183, %mul3A_208 : i32
          %add3A_210 = arith.constant 32 : i32
          %add3A_211 = arith.addi %mul3A_209, %add3A_210 : i32
          %get3A_212 = arith.index_cast %add3A_211 : i32 to index
          %get3A_213 = tpu.vector_load %arg8[%get3A_212] {strides = array<i32>} : memref<2048xi32, #tpu.memory_space<vmem>>, vector<16xi32>,
          %get3A_214 = arith.index_cast %add3A_211 : i32 to index
          %get3A_215 = tpu.vector_load %arg11[%get3A_214] {strides = array<i32>} : memref<2048xf32, #tpu.memory_space<vmem>>, vector<16xf32>,
          %gather3A_216 = tpu.vector_load_idx %arg7[%get3A_213] : memref<100000xf32, #tpu.memory_space<vmem>>[vector<16xi32>], vector<16xf32>,
          %mul3A_217 = arith.mulf %get3A_215, %gather3A_216 : vector<16xf32>
          %swap3A_218 = arith.index_cast %scan3A_183 : i32 to index
          %swap3A_219 = arith.constant 32 : index
          %swap3A_220 = tpu.vector_load %arg17[%swap3A_218, %swap3A_219] {strides = array<i32>} : memref<16x128xf32, #tpu.memory_space<vmem>>, vector<16xf32>,
          tpu.vector_store %arg17[%swap3A_218, %swap3A_219], %mul3A_217 {strides = array<i32>} : memref<16x128xf32, #tpu.memory_space<vmem>>, vector<16xf32>,
          %mul3A_221 = arith.constant 128 : i32
          %mul3A_222 = arith.muli %scan3A_183, %mul3A_221 : i32
          %add3A_223 = arith.constant 48 : i32
          %add3A_224 = arith.addi %mul3A_222, %add3A_223 : i32
          %get3A_225 = arith.index_cast %add3A_224 : i32 to index
          %get3A_226 = tpu.vector_load %arg8[%get3A_225] {strides = array<i32>} : memref<2048xi32, #tpu.memory_space<vmem>>, vector<16xi32>,
          %get3A_227 = arith.index_cast %add3A_224 : i32 to index
          %get3A_228 = tpu.vector_load %arg11[%get3A_227] {strides = array<i32>} : memref<2048xf32, #tpu.memory_space<vmem>>, vector<16xf32>,
          %gather3A_229 = tpu.vector_load_idx %arg7[%get3A_226] : memref<100000xf32, #tpu.memory_space<vmem>>[vector<16xi32>], vector<16xf32>,
          %mul3A_230 = arith.mulf %get3A_228, %gather3A_229 : vector<16xf32>
          %swap3A_231 = arith.index_cast %scan3A_183 : i32 to index
          %swap3A_232 = arith.constant 48 : index
          %swap3A_233 = tpu.vector_load %arg17[%swap3A_231, %swap3A_232] {strides = array<i32>} : memref<16x128xf32, #tpu.memory_space<vmem>>, vector<16xf32>,
          tpu.vector_store %arg17[%swap3A_231, %swap3A_232], %mul3A_230 {strides = array<i32>} : memref<16x128xf32, #tpu.memory_space<vmem>>, vector<16xf32>,
          %mul3A_234 = arith.constant 128 : i32
          %mul3A_235 = arith.muli %scan3A_183, %mul3A_234 : i32
          %add3A_236 = arith.constant 64 : i32
          %add3A_237 = arith.addi %mul3A_235, %add3A_236 : i32
          %get3A_238 = arith.index_cast %add3A_237 : i32 to index
          %get3A_239 = tpu.vector_load %arg8[%get3A_238] {strides = array<i32>} : memref<2048xi32, #tpu.memory_space<vmem>>, vector<16xi32>,
          %get3A_240 = arith.index_cast %add3A_237 : i32 to index
          %get3A_241 = tpu.vector_load %arg11[%get3A_240] {strides = array<i32>} : memref<2048xf32, #tpu.memory_space<vmem>>, vector<16xf32>,
          %gather3A_242 = tpu.vector_load_idx %arg7[%get3A_239] : memref<100000xf32, #tpu.memory_space<vmem>>[vector<16xi32>], vector<16xf32>,
          %mul3A_243 = arith.mulf %get3A_241, %gather3A_242 : vector<16xf32>
          %swap3A_244 = arith.index_cast %scan3A_183 : i32 to index
          %swap3A_245 = arith.constant 64 : index
          %swap3A_246 = tpu.vector_load %arg17[%swap3A_244, %swap3A_245] {strides = array<i32>} : memref<16x128xf32, #tpu.memory_space<vmem>>, vector<16xf32>,
          tpu.vector_store %arg17[%swap3A_244, %swap3A_245], %mul3A_243 {strides = array<i32>} : memref<16x128xf32, #tpu.memory_space<vmem>>, vector<16xf32>,
          %mul3A_247 = arith.constant 128 : i32
          %mul3A_248 = arith.muli %scan3A_183, %mul3A_247 : i32
          %add3A_249 = arith.constant 80 : i32
          %add3A_250 = arith.addi %mul3A_248, %add3A_249 : i32
          %get3A_251 = arith.index_cast %add3A_250 : i32 to index
          %get3A_252 = tpu.vector_load %arg8[%get3A_251] {strides = array<i32>} : memref<2048xi32, #tpu.memory_space<vmem>>, vector<16xi32>,
          %get3A_253 = arith.index_cast %add3A_250 : i32 to index
          %get3A_254 = tpu.vector_load %arg11[%get3A_253] {strides = array<i32>} : memref<2048xf32, #tpu.memory_space<vmem>>, vector<16xf32>,
          %gather3A_255 = tpu.vector_load_idx %arg7[%get3A_252] : memref<100000xf32, #tpu.memory_space<vmem>>[vector<16xi32>], vector<16xf32>,
          %mul3A_256 = arith.mulf %get3A_254, %gather3A_255 : vector<16xf32>
          %swap3A_257 = arith.index_cast %scan3A_183 : i32 to index
          %swap3A_258 = arith.constant 80 : index
          %swap3A_259 = tpu.vector_load %arg17[%swap3A_257, %swap3A_258] {strides = array<i32>} : memref<16x128xf32, #tpu.memory_space<vmem>>, vector<16xf32>,
          tpu.vector_store %arg17[%swap3A_257, %swap3A_258], %mul3A_256 {strides = array<i32>} : memref<16x128xf32, #tpu.memory_space<vmem>>, vector<16xf32>,
          %mul3A_260 = arith.constant 128 : i32
          %mul3A_261 = arith.muli %scan3A_183, %mul3A_260 : i32
          %add3A_262 = arith.constant 96 : i32
          %add3A_263 = arith.addi %mul3A_261, %add3A_262 : i32
          %get3A_264 = arith.index_cast %add3A_263 : i32 to index
          %get3A_265 = tpu.vector_load %arg8[%get3A_264] {strides = array<i32>} : memref<2048xi32, #tpu.memory_space<vmem>>, vector<16xi32>,
          %get3A_266 = arith.index_cast %add3A_263 : i32 to index
          %get3A_267 = tpu.vector_load %arg11[%get3A_266] {strides = array<i32>} : memref<2048xf32, #tpu.memory_space<vmem>>, vector<16xf32>,
          %gather3A_268 = tpu.vector_load_idx %arg7[%get3A_265] : memref<100000xf32, #tpu.memory_space<vmem>>[vector<16xi32>], vector<16xf32>,
          %mul3A_269 = arith.mulf %get3A_267, %gather3A_268 : vector<16xf32>
          %swap3A_270 = arith.index_cast %scan3A_183 : i32 to index
          %swap3A_271 = arith.constant 96 : index
          %swap3A_272 = tpu.vector_load %arg17[%swap3A_270, %swap3A_271] {strides = array<i32>} : memref<16x128xf32, #tpu.memory_space<vmem>>, vector<16xf32>,
          tpu.vector_store %arg17[%swap3A_270, %swap3A_271], %mul3A_269 {strides = array<i32>} : memref<16x128xf32, #tpu.memory_space<vmem>>, vector<16xf32>,
          %mul3A_273 = arith.constant 128 : i32
          %mul3A_274 = arith.muli %scan3A_183, %mul3A_273 : i32
          %add3A_275 = arith.constant 112 : i32
          %add3A_276 = arith.addi %mul3A_274, %add3A_275 : i32
          %get3A_277 = arith.index_cast %add3A_276 : i32 to index
          %get3A_278 = tpu.vector_load %arg8[%get3A_277] {strides = array<i32>} : memref<2048xi32, #tpu.memory_space<vmem>>, vector<16xi32>,
          %get3A_279 = arith.index_cast %add3A_276 : i32 to index
          %get3A_280 = tpu.vector_load %arg11[%get3A_279] {strides = array<i32>} : memref<2048xf32, #tpu.memory_space<vmem>>, vector<16xf32>,
          %gather3A_281 = tpu.vector_load_idx %arg7[%get3A_278] : memref<100000xf32, #tpu.memory_space<vmem>>[vector<16xi32>], vector<16xf32>,
          %mul3A_282 = arith.mulf %get3A_280, %gather3A_281 : vector<16xf32>
          %swap3A_283 = arith.index_cast %scan3A_183 : i32 to index
          %swap3A_284 = arith.constant 112 : index
          %swap3A_285 = tpu.vector_load %arg17[%swap3A_283, %swap3A_284] {strides = array<i32>} : memref<16x128xf32, #tpu.memory_space<vmem>>, vector<16xf32>,
          tpu.vector_store %arg17[%swap3A_283, %swap3A_284], %mul3A_282 {strides = array<i32>} : memref<16x128xf32, #tpu.memory_space<vmem>>, vector<16xf32>,
          %mul3A_286 = arith.constant 128 : i32
          %mul3A_287 = arith.muli %scan3A_183, %mul3A_286 : i32
          %dma_start3A = arith.constant 0 : i32
          %dma_start3A_288 = tpu.memref_slice %arg17[%scan3A_183, %dma_start3A] : memref<16x128xf32, #tpu.memory_space<vmem>> -> memref<1x128xf32, #tpu.memory_space<vmem>>
          %dma_start3A_289 = tpu.memref_squeeze %dma_start3A_288 : memref<1x128xf32, #tpu.memory_space<vmem>> -> memref<128xf32, #tpu.memory_space<vmem>>
          %dma_start3A_290 = tpu.memref_slice %arg14[%mul3A_287] : memref<2048xi32, #tpu.memory_space<vmem>> -> memref<128xi32, #tpu.memory_space<vmem>>
          %dma_start3A_291 = arith.constant 0 : i32
          %dma_start3A_292 = tpu.memref_slice %arg27[%dma_start3A_291] : memref<100352xf32, #tpu.memory_space<vmem_shared>> -> memref<100352xf32, #tpu.memory_space<vmem_shared>>
          tpu.enqueue_indirect_dma source(%dma_start3A_289 : memref<128xf32, #tpu.memory_space<vmem>>) target(%dma_start3A_292 : memref<100352xf32, #tpu.memory_space<vmem_shared>>) offsets(%dma_start3A_290 : memref<128xi32, #tpu.memory_space<vmem>>) semaphore(%arg24 : memref<!tpu.dma_semaphore, #tpu.memory_space<semaphore_mem>>) {add = true}
        }
        %scan3A_182 = arith.constant 16 : i32
      } else {
      }
      %sub3A = arith.constant 1 : i32
      %sub3A_74 = arith.subi %add3A_65, %sub3A : i32
      %ge3A = arith.constant 0 : i32
      %ge3A_75 = arith.cmpi sge, %sub3A_74, %ge3A : i32
      %mul3A_76 = arith.constant 32 : i32
      %mul3A_77 = arith.muli %mul3A_76, %sub3A_74 : i32
      %add3A_78 = arith.addi %add3A, %mul3A_77 : i32
      %lt3A_79 = arith.constant 3125 : i32
      %lt3A_80 = arith.cmpi slt, %add3A_78, %lt3A_79 : i32
      %and3A = arith.andi %ge3A_75, %lt3A_80 : i1
      %convert_element_type3A_81 = arith.extui %and3A : i1 to i32
      %cond3A_82 = arith.constant 0 : i32
      %cond3A_83 = arith.cmpi ne, %convert_element_type3A_81, %cond3A_82 : i32
      scf.if %cond3A_83 {
        %dma_wait3A = arith.constant 0 : i32
        %dma_wait3A_160 = tpu.memref_slice %arg2[%dma_wait3A] : memref<100352xf32, #tpu.memory_space<hbm>> -> memref<2048xf32, #tpu.memory_space<hbm>>
        %dma_wait3A_161 = arith.constant 0 : i32
        %dma_wait3A_162 = tpu.memref_slice %arg2[%dma_wait3A_161] : memref<100352xf32, #tpu.memory_space<hbm>> -> memref<2048xf32, #tpu.memory_space<hbm>>
        tpu.wait_dma2 semaphore(%arg26 : memref<!tpu.dma_semaphore, #tpu.memory_space<semaphore_mem>>) src(%dma_wait3A_162 : memref<2048xf32, #tpu.memory_space<hbm>>) dst(%arg13 : memref<2048xf32, #tpu.memory_space<vmem>>)
      } else {
      }
      %add3A_84 = arith.constant 2 : i32
      %add3A_85 = arith.addi %add3A_65, %add3A_84 : i32
      %mul3A_86 = arith.constant 32 : i32
      %mul3A_87 = arith.muli %mul3A_86, %add3A_85 : i32
      %add3A_88 = arith.addi %add3A, %mul3A_87 : i32
      %lt3A_89 = arith.constant 3125 : i32
      %lt3A_90 = arith.cmpi slt, %add3A_88, %lt3A_89 : i32
      %convert_element_type3A_91 = arith.extui %lt3A_90 : i1 to i32
      %cond3A_92 = arith.constant 0 : i32
      %cond3A_93 = arith.cmpi ne, %convert_element_type3A_91, %cond3A_92 : i32
      scf.if %cond3A_93 {
        %mul3A_160 = arith.constant 2048 : i32
        %mul3A_161 = arith.muli %add3A_88, %mul3A_160 : i32
        %dma_start3A = arith.constant 0 : i32
        %dma_start3A_162 = tpu.memref_slice %arg3[%dma_start3A, %mul3A_161] : memref<2x6400000xi32, #tpu.memory_space<hbm>> -> memref<1x2048xi32, #tpu.memory_space<hbm>>
        %dma_start3A_163 = tpu.memref_squeeze %dma_start3A_162 : memref<1x2048xi32, #tpu.memory_space<hbm>> -> memref<2048xi32, #tpu.memory_space<hbm>>
        %dma_start3A_164 = tpu.memref_slice %arg3[%dma_start3A, %mul3A_161] : memref<2x6400000xi32, #tpu.memory_space<hbm>> -> memref<1x2048xi32, #tpu.memory_space<hbm>>
        %dma_start3A_165 = tpu.memref_squeeze %dma_start3A_164 : memref<1x2048xi32, #tpu.memory_space<hbm>> -> memref<2048xi32, #tpu.memory_space<hbm>>
        tpu.enqueue_dma source(%dma_start3A_165 : memref<2048xi32, #tpu.memory_space<hbm>>) target(%arg10 : memref<2048xi32, #tpu.memory_space<vmem>>) target_semaphore(%arg23 : memref<!tpu.dma_semaphore, #tpu.memory_space<semaphore_mem>>)
        %mul3A_166 = arith.constant 2048 : i32
        %mul3A_167 = arith.muli %add3A_88, %mul3A_166 : i32
        %dma_start3A_168 = arith.constant 1 : i32
        %dma_start3A_169 = tpu.memref_slice %arg4[%dma_start3A_168, %mul3A_167] : memref<2x6400000xi32, #tpu.memory_space<hbm>> -> memref<1x2048xi32, #tpu.memory_space<hbm>>
        %dma_start3A_170 = tpu.memref_squeeze %dma_start3A_169 : memref<1x2048xi32, #tpu.memory_space<hbm>> -> memref<2048xi32, #tpu.memory_space<hbm>>
        %dma_start3A_171 = tpu.memref_slice %arg4[%dma_start3A_168, %mul3A_167] : memref<2x6400000xi32, #tpu.memory_space<hbm>> -> memref<1x2048xi32, #tpu.memory_space<hbm>>
        %dma_start3A_172 = tpu.memref_squeeze %dma_start3A_171 : memref<1x2048xi32, #tpu.memory_space<hbm>> -> memref<2048xi32, #tpu.memory_space<hbm>>
        tpu.enqueue_dma source(%dma_start3A_172 : memref<2048xi32, #tpu.memory_space<hbm>>) target(%arg16 : memref<2048xi32, #tpu.memory_space<vmem>>) target_semaphore(%arg23 : memref<!tpu.dma_semaphore, #tpu.memory_space<semaphore_mem>>)
        %mul3A_173 = arith.constant 2048 : i32
        %mul3A_174 = arith.muli %add3A_88, %mul3A_173 : i32
        %dma_start3A_175 = tpu.memref_slice %arg5[%mul3A_174] : memref<6400000xf32, #tpu.memory_space<hbm>> -> memref<2048xf32, #tpu.memory_space<hbm>>
        %dma_start3A_176 = tpu.memref_slice %arg5[%mul3A_174] : memref<6400000xf32, #tpu.memory_space<hbm>> -> memref<2048xf32, #tpu.memory_space<hbm>>
        tpu.enqueue_dma source(%dma_start3A_176 : memref<2048xf32, #tpu.memory_space<hbm>>) target(%arg13 : memref<2048xf32, #tpu.memory_space<vmem>>) target_semaphore(%arg23 : memref<!tpu.dma_semaphore, #tpu.memory_space<semaphore_mem>>)
      } else {
      }
      %add3A_94 = arith.constant 1 : i32
      %add3A_95 = arith.addi %mul3A_63, %add3A_94 : i32
      %mul3A_96 = arith.constant 32 : i32
      %mul3A_97 = arith.muli %mul3A_96, %add3A_95 : i32
      %add3A_98 = arith.addi %add3A, %mul3A_97 : i32
      %lt3A_99 = arith.constant 3125 : i32
      %lt3A_100 = arith.cmpi slt, %add3A_98, %lt3A_99 : i32
      %convert_element_type3A_101 = arith.extui %lt3A_100 : i1 to i32
      %cond3A_102 = arith.constant 0 : i32
      %cond3A_103 = arith.cmpi ne, %convert_element_type3A_101, %cond3A_102 : i32
      scf.if %cond3A_103 {
        %mul3A_160 = arith.constant 2048 : i32
        %mul3A_161 = arith.muli %add3A_98, %mul3A_160 : i32
        %dma_wait3A = arith.constant 0 : i32
        %dma_wait3A_162 = tpu.memref_slice %arg3[%dma_wait3A, %mul3A_161] : memref<2x6400000xi32, #tpu.memory_space<hbm>> -> memref<1x2048xi32, #tpu.memory_space<hbm>>
        %dma_wait3A_163 = tpu.memref_squeeze %dma_wait3A_162 : memref<1x2048xi32, #tpu.memory_space<hbm>> -> memref<2048xi32, #tpu.memory_space<hbm>>
        %dma_wait3A_164 = tpu.memref_slice %arg3[%dma_wait3A, %mul3A_161] : memref<2x6400000xi32, #tpu.memory_space<hbm>> -> memref<1x2048xi32, #tpu.memory_space<hbm>>
        %dma_wait3A_165 = tpu.memref_squeeze %dma_wait3A_164 : memref<1x2048xi32, #tpu.memory_space<hbm>> -> memref<2048xi32, #tpu.memory_space<hbm>>
        tpu.wait_dma2 semaphore(%arg22 : memref<!tpu.dma_semaphore, #tpu.memory_space<semaphore_mem>>) src(%dma_wait3A_165 : memref<2048xi32, #tpu.memory_space<hbm>>) dst(%arg9 : memref<2048xi32, #tpu.memory_space<vmem>>)
        %mul3A_166 = arith.constant 2048 : i32
        %mul3A_167 = arith.muli %add3A_98, %mul3A_166 : i32
        %dma_wait3A_168 = arith.constant 1 : i32
        %dma_wait3A_169 = tpu.memref_slice %arg4[%dma_wait3A_168, %mul3A_167] : memref<2x6400000xi32, #tpu.memory_space<hbm>> -> memref<1x2048xi32, #tpu.memory_space<hbm>>
        %dma_wait3A_170 = tpu.memref_squeeze %dma_wait3A_169 : memref<1x2048xi32, #tpu.memory_space<hbm>> -> memref<2048xi32, #tpu.memory_space<hbm>>
        %dma_wait3A_171 = tpu.memref_slice %arg4[%dma_wait3A_168, %mul3A_167] : memref<2x6400000xi32, #tpu.memory_space<hbm>> -> memref<1x2048xi32, #tpu.memory_space<hbm>>
        %dma_wait3A_172 = tpu.memref_squeeze %dma_wait3A_171 : memref<1x2048xi32, #tpu.memory_space<hbm>> -> memref<2048xi32, #tpu.memory_space<hbm>>
        tpu.wait_dma2 semaphore(%arg22 : memref<!tpu.dma_semaphore, #tpu.memory_space<semaphore_mem>>) src(%dma_wait3A_172 : memref<2048xi32, #tpu.memory_space<hbm>>) dst(%arg15 : memref<2048xi32, #tpu.memory_space<vmem>>)
        %mul3A_173 = arith.constant 2048 : i32
        %mul3A_174 = arith.muli %add3A_98, %mul3A_173 : i32
        %dma_wait3A_175 = tpu.memref_slice %arg5[%mul3A_174] : memref<6400000xf32, #tpu.memory_space<hbm>> -> memref<2048xf32, #tpu.memory_space<hbm>>
        %dma_wait3A_176 = tpu.memref_slice %arg5[%mul3A_174] : memref<6400000xf32, #tpu.memory_space<hbm>> -> memref<2048xf32, #tpu.memory_space<hbm>>
        tpu.wait_dma2 semaphore(%arg22 : memref<!tpu.dma_semaphore, #tpu.memory_space<semaphore_mem>>) src(%dma_wait3A_176 : memref<2048xf32, #tpu.memory_space<hbm>>) dst(%arg12 : memref<2048xf32, #tpu.memory_space<vmem>>)
        %scan3A_177 = arith.constant 0 : i32
        %scan3A_178 = arith.constant 0 : i32
        %scan3A_179 = arith.constant 16 : i32
        %scan3A_180 = arith.addi %scan3A_178, %scan3A_179 : i32
        %scan3A_181 = arith.constant 1 : i32
        scf.for %scan3A_183 = %scan3A_178 to %scan3A_180 step %scan3A_181  : i32 {
          %mul3A_184 = arith.constant 128 : i32
          %mul3A_185 = arith.muli %scan3A_183, %mul3A_184 : i32
          %add3A_186 = arith.constant 0 : i32
          %add3A_187 = arith.addi %mul3A_185, %add3A_186 : i32
          %get3A = arith.index_cast %add3A_187 : i32 to index
          %get3A_188 = tpu.vector_load %arg9[%get3A] {strides = array<i32>} : memref<2048xi32, #tpu.memory_space<vmem>>, vector<16xi32>,
          %get3A_189 = arith.index_cast %add3A_187 : i32 to index
          %get3A_190 = tpu.vector_load %arg12[%get3A_189] {strides = array<i32>} : memref<2048xf32, #tpu.memory_space<vmem>>, vector<16xf32>,
          %gather3A = tpu.vector_load_idx %arg7[%get3A_188] : memref<100000xf32, #tpu.memory_space<vmem>>[vector<16xi32>], vector<16xf32>,
          %mul3A_191 = arith.mulf %get3A_190, %gather3A : vector<16xf32>
          %swap3A_192 = arith.index_cast %scan3A_183 : i32 to index
          %swap3A_193 = arith.constant 0 : index
          %swap3A_194 = tpu.vector_load %arg18[%swap3A_192, %swap3A_193] {strides = array<i32>} : memref<16x128xf32, #tpu.memory_space<vmem>>, vector<16xf32>,
          tpu.vector_store %arg18[%swap3A_192, %swap3A_193], %mul3A_191 {strides = array<i32>} : memref<16x128xf32, #tpu.memory_space<vmem>>, vector<16xf32>,
          %mul3A_195 = arith.constant 128 : i32
          %mul3A_196 = arith.muli %scan3A_183, %mul3A_195 : i32
          %add3A_197 = arith.constant 16 : i32
          %add3A_198 = arith.addi %mul3A_196, %add3A_197 : i32
          %get3A_199 = arith.index_cast %add3A_198 : i32 to index
          %get3A_200 = tpu.vector_load %arg9[%get3A_199] {strides = array<i32>} : memref<2048xi32, #tpu.memory_space<vmem>>, vector<16xi32>,
          %get3A_201 = arith.index_cast %add3A_198 : i32 to index
          %get3A_202 = tpu.vector_load %arg12[%get3A_201] {strides = array<i32>} : memref<2048xf32, #tpu.memory_space<vmem>>, vector<16xf32>,
          %gather3A_203 = tpu.vector_load_idx %arg7[%get3A_200] : memref<100000xf32, #tpu.memory_space<vmem>>[vector<16xi32>], vector<16xf32>,
          %mul3A_204 = arith.mulf %get3A_202, %gather3A_203 : vector<16xf32>
          %swap3A_205 = arith.index_cast %scan3A_183 : i32 to index
          %swap3A_206 = arith.constant 16 : index
          %swap3A_207 = tpu.vector_load %arg18[%swap3A_205, %swap3A_206] {strides = array<i32>} : memref<16x128xf32, #tpu.memory_space<vmem>>, vector<16xf32>,
          tpu.vector_store %arg18[%swap3A_205, %swap3A_206], %mul3A_204 {strides = array<i32>} : memref<16x128xf32, #tpu.memory_space<vmem>>, vector<16xf32>,
          %mul3A_208 = arith.constant 128 : i32
          %mul3A_209 = arith.muli %scan3A_183, %mul3A_208 : i32
          %add3A_210 = arith.constant 32 : i32
          %add3A_211 = arith.addi %mul3A_209, %add3A_210 : i32
          %get3A_212 = arith.index_cast %add3A_211 : i32 to index
          %get3A_213 = tpu.vector_load %arg9[%get3A_212] {strides = array<i32>} : memref<2048xi32, #tpu.memory_space<vmem>>, vector<16xi32>,
          %get3A_214 = arith.index_cast %add3A_211 : i32 to index
          %get3A_215 = tpu.vector_load %arg12[%get3A_214] {strides = array<i32>} : memref<2048xf32, #tpu.memory_space<vmem>>, vector<16xf32>,
          %gather3A_216 = tpu.vector_load_idx %arg7[%get3A_213] : memref<100000xf32, #tpu.memory_space<vmem>>[vector<16xi32>], vector<16xf32>,
          %mul3A_217 = arith.mulf %get3A_215, %gather3A_216 : vector<16xf32>
          %swap3A_218 = arith.index_cast %scan3A_183 : i32 to index
          %swap3A_219 = arith.constant 32 : index
          %swap3A_220 = tpu.vector_load %arg18[%swap3A_218, %swap3A_219] {strides = array<i32>} : memref<16x128xf32, #tpu.memory_space<vmem>>, vector<16xf32>,
          tpu.vector_store %arg18[%swap3A_218, %swap3A_219], %mul3A_217 {strides = array<i32>} : memref<16x128xf32, #tpu.memory_space<vmem>>, vector<16xf32>,
          %mul3A_221 = arith.constant 128 : i32
          %mul3A_222 = arith.muli %scan3A_183, %mul3A_221 : i32
          %add3A_223 = arith.constant 48 : i32
          %add3A_224 = arith.addi %mul3A_222, %add3A_223 : i32
          %get3A_225 = arith.index_cast %add3A_224 : i32 to index
          %get3A_226 = tpu.vector_load %arg9[%get3A_225] {strides = array<i32>} : memref<2048xi32, #tpu.memory_space<vmem>>, vector<16xi32>,
          %get3A_227 = arith.index_cast %add3A_224 : i32 to index
          %get3A_228 = tpu.vector_load %arg12[%get3A_227] {strides = array<i32>} : memref<2048xf32, #tpu.memory_space<vmem>>, vector<16xf32>,
          %gather3A_229 = tpu.vector_load_idx %arg7[%get3A_226] : memref<100000xf32, #tpu.memory_space<vmem>>[vector<16xi32>], vector<16xf32>,
          %mul3A_230 = arith.mulf %get3A_228, %gather3A_229 : vector<16xf32>
          %swap3A_231 = arith.index_cast %scan3A_183 : i32 to index
          %swap3A_232 = arith.constant 48 : index
          %swap3A_233 = tpu.vector_load %arg18[%swap3A_231, %swap3A_232] {strides = array<i32>} : memref<16x128xf32, #tpu.memory_space<vmem>>, vector<16xf32>,
          tpu.vector_store %arg18[%swap3A_231, %swap3A_232], %mul3A_230 {strides = array<i32>} : memref<16x128xf32, #tpu.memory_space<vmem>>, vector<16xf32>,
          %mul3A_234 = arith.constant 128 : i32
          %mul3A_235 = arith.muli %scan3A_183, %mul3A_234 : i32
          %add3A_236 = arith.constant 64 : i32
          %add3A_237 = arith.addi %mul3A_235, %add3A_236 : i32
          %get3A_238 = arith.index_cast %add3A_237 : i32 to index
          %get3A_239 = tpu.vector_load %arg9[%get3A_238] {strides = array<i32>} : memref<2048xi32, #tpu.memory_space<vmem>>, vector<16xi32>,
          %get3A_240 = arith.index_cast %add3A_237 : i32 to index
          %get3A_241 = tpu.vector_load %arg12[%get3A_240] {strides = array<i32>} : memref<2048xf32, #tpu.memory_space<vmem>>, vector<16xf32>,
          %gather3A_242 = tpu.vector_load_idx %arg7[%get3A_239] : memref<100000xf32, #tpu.memory_space<vmem>>[vector<16xi32>], vector<16xf32>,
          %mul3A_243 = arith.mulf %get3A_241, %gather3A_242 : vector<16xf32>
          %swap3A_244 = arith.index_cast %scan3A_183 : i32 to index
          %swap3A_245 = arith.constant 64 : index
          %swap3A_246 = tpu.vector_load %arg18[%swap3A_244, %swap3A_245] {strides = array<i32>} : memref<16x128xf32, #tpu.memory_space<vmem>>, vector<16xf32>,
          tpu.vector_store %arg18[%swap3A_244, %swap3A_245], %mul3A_243 {strides = array<i32>} : memref<16x128xf32, #tpu.memory_space<vmem>>, vector<16xf32>,
          %mul3A_247 = arith.constant 128 : i32
          %mul3A_248 = arith.muli %scan3A_183, %mul3A_247 : i32
          %add3A_249 = arith.constant 80 : i32
          %add3A_250 = arith.addi %mul3A_248, %add3A_249 : i32
          %get3A_251 = arith.index_cast %add3A_250 : i32 to index
          %get3A_252 = tpu.vector_load %arg9[%get3A_251] {strides = array<i32>} : memref<2048xi32, #tpu.memory_space<vmem>>, vector<16xi32>,
          %get3A_253 = arith.index_cast %add3A_250 : i32 to index
          %get3A_254 = tpu.vector_load %arg12[%get3A_253] {strides = array<i32>} : memref<2048xf32, #tpu.memory_space<vmem>>, vector<16xf32>,
          %gather3A_255 = tpu.vector_load_idx %arg7[%get3A_252] : memref<100000xf32, #tpu.memory_space<vmem>>[vector<16xi32>], vector<16xf32>,
          %mul3A_256 = arith.mulf %get3A_254, %gather3A_255 : vector<16xf32>
          %swap3A_257 = arith.index_cast %scan3A_183 : i32 to index
          %swap3A_258 = arith.constant 80 : index
          %swap3A_259 = tpu.vector_load %arg18[%swap3A_257, %swap3A_258] {strides = array<i32>} : memref<16x128xf32, #tpu.memory_space<vmem>>, vector<16xf32>,
          tpu.vector_store %arg18[%swap3A_257, %swap3A_258], %mul3A_256 {strides = array<i32>} : memref<16x128xf32, #tpu.memory_space<vmem>>, vector<16xf32>,
          %mul3A_260 = arith.constant 128 : i32
          %mul3A_261 = arith.muli %scan3A_183, %mul3A_260 : i32
          %add3A_262 = arith.constant 96 : i32
          %add3A_263 = arith.addi %mul3A_261, %add3A_262 : i32
          %get3A_264 = arith.index_cast %add3A_263 : i32 to index
          %get3A_265 = tpu.vector_load %arg9[%get3A_264] {strides = array<i32>} : memref<2048xi32, #tpu.memory_space<vmem>>, vector<16xi32>,
          %get3A_266 = arith.index_cast %add3A_263 : i32 to index
          %get3A_267 = tpu.vector_load %arg12[%get3A_266] {strides = array<i32>} : memref<2048xf32, #tpu.memory_space<vmem>>, vector<16xf32>,
          %gather3A_268 = tpu.vector_load_idx %arg7[%get3A_265] : memref<100000xf32, #tpu.memory_space<vmem>>[vector<16xi32>], vector<16xf32>,
          %mul3A_269 = arith.mulf %get3A_267, %gather3A_268 : vector<16xf32>
          %swap3A_270 = arith.index_cast %scan3A_183 : i32 to index
          %swap3A_271 = arith.constant 96 : index
          %swap3A_272 = tpu.vector_load %arg18[%swap3A_270, %swap3A_271] {strides = array<i32>} : memref<16x128xf32, #tpu.memory_space<vmem>>, vector<16xf32>,
          tpu.vector_store %arg18[%swap3A_270, %swap3A_271], %mul3A_269 {strides = array<i32>} : memref<16x128xf32, #tpu.memory_space<vmem>>, vector<16xf32>,
          %mul3A_273 = arith.constant 128 : i32
          %mul3A_274 = arith.muli %scan3A_183, %mul3A_273 : i32
          %add3A_275 = arith.constant 112 : i32
          %add3A_276 = arith.addi %mul3A_274, %add3A_275 : i32
          %get3A_277 = arith.index_cast %add3A_276 : i32 to index
          %get3A_278 = tpu.vector_load %arg9[%get3A_277] {strides = array<i32>} : memref<2048xi32, #tpu.memory_space<vmem>>, vector<16xi32>,
          %get3A_279 = arith.index_cast %add3A_276 : i32 to index
          %get3A_280 = tpu.vector_load %arg12[%get3A_279] {strides = array<i32>} : memref<2048xf32, #tpu.memory_space<vmem>>, vector<16xf32>,
          %gather3A_281 = tpu.vector_load_idx %arg7[%get3A_278] : memref<100000xf32, #tpu.memory_space<vmem>>[vector<16xi32>], vector<16xf32>,
          %mul3A_282 = arith.mulf %get3A_280, %gather3A_281 : vector<16xf32>
          %swap3A_283 = arith.index_cast %scan3A_183 : i32 to index
          %swap3A_284 = arith.constant 112 : index
          %swap3A_285 = tpu.vector_load %arg18[%swap3A_283, %swap3A_284] {strides = array<i32>} : memref<16x128xf32, #tpu.memory_space<vmem>>, vector<16xf32>,
          tpu.vector_store %arg18[%swap3A_283, %swap3A_284], %mul3A_282 {strides = array<i32>} : memref<16x128xf32, #tpu.memory_space<vmem>>, vector<16xf32>,
          %mul3A_286 = arith.constant 128 : i32
          %mul3A_287 = arith.muli %scan3A_183, %mul3A_286 : i32
          %dma_start3A = arith.constant 0 : i32
          %dma_start3A_288 = tpu.memref_slice %arg18[%scan3A_183, %dma_start3A] : memref<16x128xf32, #tpu.memory_space<vmem>> -> memref<1x128xf32, #tpu.memory_space<vmem>>
          %dma_start3A_289 = tpu.memref_squeeze %dma_start3A_288 : memref<1x128xf32, #tpu.memory_space<vmem>> -> memref<128xf32, #tpu.memory_space<vmem>>
          %dma_start3A_290 = tpu.memref_slice %arg15[%mul3A_287] : memref<2048xi32, #tpu.memory_space<vmem>> -> memref<128xi32, #tpu.memory_space<vmem>>
          %dma_start3A_291 = arith.constant 0 : i32
          %dma_start3A_292 = tpu.memref_slice %arg27[%dma_start3A_291] : memref<100352xf32, #tpu.memory_space<vmem_shared>> -> memref<100352xf32, #tpu.memory_space<vmem_shared>>
          tpu.enqueue_indirect_dma source(%dma_start3A_289 : memref<128xf32, #tpu.memory_space<vmem>>) target(%dma_start3A_292 : memref<100352xf32, #tpu.memory_space<vmem_shared>>) offsets(%dma_start3A_290 : memref<128xi32, #tpu.memory_space<vmem>>) semaphore(%arg25 : memref<!tpu.dma_semaphore, #tpu.memory_space<semaphore_mem>>) {add = true}
        }
        %scan3A_182 = arith.constant 16 : i32
      } else {
      }
      %sub3A_104 = arith.constant 1 : i32
      %sub3A_105 = arith.subi %add3A_95, %sub3A_104 : i32
      %ge3A_106 = arith.constant 0 : i32
      %ge3A_107 = arith.cmpi sge, %sub3A_105, %ge3A_106 : i32
      %mul3A_108 = arith.constant 32 : i32
      %mul3A_109 = arith.muli %mul3A_108, %sub3A_105 : i32
      %add3A_110 = arith.addi %add3A, %mul3A_109 : i32
      %lt3A_111 = arith.constant 3125 : i32
      %lt3A_112 = arith.cmpi slt, %add3A_110, %lt3A_111 : i32
      %and3A_113 = arith.andi %ge3A_107, %lt3A_112 : i1
      %convert_element_type3A_114 = arith.extui %and3A_113 : i1 to i32
      %cond3A_115 = arith.constant 0 : i32
      %cond3A_116 = arith.cmpi ne, %convert_element_type3A_114, %cond3A_115 : i32
      scf.if %cond3A_116 {
        %dma_wait3A = arith.constant 0 : i32
        %dma_wait3A_160 = tpu.memref_slice %arg2[%dma_wait3A] : memref<100352xf32, #tpu.memory_space<hbm>> -> memref<2048xf32, #tpu.memory_space<hbm>>
        %dma_wait3A_161 = arith.constant 0 : i32
        %dma_wait3A_162 = tpu.memref_slice %arg2[%dma_wait3A_161] : memref<100352xf32, #tpu.memory_space<hbm>> -> memref<2048xf32, #tpu.memory_space<hbm>>
        tpu.wait_dma2 semaphore(%arg24 : memref<!tpu.dma_semaphore, #tpu.memory_space<semaphore_mem>>) src(%dma_wait3A_162 : memref<2048xf32, #tpu.memory_space<hbm>>) dst(%arg11 : memref<2048xf32, #tpu.memory_space<vmem>>)
      } else {
      }
      %add3A_117 = arith.constant 2 : i32
      %add3A_118 = arith.addi %add3A_95, %add3A_117 : i32
      %mul3A_119 = arith.constant 32 : i32
      %mul3A_120 = arith.muli %mul3A_119, %add3A_118 : i32
      %add3A_121 = arith.addi %add3A, %mul3A_120 : i32
      %lt3A_122 = arith.constant 3125 : i32
      %lt3A_123 = arith.cmpi slt, %add3A_121, %lt3A_122 : i32
      %convert_element_type3A_124 = arith.extui %lt3A_123 : i1 to i32
      %cond3A_125 = arith.constant 0 : i32
      %cond3A_126 = arith.cmpi ne, %convert_element_type3A_124, %cond3A_125 : i32
      scf.if %cond3A_126 {
        %mul3A_160 = arith.constant 2048 : i32
        %mul3A_161 = arith.muli %add3A_121, %mul3A_160 : i32
        %dma_start3A = arith.constant 0 : i32
        %dma_start3A_162 = tpu.memref_slice %arg3[%dma_start3A, %mul3A_161] : memref<2x6400000xi32, #tpu.memory_space<hbm>> -> memref<1x2048xi32, #tpu.memory_space<hbm>>
        %dma_start3A_163 = tpu.memref_squeeze %dma_start3A_162 : memref<1x2048xi32, #tpu.memory_space<hbm>> -> memref<2048xi32, #tpu.memory_space<hbm>>
        %dma_start3A_164 = tpu.memref_slice %arg3[%dma_start3A, %mul3A_161] : memref<2x6400000xi32, #tpu.memory_space<hbm>> -> memref<1x2048xi32, #tpu.memory_space<hbm>>
        %dma_start3A_165 = tpu.memref_squeeze %dma_start3A_164 : memref<1x2048xi32, #tpu.memory_space<hbm>> -> memref<2048xi32, #tpu.memory_space<hbm>>
        tpu.enqueue_dma source(%dma_start3A_165 : memref<2048xi32, #tpu.memory_space<hbm>>) target(%arg8 : memref<2048xi32, #tpu.memory_space<vmem>>) target_semaphore(%arg21 : memref<!tpu.dma_semaphore, #tpu.memory_space<semaphore_mem>>)
        %mul3A_166 = arith.constant 2048 : i32
        %mul3A_167 = arith.muli %add3A_121, %mul3A_166 : i32
        %dma_start3A_168 = arith.constant 1 : i32
        %dma_start3A_169 = tpu.memref_slice %arg4[%dma_start3A_168, %mul3A_167] : memref<2x6400000xi32, #tpu.memory_space<hbm>> -> memref<1x2048xi32, #tpu.memory_space<hbm>>
        %dma_start3A_170 = tpu.memref_squeeze %dma_start3A_169 : memref<1x2048xi32, #tpu.memory_space<hbm>> -> memref<2048xi32, #tpu.memory_space<hbm>>
        %dma_start3A_171 = tpu.memref_slice %arg4[%dma_start3A_168, %mul3A_167] : memref<2x6400000xi32, #tpu.memory_space<hbm>> -> memref<1x2048xi32, #tpu.memory_space<hbm>>
        %dma_start3A_172 = tpu.memref_squeeze %dma_start3A_171 : memref<1x2048xi32, #tpu.memory_space<hbm>> -> memref<2048xi32, #tpu.memory_space<hbm>>
        tpu.enqueue_dma source(%dma_start3A_172 : memref<2048xi32, #tpu.memory_space<hbm>>) target(%arg14 : memref<2048xi32, #tpu.memory_space<vmem>>) target_semaphore(%arg21 : memref<!tpu.dma_semaphore, #tpu.memory_space<semaphore_mem>>)
        %mul3A_173 = arith.constant 2048 : i32
        %mul3A_174 = arith.muli %add3A_121, %mul3A_173 : i32
        %dma_start3A_175 = tpu.memref_slice %arg5[%mul3A_174] : memref<6400000xf32, #tpu.memory_space<hbm>> -> memref<2048xf32, #tpu.memory_space<hbm>>
        %dma_start3A_176 = tpu.memref_slice %arg5[%mul3A_174] : memref<6400000xf32, #tpu.memory_space<hbm>> -> memref<2048xf32, #tpu.memory_space<hbm>>
        tpu.enqueue_dma source(%dma_start3A_176 : memref<2048xf32, #tpu.memory_space<hbm>>) target(%arg11 : memref<2048xf32, #tpu.memory_space<vmem>>) target_semaphore(%arg21 : memref<!tpu.dma_semaphore, #tpu.memory_space<semaphore_mem>>)
      } else {
      }
      %add3A_127 = arith.constant 2 : i32
      %add3A_128 = arith.addi %mul3A_63, %add3A_127 : i32
      %mul3A_129 = arith.constant 32 : i32
      %mul3A_130 = arith.muli %mul3A_129, %add3A_128 : i32
      %add3A_131 = arith.addi %add3A, %mul3A_130 : i32
      %lt3A_132 = arith.constant 3125 : i32
      %lt3A_133 = arith.cmpi slt, %add3A_131, %lt3A_132 : i32
      %convert_element_type3A_134 = arith.extui %lt3A_133 : i1 to i32
      %cond3A_135 = arith.constant 0 : i32
      %cond3A_136 = arith.cmpi ne, %convert_element_type3A_134, %cond3A_135 : i32
      scf.if %cond3A_136 {
        %mul3A_160 = arith.constant 2048 : i32
        %mul3A_161 = arith.muli %add3A_131, %mul3A_160 : i32
        %dma_wait3A = arith.constant 0 : i32
        %dma_wait3A_162 = tpu.memref_slice %arg3[%dma_wait3A, %mul3A_161] : memref<2x6400000xi32, #tpu.memory_space<hbm>> -> memref<1x2048xi32, #tpu.memory_space<hbm>>
        %dma_wait3A_163 = tpu.memref_squeeze %dma_wait3A_162 : memref<1x2048xi32, #tpu.memory_space<hbm>> -> memref<2048xi32, #tpu.memory_space<hbm>>
        %dma_wait3A_164 = tpu.memref_slice %arg3[%dma_wait3A, %mul3A_161] : memref<2x6400000xi32, #tpu.memory_space<hbm>> -> memref<1x2048xi32, #tpu.memory_space<hbm>>
        %dma_wait3A_165 = tpu.memref_squeeze %dma_wait3A_164 : memref<1x2048xi32, #tpu.memory_space<hbm>> -> memref<2048xi32, #tpu.memory_space<hbm>>
        tpu.wait_dma2 semaphore(%arg23 : memref<!tpu.dma_semaphore, #tpu.memory_space<semaphore_mem>>) src(%dma_wait3A_165 : memref<2048xi32, #tpu.memory_space<hbm>>) dst(%arg10 : memref<2048xi32, #tpu.memory_space<vmem>>)
        %mul3A_166 = arith.constant 2048 : i32
        %mul3A_167 = arith.muli %add3A_131, %mul3A_166 : i32
        %dma_wait3A_168 = arith.constant 1 : i32
        %dma_wait3A_169 = tpu.memref_slice %arg4[%dma_wait3A_168, %mul3A_167] : memref<2x6400000xi32, #tpu.memory_space<hbm>> -> memref<1x2048xi32, #tpu.memory_space<hbm>>
        %dma_wait3A_170 = tpu.memref_squeeze %dma_wait3A_169 : memref<1x2048xi32, #tpu.memory_space<hbm>> -> memref<2048xi32, #tpu.memory_space<hbm>>
        %dma_wait3A_171 = tpu.memref_slice %arg4[%dma_wait3A_168, %mul3A_167] : memref<2x6400000xi32, #tpu.memory_space<hbm>> -> memref<1x2048xi32, #tpu.memory_space<hbm>>
        %dma_wait3A_172 = tpu.memref_squeeze %dma_wait3A_171 : memref<1x2048xi32, #tpu.memory_space<hbm>> -> memref<2048xi32, #tpu.memory_space<hbm>>
        tpu.wait_dma2 semaphore(%arg23 : memref<!tpu.dma_semaphore, #tpu.memory_space<semaphore_mem>>) src(%dma_wait3A_172 : memref<2048xi32, #tpu.memory_space<hbm>>) dst(%arg16 : memref<2048xi32, #tpu.memory_space<vmem>>)
        %mul3A_173 = arith.constant 2048 : i32
        %mul3A_174 = arith.muli %add3A_131, %mul3A_173 : i32
        %dma_wait3A_175 = tpu.memref_slice %arg5[%mul3A_174] : memref<6400000xf32, #tpu.memory_space<hbm>> -> memref<2048xf32, #tpu.memory_space<hbm>>
        %dma_wait3A_176 = tpu.memref_slice %arg5[%mul3A_174] : memref<6400000xf32, #tpu.memory_space<hbm>> -> memref<2048xf32, #tpu.memory_space<hbm>>
        tpu.wait_dma2 semaphore(%arg23 : memref<!tpu.dma_semaphore, #tpu.memory_space<semaphore_mem>>) src(%dma_wait3A_176 : memref<2048xf32, #tpu.memory_space<hbm>>) dst(%arg13 : memref<2048xf32, #tpu.memory_space<vmem>>)
        %scan3A_177 = arith.constant 0 : i32
        %scan3A_178 = arith.constant 0 : i32
        %scan3A_179 = arith.constant 16 : i32
        %scan3A_180 = arith.addi %scan3A_178, %scan3A_179 : i32
        %scan3A_181 = arith.constant 1 : i32
        scf.for %scan3A_183 = %scan3A_178 to %scan3A_180 step %scan3A_181  : i32 {
          %mul3A_184 = arith.constant 128 : i32
          %mul3A_185 = arith.muli %scan3A_183, %mul3A_184 : i32
          %add3A_186 = arith.constant 0 : i32
          %add3A_187 = arith.addi %mul3A_185, %add3A_186 : i32
          %get3A = arith.index_cast %add3A_187 : i32 to index
          %get3A_188 = tpu.vector_load %arg10[%get3A] {strides = array<i32>} : memref<2048xi32, #tpu.memory_space<vmem>>, vector<16xi32>,
          %get3A_189 = arith.index_cast %add3A_187 : i32 to index
          %get3A_190 = tpu.vector_load %arg13[%get3A_189] {strides = array<i32>} : memref<2048xf32, #tpu.memory_space<vmem>>, vector<16xf32>,
          %gather3A = tpu.vector_load_idx %arg7[%get3A_188] : memref<100000xf32, #tpu.memory_space<vmem>>[vector<16xi32>], vector<16xf32>,
          %mul3A_191 = arith.mulf %get3A_190, %gather3A : vector<16xf32>
          %swap3A_192 = arith.index_cast %scan3A_183 : i32 to index
          %swap3A_193 = arith.constant 0 : index
          %swap3A_194 = tpu.vector_load %arg19[%swap3A_192, %swap3A_193] {strides = array<i32>} : memref<16x128xf32, #tpu.memory_space<vmem>>, vector<16xf32>,
          tpu.vector_store %arg19[%swap3A_192, %swap3A_193], %mul3A_191 {strides = array<i32>} : memref<16x128xf32, #tpu.memory_space<vmem>>, vector<16xf32>,
          %mul3A_195 = arith.constant 128 : i32
          %mul3A_196 = arith.muli %scan3A_183, %mul3A_195 : i32
          %add3A_197 = arith.constant 16 : i32
          %add3A_198 = arith.addi %mul3A_196, %add3A_197 : i32
          %get3A_199 = arith.index_cast %add3A_198 : i32 to index
          %get3A_200 = tpu.vector_load %arg10[%get3A_199] {strides = array<i32>} : memref<2048xi32, #tpu.memory_space<vmem>>, vector<16xi32>,
          %get3A_201 = arith.index_cast %add3A_198 : i32 to index
          %get3A_202 = tpu.vector_load %arg13[%get3A_201] {strides = array<i32>} : memref<2048xf32, #tpu.memory_space<vmem>>, vector<16xf32>,
          %gather3A_203 = tpu.vector_load_idx %arg7[%get3A_200] : memref<100000xf32, #tpu.memory_space<vmem>>[vector<16xi32>], vector<16xf32>,
          %mul3A_204 = arith.mulf %get3A_202, %gather3A_203 : vector<16xf32>
          %swap3A_205 = arith.index_cast %scan3A_183 : i32 to index
          %swap3A_206 = arith.constant 16 : index
          %swap3A_207 = tpu.vector_load %arg19[%swap3A_205, %swap3A_206] {strides = array<i32>} : memref<16x128xf32, #tpu.memory_space<vmem>>, vector<16xf32>,
          tpu.vector_store %arg19[%swap3A_205, %swap3A_206], %mul3A_204 {strides = array<i32>} : memref<16x128xf32, #tpu.memory_space<vmem>>, vector<16xf32>,
          %mul3A_208 = arith.constant 128 : i32
          %mul3A_209 = arith.muli %scan3A_183, %mul3A_208 : i32
          %add3A_210 = arith.constant 32 : i32
          %add3A_211 = arith.addi %mul3A_209, %add3A_210 : i32
          %get3A_212 = arith.index_cast %add3A_211 : i32 to index
          %get3A_213 = tpu.vector_load %arg10[%get3A_212] {strides = array<i32>} : memref<2048xi32, #tpu.memory_space<vmem>>, vector<16xi32>,
          %get3A_214 = arith.index_cast %add3A_211 : i32 to index
          %get3A_215 = tpu.vector_load %arg13[%get3A_214] {strides = array<i32>} : memref<2048xf32, #tpu.memory_space<vmem>>, vector<16xf32>,
          %gather3A_216 = tpu.vector_load_idx %arg7[%get3A_213] : memref<100000xf32, #tpu.memory_space<vmem>>[vector<16xi32>], vector<16xf32>,
          %mul3A_217 = arith.mulf %get3A_215, %gather3A_216 : vector<16xf32>
          %swap3A_218 = arith.index_cast %scan3A_183 : i32 to index
          %swap3A_219 = arith.constant 32 : index
          %swap3A_220 = tpu.vector_load %arg19[%swap3A_218, %swap3A_219] {strides = array<i32>} : memref<16x128xf32, #tpu.memory_space<vmem>>, vector<16xf32>,
          tpu.vector_store %arg19[%swap3A_218, %swap3A_219], %mul3A_217 {strides = array<i32>} : memref<16x128xf32, #tpu.memory_space<vmem>>, vector<16xf32>,
          %mul3A_221 = arith.constant 128 : i32
          %mul3A_222 = arith.muli %scan3A_183, %mul3A_221 : i32
          %add3A_223 = arith.constant 48 : i32
          %add3A_224 = arith.addi %mul3A_222, %add3A_223 : i32
          %get3A_225 = arith.index_cast %add3A_224 : i32 to index
          %get3A_226 = tpu.vector_load %arg10[%get3A_225] {strides = array<i32>} : memref<2048xi32, #tpu.memory_space<vmem>>, vector<16xi32>,
          %get3A_227 = arith.index_cast %add3A_224 : i32 to index
          %get3A_228 = tpu.vector_load %arg13[%get3A_227] {strides = array<i32>} : memref<2048xf32, #tpu.memory_space<vmem>>, vector<16xf32>,
          %gather3A_229 = tpu.vector_load_idx %arg7[%get3A_226] : memref<100000xf32, #tpu.memory_space<vmem>>[vector<16xi32>], vector<16xf32>,
          %mul3A_230 = arith.mulf %get3A_228, %gather3A_229 : vector<16xf32>
          %swap3A_231 = arith.index_cast %scan3A_183 : i32 to index
          %swap3A_232 = arith.constant 48 : index
          %swap3A_233 = tpu.vector_load %arg19[%swap3A_231, %swap3A_232] {strides = array<i32>} : memref<16x128xf32, #tpu.memory_space<vmem>>, vector<16xf32>,
          tpu.vector_store %arg19[%swap3A_231, %swap3A_232], %mul3A_230 {strides = array<i32>} : memref<16x128xf32, #tpu.memory_space<vmem>>, vector<16xf32>,
          %mul3A_234 = arith.constant 128 : i32
          %mul3A_235 = arith.muli %scan3A_183, %mul3A_234 : i32
          %add3A_236 = arith.constant 64 : i32
          %add3A_237 = arith.addi %mul3A_235, %add3A_236 : i32
          %get3A_238 = arith.index_cast %add3A_237 : i32 to index
          %get3A_239 = tpu.vector_load %arg10[%get3A_238] {strides = array<i32>} : memref<2048xi32, #tpu.memory_space<vmem>>, vector<16xi32>,
          %get3A_240 = arith.index_cast %add3A_237 : i32 to index
          %get3A_241 = tpu.vector_load %arg13[%get3A_240] {strides = array<i32>} : memref<2048xf32, #tpu.memory_space<vmem>>, vector<16xf32>,
          %gather3A_242 = tpu.vector_load_idx %arg7[%get3A_239] : memref<100000xf32, #tpu.memory_space<vmem>>[vector<16xi32>], vector<16xf32>,
          %mul3A_243 = arith.mulf %get3A_241, %gather3A_242 : vector<16xf32>
          %swap3A_244 = arith.index_cast %scan3A_183 : i32 to index
          %swap3A_245 = arith.constant 64 : index
          %swap3A_246 = tpu.vector_load %arg19[%swap3A_244, %swap3A_245] {strides = array<i32>} : memref<16x128xf32, #tpu.memory_space<vmem>>, vector<16xf32>,
          tpu.vector_store %arg19[%swap3A_244, %swap3A_245], %mul3A_243 {strides = array<i32>} : memref<16x128xf32, #tpu.memory_space<vmem>>, vector<16xf32>,
          %mul3A_247 = arith.constant 128 : i32
          %mul3A_248 = arith.muli %scan3A_183, %mul3A_247 : i32
          %add3A_249 = arith.constant 80 : i32
          %add3A_250 = arith.addi %mul3A_248, %add3A_249 : i32
          %get3A_251 = arith.index_cast %add3A_250 : i32 to index
          %get3A_252 = tpu.vector_load %arg10[%get3A_251] {strides = array<i32>} : memref<2048xi32, #tpu.memory_space<vmem>>, vector<16xi32>,
          %get3A_253 = arith.index_cast %add3A_250 : i32 to index
          %get3A_254 = tpu.vector_load %arg13[%get3A_253] {strides = array<i32>} : memref<2048xf32, #tpu.memory_space<vmem>>, vector<16xf32>,
          %gather3A_255 = tpu.vector_load_idx %arg7[%get3A_252] : memref<100000xf32, #tpu.memory_space<vmem>>[vector<16xi32>], vector<16xf32>,
          %mul3A_256 = arith.mulf %get3A_254, %gather3A_255 : vector<16xf32>
          %swap3A_257 = arith.index_cast %scan3A_183 : i32 to index
          %swap3A_258 = arith.constant 80 : index
          %swap3A_259 = tpu.vector_load %arg19[%swap3A_257, %swap3A_258] {strides = array<i32>} : memref<16x128xf32, #tpu.memory_space<vmem>>, vector<16xf32>,
          tpu.vector_store %arg19[%swap3A_257, %swap3A_258], %mul3A_256 {strides = array<i32>} : memref<16x128xf32, #tpu.memory_space<vmem>>, vector<16xf32>,
          %mul3A_260 = arith.constant 128 : i32
          %mul3A_261 = arith.muli %scan3A_183, %mul3A_260 : i32
          %add3A_262 = arith.constant 96 : i32
          %add3A_263 = arith.addi %mul3A_261, %add3A_262 : i32
          %get3A_264 = arith.index_cast %add3A_263 : i32 to index
          %get3A_265 = tpu.vector_load %arg10[%get3A_264] {strides = array<i32>} : memref<2048xi32, #tpu.memory_space<vmem>>, vector<16xi32>,
          %get3A_266 = arith.index_cast %add3A_263 : i32 to index
          %get3A_267 = tpu.vector_load %arg13[%get3A_266] {strides = array<i32>} : memref<2048xf32, #tpu.memory_space<vmem>>, vector<16xf32>,
          %gather3A_268 = tpu.vector_load_idx %arg7[%get3A_265] : memref<100000xf32, #tpu.memory_space<vmem>>[vector<16xi32>], vector<16xf32>,
          %mul3A_269 = arith.mulf %get3A_267, %gather3A_268 : vector<16xf32>
          %swap3A_270 = arith.index_cast %scan3A_183 : i32 to index
          %swap3A_271 = arith.constant 96 : index
          %swap3A_272 = tpu.vector_load %arg19[%swap3A_270, %swap3A_271] {strides = array<i32>} : memref<16x128xf32, #tpu.memory_space<vmem>>, vector<16xf32>,
          tpu.vector_store %arg19[%swap3A_270, %swap3A_271], %mul3A_269 {strides = array<i32>} : memref<16x128xf32, #tpu.memory_space<vmem>>, vector<16xf32>,
          %mul3A_273 = arith.constant 128 : i32
          %mul3A_274 = arith.muli %scan3A_183, %mul3A_273 : i32
          %add3A_275 = arith.constant 112 : i32
          %add3A_276 = arith.addi %mul3A_274, %add3A_275 : i32
          %get3A_277 = arith.index_cast %add3A_276 : i32 to index
          %get3A_278 = tpu.vector_load %arg10[%get3A_277] {strides = array<i32>} : memref<2048xi32, #tpu.memory_space<vmem>>, vector<16xi32>,
          %get3A_279 = arith.index_cast %add3A_276 : i32 to index
          %get3A_280 = tpu.vector_load %arg13[%get3A_279] {strides = array<i32>} : memref<2048xf32, #tpu.memory_space<vmem>>, vector<16xf32>,
          %gather3A_281 = tpu.vector_load_idx %arg7[%get3A_278] : memref<100000xf32, #tpu.memory_space<vmem>>[vector<16xi32>], vector<16xf32>,
          %mul3A_282 = arith.mulf %get3A_280, %gather3A_281 : vector<16xf32>
          %swap3A_283 = arith.index_cast %scan3A_183 : i32 to index
          %swap3A_284 = arith.constant 112 : index
          %swap3A_285 = tpu.vector_load %arg19[%swap3A_283, %swap3A_284] {strides = array<i32>} : memref<16x128xf32, #tpu.memory_space<vmem>>, vector<16xf32>,
          tpu.vector_store %arg19[%swap3A_283, %swap3A_284], %mul3A_282 {strides = array<i32>} : memref<16x128xf32, #tpu.memory_space<vmem>>, vector<16xf32>,
          %mul3A_286 = arith.constant 128 : i32
          %mul3A_287 = arith.muli %scan3A_183, %mul3A_286 : i32
          %dma_start3A = arith.constant 0 : i32
          %dma_start3A_288 = tpu.memref_slice %arg19[%scan3A_183, %dma_start3A] : memref<16x128xf32, #tpu.memory_space<vmem>> -> memref<1x128xf32, #tpu.memory_space<vmem>>
          %dma_start3A_289 = tpu.memref_squeeze %dma_start3A_288 : memref<1x128xf32, #tpu.memory_space<vmem>> -> memref<128xf32, #tpu.memory_space<vmem>>
          %dma_start3A_290 = tpu.memref_slice %arg16[%mul3A_287] : memref<2048xi32, #tpu.memory_space<vmem>> -> memref<128xi32, #tpu.memory_space<vmem>>
          %dma_start3A_291 = arith.constant 0 : i32
          %dma_start3A_292 = tpu.memref_slice %arg27[%dma_start3A_291] : memref<100352xf32, #tpu.memory_space<vmem_shared>> -> memref<100352xf32, #tpu.memory_space<vmem_shared>>
          tpu.enqueue_indirect_dma source(%dma_start3A_289 : memref<128xf32, #tpu.memory_space<vmem>>) target(%dma_start3A_292 : memref<100352xf32, #tpu.memory_space<vmem_shared>>) offsets(%dma_start3A_290 : memref<128xi32, #tpu.memory_space<vmem>>) semaphore(%arg26 : memref<!tpu.dma_semaphore, #tpu.memory_space<semaphore_mem>>) {add = true}
        }
        %scan3A_182 = arith.constant 16 : i32
      } else {
      }
      %sub3A_137 = arith.constant 1 : i32
      %sub3A_138 = arith.subi %add3A_128, %sub3A_137 : i32
      %ge3A_139 = arith.constant 0 : i32
      %ge3A_140 = arith.cmpi sge, %sub3A_138, %ge3A_139 : i32
      %mul3A_141 = arith.constant 32 : i32
      %mul3A_142 = arith.muli %mul3A_141, %sub3A_138 : i32
      %add3A_143 = arith.addi %add3A, %mul3A_142 : i32
      %lt3A_144 = arith.constant 3125 : i32
      %lt3A_145 = arith.cmpi slt, %add3A_143, %lt3A_144 : i32
      %and3A_146 = arith.andi %ge3A_140, %lt3A_145 : i1
      %convert_element_type3A_147 = arith.extui %and3A_146 : i1 to i32
      %cond3A_148 = arith.constant 0 : i32
      %cond3A_149 = arith.cmpi ne, %convert_element_type3A_147, %cond3A_148 : i32
      scf.if %cond3A_149 {
        %dma_wait3A = arith.constant 0 : i32
        %dma_wait3A_160 = tpu.memref_slice %arg2[%dma_wait3A] : memref<100352xf32, #tpu.memory_space<hbm>> -> memref<2048xf32, #tpu.memory_space<hbm>>
        %dma_wait3A_161 = arith.constant 0 : i32
        %dma_wait3A_162 = tpu.memref_slice %arg2[%dma_wait3A_161] : memref<100352xf32, #tpu.memory_space<hbm>> -> memref<2048xf32, #tpu.memory_space<hbm>>
        tpu.wait_dma2 semaphore(%arg25 : memref<!tpu.dma_semaphore, #tpu.memory_space<semaphore_mem>>) src(%dma_wait3A_162 : memref<2048xf32, #tpu.memory_space<hbm>>) dst(%arg12 : memref<2048xf32, #tpu.memory_space<vmem>>)
      } else {
      }
      %add3A_150 = arith.constant 2 : i32
      %add3A_151 = arith.addi %add3A_128, %add3A_150 : i32
      %mul3A_152 = arith.constant 32 : i32
      %mul3A_153 = arith.muli %mul3A_152, %add3A_151 : i32
      %add3A_154 = arith.addi %add3A, %mul3A_153 : i32
      %lt3A_155 = arith.constant 3125 : i32
      %lt3A_156 = arith.cmpi slt, %add3A_154, %lt3A_155 : i32
      %convert_element_type3A_157 = arith.extui %lt3A_156 : i1 to i32
      %cond3A_158 = arith.constant 0 : i32
      %cond3A_159 = arith.cmpi ne, %convert_element_type3A_157, %cond3A_158 : i32
      scf.if %cond3A_159 {
        %mul3A_160 = arith.constant 2048 : i32
        %mul3A_161 = arith.muli %add3A_154, %mul3A_160 : i32
        %dma_start3A = arith.constant 0 : i32
        %dma_start3A_162 = tpu.memref_slice %arg3[%dma_start3A, %mul3A_161] : memref<2x6400000xi32, #tpu.memory_space<hbm>> -> memref<1x2048xi32, #tpu.memory_space<hbm>>
        %dma_start3A_163 = tpu.memref_squeeze %dma_start3A_162 : memref<1x2048xi32, #tpu.memory_space<hbm>> -> memref<2048xi32, #tpu.memory_space<hbm>>
        %dma_start3A_164 = tpu.memref_slice %arg3[%dma_start3A, %mul3A_161] : memref<2x6400000xi32, #tpu.memory_space<hbm>> -> memref<1x2048xi32, #tpu.memory_space<hbm>>
        %dma_start3A_165 = tpu.memref_squeeze %dma_start3A_164 : memref<1x2048xi32, #tpu.memory_space<hbm>> -> memref<2048xi32, #tpu.memory_space<hbm>>
        tpu.enqueue_dma source(%dma_start3A_165 : memref<2048xi32, #tpu.memory_space<hbm>>) target(%arg9 : memref<2048xi32, #tpu.memory_space<vmem>>) target_semaphore(%arg22 : memref<!tpu.dma_semaphore, #tpu.memory_space<semaphore_mem>>)
        %mul3A_166 = arith.constant 2048 : i32
        %mul3A_167 = arith.muli %add3A_154, %mul3A_166 : i32
        %dma_start3A_168 = arith.constant 1 : i32
        %dma_start3A_169 = tpu.memref_slice %arg4[%dma_start3A_168, %mul3A_167] : memref<2x6400000xi32, #tpu.memory_space<hbm>> -> memref<1x2048xi32, #tpu.memory_space<hbm>>
        %dma_start3A_170 = tpu.memref_squeeze %dma_start3A_169 : memref<1x2048xi32, #tpu.memory_space<hbm>> -> memref<2048xi32, #tpu.memory_space<hbm>>
        %dma_start3A_171 = tpu.memref_slice %arg4[%dma_start3A_168, %mul3A_167] : memref<2x6400000xi32, #tpu.memory_space<hbm>> -> memref<1x2048xi32, #tpu.memory_space<hbm>>
        %dma_start3A_172 = tpu.memref_squeeze %dma_start3A_171 : memref<1x2048xi32, #tpu.memory_space<hbm>> -> memref<2048xi32, #tpu.memory_space<hbm>>
        tpu.enqueue_dma source(%dma_start3A_172 : memref<2048xi32, #tpu.memory_space<hbm>>) target(%arg15 : memref<2048xi32, #tpu.memory_space<vmem>>) target_semaphore(%arg22 : memref<!tpu.dma_semaphore, #tpu.memory_space<semaphore_mem>>)
        %mul3A_173 = arith.constant 2048 : i32
        %mul3A_174 = arith.muli %add3A_154, %mul3A_173 : i32
        %dma_start3A_175 = tpu.memref_slice %arg5[%mul3A_174] : memref<6400000xf32, #tpu.memory_space<hbm>> -> memref<2048xf32, #tpu.memory_space<hbm>>
        %dma_start3A_176 = tpu.memref_slice %arg5[%mul3A_174] : memref<6400000xf32, #tpu.memory_space<hbm>> -> memref<2048xf32, #tpu.memory_space<hbm>>
        tpu.enqueue_dma source(%dma_start3A_176 : memref<2048xf32, #tpu.memory_space<hbm>>) target(%arg12 : memref<2048xf32, #tpu.memory_space<vmem>>) target_semaphore(%arg22 : memref<!tpu.dma_semaphore, #tpu.memory_space<semaphore_mem>>)
      } else {
      }
    }
    %scan3A_52 = arith.constant 33 : i32
    %barrier3A_53 = arith.constant 0 : index
    tpu.barrier barrier_id(%barrier3A_53)
    %mul3A_54 = arith.constant 6272 : i32
    %mul3A_55 = arith.muli %arg1, %mul3A_54 : i32
    %mul3A_56 = arith.constant 100352 : i32
    %mul3A_57 = arith.muli %arg0, %mul3A_56 : i32
    %mul3A_58 = arith.constant 6272 : i32
    %mul3A_59 = arith.muli %arg1, %mul3A_58 : i32
    %add3A_60 = arith.addi %mul3A_57, %mul3A_59 : i32
    "tpu.region"() ({
      %run_scoped3A = tpu.sem_alloc : memref<!tpu.dma_semaphore, #tpu.memory_space<semaphore_mem>>
      %dma_start3A = tpu.memref_slice %arg6[%add3A_60] : memref<200704xf32, #tpu.memory_space<hbm>> -> memref<6272xf32, #tpu.memory_space<hbm>>
      %dma_start3A_61 = tpu.memref_slice %arg27[%mul3A_55] : memref<100352xf32, #tpu.memory_space<vmem_shared>> -> memref<6272xf32, #tpu.memory_space<vmem_shared>>
      tpu.enqueue_dma source(%dma_start3A_61 : memref<6272xf32, #tpu.memory_space<vmem_shared>>) target(%dma_start3A : memref<6272xf32, #tpu.memory_space<hbm>>) target_semaphore(%run_scoped3A : memref<!tpu.dma_semaphore, #tpu.memory_space<semaphore_mem>>)
      %dma_wait3A = tpu.memref_slice %arg6[%add3A_60] : memref<200704xf32, #tpu.memory_space<hbm>> -> memref<6272xf32, #tpu.memory_space<hbm>>
      %dma_wait3A_62 = tpu.memref_slice %arg27[%mul3A_55] : memref<100352xf32, #tpu.memory_space<vmem_shared>> -> memref<6272xf32, #tpu.memory_space<vmem_shared>>
      tpu.wait_dma2 semaphore(%run_scoped3A : memref<!tpu.dma_semaphore, #tpu.memory_space<semaphore_mem>>) src(%dma_wait3A_62 : memref<6272xf32, #tpu.memory_space<vmem_shared>>) dst(%dma_wait3A : memref<6272xf32, #tpu.memory_space<hbm>>)
      tpu.yield
    }) : () -> ()
    return
  }
}

module attributes {stable_mosaic.version = 14 : i64} {
  func.func @_gsq_body(%arg0: memref<3x32xf32, #tpu.memory_space<smem>>, %arg1: memref<32xf32, #tpu.memory_space<smem>>, %arg2: memref<32xf32, #tpu.memory_space<smem>>, %arg3: memref<1xf32, #tpu.memory_space<smem>>, %arg4: memref<784x128xf32, #tpu.memory_space<vmem>>, %arg5: memref<784x128xf32, #tpu.memory_space<vmem>>, %arg6: memref<784x128xf32, #tpu.memory_space<vmem>>, %arg7: memref<784x128xf32, #tpu.memory_space<vmem>>) attributes {dimension_semantics = [], scalar_prefetch = 0 : i64, scratch_operands = 0 : i64, tpu.core_type = #tpu.core_type<tc>} {
    %get3A = arith.constant 0 : index
    %get3A_0 = arith.constant 0 : index
    %get3A_1 = vector.load %arg4[%get3A, %get3A_0] : memref<784x128xf32, #tpu.memory_space<vmem>>, vector<784x128xf32>
    %get3A_2 = arith.constant 0 : index
    %get3A_3 = arith.constant 0 : index
    %get3A_4 = vector.load %arg5[%get3A_2, %get3A_3] : memref<784x128xf32, #tpu.memory_space<vmem>>, vector<784x128xf32>
    %get3A_5 = arith.constant 0 : index
    %get3A_6 = arith.constant 0 : index
    %get3A_7 = vector.load %arg6[%get3A_5, %get3A_6] : memref<784x128xf32, #tpu.memory_space<vmem>>, vector<784x128xf32>
    %get3A_8 = arith.constant 0 : index
    %get3A_9 = memref.load %arg3[%get3A_8] : memref<1xf32, #tpu.memory_space<smem>>
    %broadcast_in_dim3A = vector.broadcast %get3A_9 : f32 to vector<784x128xf32>
    %get3A_10 = arith.constant 0 : index
    %get3A_11 = arith.constant 0 : index
    %get3A_12 = memref.load %arg0[%get3A_10, %get3A_11] : memref<3x32xf32, #tpu.memory_space<smem>>
    %mul3A = vector.broadcast %get3A_12 : f32 to vector<784x128xf32>
    %mul3A_13 = arith.mulf %get3A_1, %mul3A : vector<784x128xf32>
    %get3A_14 = arith.constant 1 : index
    %get3A_15 = arith.constant 0 : index
    %get3A_16 = memref.load %arg0[%get3A_14, %get3A_15] : memref<3x32xf32, #tpu.memory_space<smem>>
    %mul3A_17 = vector.broadcast %get3A_16 : f32 to vector<784x128xf32>
    %mul3A_18 = arith.mulf %get3A_4, %mul3A_17 : vector<784x128xf32>
    %add3A = arith.addf %mul3A_13, %mul3A_18 : vector<784x128xf32>
    %get3A_19 = arith.constant 2 : index
    %get3A_20 = arith.constant 0 : index
    %get3A_21 = memref.load %arg0[%get3A_19, %get3A_20] : memref<3x32xf32, #tpu.memory_space<smem>>
    %mul3A_22 = vector.broadcast %get3A_21 : f32 to vector<784x128xf32>
    %mul3A_23 = arith.mulf %get3A_7, %mul3A_22 : vector<784x128xf32>
    %add3A_24 = arith.addf %add3A, %mul3A_23 : vector<784x128xf32>
    %get3A_25 = arith.constant 0 : index
    %get3A_26 = memref.load %arg1[%get3A_25] : memref<32xf32, #tpu.memory_space<smem>>
    %add3A_27 = vector.broadcast %get3A_26 : f32 to vector<784x128xf32>
    %add3A_28 = arith.addf %add3A_24, %add3A_27 : vector<784x128xf32>
    %tanh3A = math.tanh %add3A_28 : vector<784x128xf32>
    %get3A_29 = arith.constant 0 : index
    %get3A_30 = memref.load %arg2[%get3A_29] : memref<32xf32, #tpu.memory_space<smem>>
    %mul3A_31 = vector.broadcast %get3A_30 : f32 to vector<784x128xf32>
    %mul3A_32 = arith.mulf %tanh3A, %mul3A_31 : vector<784x128xf32>
    %add3A_33 = arith.addf %broadcast_in_dim3A, %mul3A_32 : vector<784x128xf32>
    %get3A_34 = arith.constant 0 : index
    %get3A_35 = arith.constant 1 : index
    %get3A_36 = memref.load %arg0[%get3A_34, %get3A_35] : memref<3x32xf32, #tpu.memory_space<smem>>
    %mul3A_37 = vector.broadcast %get3A_36 : f32 to vector<784x128xf32>
    %mul3A_38 = arith.mulf %get3A_1, %mul3A_37 : vector<784x128xf32>
    %get3A_39 = arith.constant 1 : index
    %get3A_40 = arith.constant 1 : index
    %get3A_41 = memref.load %arg0[%get3A_39, %get3A_40] : memref<3x32xf32, #tpu.memory_space<smem>>
    %mul3A_42 = vector.broadcast %get3A_41 : f32 to vector<784x128xf32>
    %mul3A_43 = arith.mulf %get3A_4, %mul3A_42 : vector<784x128xf32>
    %add3A_44 = arith.addf %mul3A_38, %mul3A_43 : vector<784x128xf32>
    %get3A_45 = arith.constant 2 : index
    %get3A_46 = arith.constant 1 : index
    %get3A_47 = memref.load %arg0[%get3A_45, %get3A_46] : memref<3x32xf32, #tpu.memory_space<smem>>
    %mul3A_48 = vector.broadcast %get3A_47 : f32 to vector<784x128xf32>
    %mul3A_49 = arith.mulf %get3A_7, %mul3A_48 : vector<784x128xf32>
    %add3A_50 = arith.addf %add3A_44, %mul3A_49 : vector<784x128xf32>
    %get3A_51 = arith.constant 1 : index
    %get3A_52 = memref.load %arg1[%get3A_51] : memref<32xf32, #tpu.memory_space<smem>>
    %add3A_53 = vector.broadcast %get3A_52 : f32 to vector<784x128xf32>
    %add3A_54 = arith.addf %add3A_50, %add3A_53 : vector<784x128xf32>
    %tanh3A_55 = math.tanh %add3A_54 : vector<784x128xf32>
    %get3A_56 = arith.constant 1 : index
    %get3A_57 = memref.load %arg2[%get3A_56] : memref<32xf32, #tpu.memory_space<smem>>
    %mul3A_58 = vector.broadcast %get3A_57 : f32 to vector<784x128xf32>
    %mul3A_59 = arith.mulf %tanh3A_55, %mul3A_58 : vector<784x128xf32>
    %add3A_60 = arith.addf %add3A_33, %mul3A_59 : vector<784x128xf32>
    %get3A_61 = arith.constant 0 : index
    %get3A_62 = arith.constant 2 : index
    %get3A_63 = memref.load %arg0[%get3A_61, %get3A_62] : memref<3x32xf32, #tpu.memory_space<smem>>
    %mul3A_64 = vector.broadcast %get3A_63 : f32 to vector<784x128xf32>
    %mul3A_65 = arith.mulf %get3A_1, %mul3A_64 : vector<784x128xf32>
    %get3A_66 = arith.constant 1 : index
    %get3A_67 = arith.constant 2 : index
    %get3A_68 = memref.load %arg0[%get3A_66, %get3A_67] : memref<3x32xf32, #tpu.memory_space<smem>>
    %mul3A_69 = vector.broadcast %get3A_68 : f32 to vector<784x128xf32>
    %mul3A_70 = arith.mulf %get3A_4, %mul3A_69 : vector<784x128xf32>
    %add3A_71 = arith.addf %mul3A_65, %mul3A_70 : vector<784x128xf32>
    %get3A_72 = arith.constant 2 : index
    %get3A_73 = arith.constant 2 : index
    %get3A_74 = memref.load %arg0[%get3A_72, %get3A_73] : memref<3x32xf32, #tpu.memory_space<smem>>
    %mul3A_75 = vector.broadcast %get3A_74 : f32 to vector<784x128xf32>
    %mul3A_76 = arith.mulf %get3A_7, %mul3A_75 : vector<784x128xf32>
    %add3A_77 = arith.addf %add3A_71, %mul3A_76 : vector<784x128xf32>
    %get3A_78 = arith.constant 2 : index
    %get3A_79 = memref.load %arg1[%get3A_78] : memref<32xf32, #tpu.memory_space<smem>>
    %add3A_80 = vector.broadcast %get3A_79 : f32 to vector<784x128xf32>
    %add3A_81 = arith.addf %add3A_77, %add3A_80 : vector<784x128xf32>
    %tanh3A_82 = math.tanh %add3A_81 : vector<784x128xf32>
    %get3A_83 = arith.constant 2 : index
    %get3A_84 = memref.load %arg2[%get3A_83] : memref<32xf32, #tpu.memory_space<smem>>
    %mul3A_85 = vector.broadcast %get3A_84 : f32 to vector<784x128xf32>
    %mul3A_86 = arith.mulf %tanh3A_82, %mul3A_85 : vector<784x128xf32>
    %add3A_87 = arith.addf %add3A_60, %mul3A_86 : vector<784x128xf32>
    %get3A_88 = arith.constant 0 : index
    %get3A_89 = arith.constant 3 : index
    %get3A_90 = memref.load %arg0[%get3A_88, %get3A_89] : memref<3x32xf32, #tpu.memory_space<smem>>
    %mul3A_91 = vector.broadcast %get3A_90 : f32 to vector<784x128xf32>
    %mul3A_92 = arith.mulf %get3A_1, %mul3A_91 : vector<784x128xf32>
    %get3A_93 = arith.constant 1 : index
    %get3A_94 = arith.constant 3 : index
    %get3A_95 = memref.load %arg0[%get3A_93, %get3A_94] : memref<3x32xf32, #tpu.memory_space<smem>>
    %mul3A_96 = vector.broadcast %get3A_95 : f32 to vector<784x128xf32>
    %mul3A_97 = arith.mulf %get3A_4, %mul3A_96 : vector<784x128xf32>
    %add3A_98 = arith.addf %mul3A_92, %mul3A_97 : vector<784x128xf32>
    %get3A_99 = arith.constant 2 : index
    %get3A_100 = arith.constant 3 : index
    %get3A_101 = memref.load %arg0[%get3A_99, %get3A_100] : memref<3x32xf32, #tpu.memory_space<smem>>
    %mul3A_102 = vector.broadcast %get3A_101 : f32 to vector<784x128xf32>
    %mul3A_103 = arith.mulf %get3A_7, %mul3A_102 : vector<784x128xf32>
    %add3A_104 = arith.addf %add3A_98, %mul3A_103 : vector<784x128xf32>
    %get3A_105 = arith.constant 3 : index
    %get3A_106 = memref.load %arg1[%get3A_105] : memref<32xf32, #tpu.memory_space<smem>>
    %add3A_107 = vector.broadcast %get3A_106 : f32 to vector<784x128xf32>
    %add3A_108 = arith.addf %add3A_104, %add3A_107 : vector<784x128xf32>
    %tanh3A_109 = math.tanh %add3A_108 : vector<784x128xf32>
    %get3A_110 = arith.constant 3 : index
    %get3A_111 = memref.load %arg2[%get3A_110] : memref<32xf32, #tpu.memory_space<smem>>
    %mul3A_112 = vector.broadcast %get3A_111 : f32 to vector<784x128xf32>
    %mul3A_113 = arith.mulf %tanh3A_109, %mul3A_112 : vector<784x128xf32>
    %add3A_114 = arith.addf %add3A_87, %mul3A_113 : vector<784x128xf32>
    %get3A_115 = arith.constant 0 : index
    %get3A_116 = arith.constant 4 : index
    %get3A_117 = memref.load %arg0[%get3A_115, %get3A_116] : memref<3x32xf32, #tpu.memory_space<smem>>
    %mul3A_118 = vector.broadcast %get3A_117 : f32 to vector<784x128xf32>
    %mul3A_119 = arith.mulf %get3A_1, %mul3A_118 : vector<784x128xf32>
    %get3A_120 = arith.constant 1 : index
    %get3A_121 = arith.constant 4 : index
    %get3A_122 = memref.load %arg0[%get3A_120, %get3A_121] : memref<3x32xf32, #tpu.memory_space<smem>>
    %mul3A_123 = vector.broadcast %get3A_122 : f32 to vector<784x128xf32>
    %mul3A_124 = arith.mulf %get3A_4, %mul3A_123 : vector<784x128xf32>
    %add3A_125 = arith.addf %mul3A_119, %mul3A_124 : vector<784x128xf32>
    %get3A_126 = arith.constant 2 : index
    %get3A_127 = arith.constant 4 : index
    %get3A_128 = memref.load %arg0[%get3A_126, %get3A_127] : memref<3x32xf32, #tpu.memory_space<smem>>
    %mul3A_129 = vector.broadcast %get3A_128 : f32 to vector<784x128xf32>
    %mul3A_130 = arith.mulf %get3A_7, %mul3A_129 : vector<784x128xf32>
    %add3A_131 = arith.addf %add3A_125, %mul3A_130 : vector<784x128xf32>
    %get3A_132 = arith.constant 4 : index
    %get3A_133 = memref.load %arg1[%get3A_132] : memref<32xf32, #tpu.memory_space<smem>>
    %add3A_134 = vector.broadcast %get3A_133 : f32 to vector<784x128xf32>
    %add3A_135 = arith.addf %add3A_131, %add3A_134 : vector<784x128xf32>
    %tanh3A_136 = math.tanh %add3A_135 : vector<784x128xf32>
    %get3A_137 = arith.constant 4 : index
    %get3A_138 = memref.load %arg2[%get3A_137] : memref<32xf32, #tpu.memory_space<smem>>
    %mul3A_139 = vector.broadcast %get3A_138 : f32 to vector<784x128xf32>
    %mul3A_140 = arith.mulf %tanh3A_136, %mul3A_139 : vector<784x128xf32>
    %add3A_141 = arith.addf %add3A_114, %mul3A_140 : vector<784x128xf32>
    %get3A_142 = arith.constant 0 : index
    %get3A_143 = arith.constant 5 : index
    %get3A_144 = memref.load %arg0[%get3A_142, %get3A_143] : memref<3x32xf32, #tpu.memory_space<smem>>
    %mul3A_145 = vector.broadcast %get3A_144 : f32 to vector<784x128xf32>
    %mul3A_146 = arith.mulf %get3A_1, %mul3A_145 : vector<784x128xf32>
    %get3A_147 = arith.constant 1 : index
    %get3A_148 = arith.constant 5 : index
    %get3A_149 = memref.load %arg0[%get3A_147, %get3A_148] : memref<3x32xf32, #tpu.memory_space<smem>>
    %mul3A_150 = vector.broadcast %get3A_149 : f32 to vector<784x128xf32>
    %mul3A_151 = arith.mulf %get3A_4, %mul3A_150 : vector<784x128xf32>
    %add3A_152 = arith.addf %mul3A_146, %mul3A_151 : vector<784x128xf32>
    %get3A_153 = arith.constant 2 : index
    %get3A_154 = arith.constant 5 : index
    %get3A_155 = memref.load %arg0[%get3A_153, %get3A_154] : memref<3x32xf32, #tpu.memory_space<smem>>
    %mul3A_156 = vector.broadcast %get3A_155 : f32 to vector<784x128xf32>
    %mul3A_157 = arith.mulf %get3A_7, %mul3A_156 : vector<784x128xf32>
    %add3A_158 = arith.addf %add3A_152, %mul3A_157 : vector<784x128xf32>
    %get3A_159 = arith.constant 5 : index
    %get3A_160 = memref.load %arg1[%get3A_159] : memref<32xf32, #tpu.memory_space<smem>>
    %add3A_161 = vector.broadcast %get3A_160 : f32 to vector<784x128xf32>
    %add3A_162 = arith.addf %add3A_158, %add3A_161 : vector<784x128xf32>
    %tanh3A_163 = math.tanh %add3A_162 : vector<784x128xf32>
    %get3A_164 = arith.constant 5 : index
    %get3A_165 = memref.load %arg2[%get3A_164] : memref<32xf32, #tpu.memory_space<smem>>
    %mul3A_166 = vector.broadcast %get3A_165 : f32 to vector<784x128xf32>
    %mul3A_167 = arith.mulf %tanh3A_163, %mul3A_166 : vector<784x128xf32>
    %add3A_168 = arith.addf %add3A_141, %mul3A_167 : vector<784x128xf32>
    %get3A_169 = arith.constant 0 : index
    %get3A_170 = arith.constant 6 : index
    %get3A_171 = memref.load %arg0[%get3A_169, %get3A_170] : memref<3x32xf32, #tpu.memory_space<smem>>
    %mul3A_172 = vector.broadcast %get3A_171 : f32 to vector<784x128xf32>
    %mul3A_173 = arith.mulf %get3A_1, %mul3A_172 : vector<784x128xf32>
    %get3A_174 = arith.constant 1 : index
    %get3A_175 = arith.constant 6 : index
    %get3A_176 = memref.load %arg0[%get3A_174, %get3A_175] : memref<3x32xf32, #tpu.memory_space<smem>>
    %mul3A_177 = vector.broadcast %get3A_176 : f32 to vector<784x128xf32>
    %mul3A_178 = arith.mulf %get3A_4, %mul3A_177 : vector<784x128xf32>
    %add3A_179 = arith.addf %mul3A_173, %mul3A_178 : vector<784x128xf32>
    %get3A_180 = arith.constant 2 : index
    %get3A_181 = arith.constant 6 : index
    %get3A_182 = memref.load %arg0[%get3A_180, %get3A_181] : memref<3x32xf32, #tpu.memory_space<smem>>
    %mul3A_183 = vector.broadcast %get3A_182 : f32 to vector<784x128xf32>
    %mul3A_184 = arith.mulf %get3A_7, %mul3A_183 : vector<784x128xf32>
    %add3A_185 = arith.addf %add3A_179, %mul3A_184 : vector<784x128xf32>
    %get3A_186 = arith.constant 6 : index
    %get3A_187 = memref.load %arg1[%get3A_186] : memref<32xf32, #tpu.memory_space<smem>>
    %add3A_188 = vector.broadcast %get3A_187 : f32 to vector<784x128xf32>
    %add3A_189 = arith.addf %add3A_185, %add3A_188 : vector<784x128xf32>
    %tanh3A_190 = math.tanh %add3A_189 : vector<784x128xf32>
    %get3A_191 = arith.constant 6 : index
    %get3A_192 = memref.load %arg2[%get3A_191] : memref<32xf32, #tpu.memory_space<smem>>
    %mul3A_193 = vector.broadcast %get3A_192 : f32 to vector<784x128xf32>
    %mul3A_194 = arith.mulf %tanh3A_190, %mul3A_193 : vector<784x128xf32>
    %add3A_195 = arith.addf %add3A_168, %mul3A_194 : vector<784x128xf32>
    %get3A_196 = arith.constant 0 : index
    %get3A_197 = arith.constant 7 : index
    %get3A_198 = memref.load %arg0[%get3A_196, %get3A_197] : memref<3x32xf32, #tpu.memory_space<smem>>
    %mul3A_199 = vector.broadcast %get3A_198 : f32 to vector<784x128xf32>
    %mul3A_200 = arith.mulf %get3A_1, %mul3A_199 : vector<784x128xf32>
    %get3A_201 = arith.constant 1 : index
    %get3A_202 = arith.constant 7 : index
    %get3A_203 = memref.load %arg0[%get3A_201, %get3A_202] : memref<3x32xf32, #tpu.memory_space<smem>>
    %mul3A_204 = vector.broadcast %get3A_203 : f32 to vector<784x128xf32>
    %mul3A_205 = arith.mulf %get3A_4, %mul3A_204 : vector<784x128xf32>
    %add3A_206 = arith.addf %mul3A_200, %mul3A_205 : vector<784x128xf32>
    %get3A_207 = arith.constant 2 : index
    %get3A_208 = arith.constant 7 : index
    %get3A_209 = memref.load %arg0[%get3A_207, %get3A_208] : memref<3x32xf32, #tpu.memory_space<smem>>
    %mul3A_210 = vector.broadcast %get3A_209 : f32 to vector<784x128xf32>
    %mul3A_211 = arith.mulf %get3A_7, %mul3A_210 : vector<784x128xf32>
    %add3A_212 = arith.addf %add3A_206, %mul3A_211 : vector<784x128xf32>
    %get3A_213 = arith.constant 7 : index
    %get3A_214 = memref.load %arg1[%get3A_213] : memref<32xf32, #tpu.memory_space<smem>>
    %add3A_215 = vector.broadcast %get3A_214 : f32 to vector<784x128xf32>
    %add3A_216 = arith.addf %add3A_212, %add3A_215 : vector<784x128xf32>
    %tanh3A_217 = math.tanh %add3A_216 : vector<784x128xf32>
    %get3A_218 = arith.constant 7 : index
    %get3A_219 = memref.load %arg2[%get3A_218] : memref<32xf32, #tpu.memory_space<smem>>
    %mul3A_220 = vector.broadcast %get3A_219 : f32 to vector<784x128xf32>
    %mul3A_221 = arith.mulf %tanh3A_217, %mul3A_220 : vector<784x128xf32>
    %add3A_222 = arith.addf %add3A_195, %mul3A_221 : vector<784x128xf32>
    %get3A_223 = arith.constant 0 : index
    %get3A_224 = arith.constant 8 : index
    %get3A_225 = memref.load %arg0[%get3A_223, %get3A_224] : memref<3x32xf32, #tpu.memory_space<smem>>
    %mul3A_226 = vector.broadcast %get3A_225 : f32 to vector<784x128xf32>
    %mul3A_227 = arith.mulf %get3A_1, %mul3A_226 : vector<784x128xf32>
    %get3A_228 = arith.constant 1 : index
    %get3A_229 = arith.constant 8 : index
    %get3A_230 = memref.load %arg0[%get3A_228, %get3A_229] : memref<3x32xf32, #tpu.memory_space<smem>>
    %mul3A_231 = vector.broadcast %get3A_230 : f32 to vector<784x128xf32>
    %mul3A_232 = arith.mulf %get3A_4, %mul3A_231 : vector<784x128xf32>
    %add3A_233 = arith.addf %mul3A_227, %mul3A_232 : vector<784x128xf32>
    %get3A_234 = arith.constant 2 : index
    %get3A_235 = arith.constant 8 : index
    %get3A_236 = memref.load %arg0[%get3A_234, %get3A_235] : memref<3x32xf32, #tpu.memory_space<smem>>
    %mul3A_237 = vector.broadcast %get3A_236 : f32 to vector<784x128xf32>
    %mul3A_238 = arith.mulf %get3A_7, %mul3A_237 : vector<784x128xf32>
    %add3A_239 = arith.addf %add3A_233, %mul3A_238 : vector<784x128xf32>
    %get3A_240 = arith.constant 8 : index
    %get3A_241 = memref.load %arg1[%get3A_240] : memref<32xf32, #tpu.memory_space<smem>>
    %add3A_242 = vector.broadcast %get3A_241 : f32 to vector<784x128xf32>
    %add3A_243 = arith.addf %add3A_239, %add3A_242 : vector<784x128xf32>
    %tanh3A_244 = math.tanh %add3A_243 : vector<784x128xf32>
    %get3A_245 = arith.constant 8 : index
    %get3A_246 = memref.load %arg2[%get3A_245] : memref<32xf32, #tpu.memory_space<smem>>
    %mul3A_247 = vector.broadcast %get3A_246 : f32 to vector<784x128xf32>
    %mul3A_248 = arith.mulf %tanh3A_244, %mul3A_247 : vector<784x128xf32>
    %add3A_249 = arith.addf %add3A_222, %mul3A_248 : vector<784x128xf32>
    %get3A_250 = arith.constant 0 : index
    %get3A_251 = arith.constant 9 : index
    %get3A_252 = memref.load %arg0[%get3A_250, %get3A_251] : memref<3x32xf32, #tpu.memory_space<smem>>
    %mul3A_253 = vector.broadcast %get3A_252 : f32 to vector<784x128xf32>
    %mul3A_254 = arith.mulf %get3A_1, %mul3A_253 : vector<784x128xf32>
    %get3A_255 = arith.constant 1 : index
    %get3A_256 = arith.constant 9 : index
    %get3A_257 = memref.load %arg0[%get3A_255, %get3A_256] : memref<3x32xf32, #tpu.memory_space<smem>>
    %mul3A_258 = vector.broadcast %get3A_257 : f32 to vector<784x128xf32>
    %mul3A_259 = arith.mulf %get3A_4, %mul3A_258 : vector<784x128xf32>
    %add3A_260 = arith.addf %mul3A_254, %mul3A_259 : vector<784x128xf32>
    %get3A_261 = arith.constant 2 : index
    %get3A_262 = arith.constant 9 : index
    %get3A_263 = memref.load %arg0[%get3A_261, %get3A_262] : memref<3x32xf32, #tpu.memory_space<smem>>
    %mul3A_264 = vector.broadcast %get3A_263 : f32 to vector<784x128xf32>
    %mul3A_265 = arith.mulf %get3A_7, %mul3A_264 : vector<784x128xf32>
    %add3A_266 = arith.addf %add3A_260, %mul3A_265 : vector<784x128xf32>
    %get3A_267 = arith.constant 9 : index
    %get3A_268 = memref.load %arg1[%get3A_267] : memref<32xf32, #tpu.memory_space<smem>>
    %add3A_269 = vector.broadcast %get3A_268 : f32 to vector<784x128xf32>
    %add3A_270 = arith.addf %add3A_266, %add3A_269 : vector<784x128xf32>
    %tanh3A_271 = math.tanh %add3A_270 : vector<784x128xf32>
    %get3A_272 = arith.constant 9 : index
    %get3A_273 = memref.load %arg2[%get3A_272] : memref<32xf32, #tpu.memory_space<smem>>
    %mul3A_274 = vector.broadcast %get3A_273 : f32 to vector<784x128xf32>
    %mul3A_275 = arith.mulf %tanh3A_271, %mul3A_274 : vector<784x128xf32>
    %add3A_276 = arith.addf %add3A_249, %mul3A_275 : vector<784x128xf32>
    %get3A_277 = arith.constant 0 : index
    %get3A_278 = arith.constant 10 : index
    %get3A_279 = memref.load %arg0[%get3A_277, %get3A_278] : memref<3x32xf32, #tpu.memory_space<smem>>
    %mul3A_280 = vector.broadcast %get3A_279 : f32 to vector<784x128xf32>
    %mul3A_281 = arith.mulf %get3A_1, %mul3A_280 : vector<784x128xf32>
    %get3A_282 = arith.constant 1 : index
    %get3A_283 = arith.constant 10 : index
    %get3A_284 = memref.load %arg0[%get3A_282, %get3A_283] : memref<3x32xf32, #tpu.memory_space<smem>>
    %mul3A_285 = vector.broadcast %get3A_284 : f32 to vector<784x128xf32>
    %mul3A_286 = arith.mulf %get3A_4, %mul3A_285 : vector<784x128xf32>
    %add3A_287 = arith.addf %mul3A_281, %mul3A_286 : vector<784x128xf32>
    %get3A_288 = arith.constant 2 : index
    %get3A_289 = arith.constant 10 : index
    %get3A_290 = memref.load %arg0[%get3A_288, %get3A_289] : memref<3x32xf32, #tpu.memory_space<smem>>
    %mul3A_291 = vector.broadcast %get3A_290 : f32 to vector<784x128xf32>
    %mul3A_292 = arith.mulf %get3A_7, %mul3A_291 : vector<784x128xf32>
    %add3A_293 = arith.addf %add3A_287, %mul3A_292 : vector<784x128xf32>
    %get3A_294 = arith.constant 10 : index
    %get3A_295 = memref.load %arg1[%get3A_294] : memref<32xf32, #tpu.memory_space<smem>>
    %add3A_296 = vector.broadcast %get3A_295 : f32 to vector<784x128xf32>
    %add3A_297 = arith.addf %add3A_293, %add3A_296 : vector<784x128xf32>
    %tanh3A_298 = math.tanh %add3A_297 : vector<784x128xf32>
    %get3A_299 = arith.constant 10 : index
    %get3A_300 = memref.load %arg2[%get3A_299] : memref<32xf32, #tpu.memory_space<smem>>
    %mul3A_301 = vector.broadcast %get3A_300 : f32 to vector<784x128xf32>
    %mul3A_302 = arith.mulf %tanh3A_298, %mul3A_301 : vector<784x128xf32>
    %add3A_303 = arith.addf %add3A_276, %mul3A_302 : vector<784x128xf32>
    %get3A_304 = arith.constant 0 : index
    %get3A_305 = arith.constant 11 : index
    %get3A_306 = memref.load %arg0[%get3A_304, %get3A_305] : memref<3x32xf32, #tpu.memory_space<smem>>
    %mul3A_307 = vector.broadcast %get3A_306 : f32 to vector<784x128xf32>
    %mul3A_308 = arith.mulf %get3A_1, %mul3A_307 : vector<784x128xf32>
    %get3A_309 = arith.constant 1 : index
    %get3A_310 = arith.constant 11 : index
    %get3A_311 = memref.load %arg0[%get3A_309, %get3A_310] : memref<3x32xf32, #tpu.memory_space<smem>>
    %mul3A_312 = vector.broadcast %get3A_311 : f32 to vector<784x128xf32>
    %mul3A_313 = arith.mulf %get3A_4, %mul3A_312 : vector<784x128xf32>
    %add3A_314 = arith.addf %mul3A_308, %mul3A_313 : vector<784x128xf32>
    %get3A_315 = arith.constant 2 : index
    %get3A_316 = arith.constant 11 : index
    %get3A_317 = memref.load %arg0[%get3A_315, %get3A_316] : memref<3x32xf32, #tpu.memory_space<smem>>
    %mul3A_318 = vector.broadcast %get3A_317 : f32 to vector<784x128xf32>
    %mul3A_319 = arith.mulf %get3A_7, %mul3A_318 : vector<784x128xf32>
    %add3A_320 = arith.addf %add3A_314, %mul3A_319 : vector<784x128xf32>
    %get3A_321 = arith.constant 11 : index
    %get3A_322 = memref.load %arg1[%get3A_321] : memref<32xf32, #tpu.memory_space<smem>>
    %add3A_323 = vector.broadcast %get3A_322 : f32 to vector<784x128xf32>
    %add3A_324 = arith.addf %add3A_320, %add3A_323 : vector<784x128xf32>
    %tanh3A_325 = math.tanh %add3A_324 : vector<784x128xf32>
    %get3A_326 = arith.constant 11 : index
    %get3A_327 = memref.load %arg2[%get3A_326] : memref<32xf32, #tpu.memory_space<smem>>
    %mul3A_328 = vector.broadcast %get3A_327 : f32 to vector<784x128xf32>
    %mul3A_329 = arith.mulf %tanh3A_325, %mul3A_328 : vector<784x128xf32>
    %add3A_330 = arith.addf %add3A_303, %mul3A_329 : vector<784x128xf32>
    %get3A_331 = arith.constant 0 : index
    %get3A_332 = arith.constant 12 : index
    %get3A_333 = memref.load %arg0[%get3A_331, %get3A_332] : memref<3x32xf32, #tpu.memory_space<smem>>
    %mul3A_334 = vector.broadcast %get3A_333 : f32 to vector<784x128xf32>
    %mul3A_335 = arith.mulf %get3A_1, %mul3A_334 : vector<784x128xf32>
    %get3A_336 = arith.constant 1 : index
    %get3A_337 = arith.constant 12 : index
    %get3A_338 = memref.load %arg0[%get3A_336, %get3A_337] : memref<3x32xf32, #tpu.memory_space<smem>>
    %mul3A_339 = vector.broadcast %get3A_338 : f32 to vector<784x128xf32>
    %mul3A_340 = arith.mulf %get3A_4, %mul3A_339 : vector<784x128xf32>
    %add3A_341 = arith.addf %mul3A_335, %mul3A_340 : vector<784x128xf32>
    %get3A_342 = arith.constant 2 : index
    %get3A_343 = arith.constant 12 : index
    %get3A_344 = memref.load %arg0[%get3A_342, %get3A_343] : memref<3x32xf32, #tpu.memory_space<smem>>
    %mul3A_345 = vector.broadcast %get3A_344 : f32 to vector<784x128xf32>
    %mul3A_346 = arith.mulf %get3A_7, %mul3A_345 : vector<784x128xf32>
    %add3A_347 = arith.addf %add3A_341, %mul3A_346 : vector<784x128xf32>
    %get3A_348 = arith.constant 12 : index
    %get3A_349 = memref.load %arg1[%get3A_348] : memref<32xf32, #tpu.memory_space<smem>>
    %add3A_350 = vector.broadcast %get3A_349 : f32 to vector<784x128xf32>
    %add3A_351 = arith.addf %add3A_347, %add3A_350 : vector<784x128xf32>
    %tanh3A_352 = math.tanh %add3A_351 : vector<784x128xf32>
    %get3A_353 = arith.constant 12 : index
    %get3A_354 = memref.load %arg2[%get3A_353] : memref<32xf32, #tpu.memory_space<smem>>
    %mul3A_355 = vector.broadcast %get3A_354 : f32 to vector<784x128xf32>
    %mul3A_356 = arith.mulf %tanh3A_352, %mul3A_355 : vector<784x128xf32>
    %add3A_357 = arith.addf %add3A_330, %mul3A_356 : vector<784x128xf32>
    %get3A_358 = arith.constant 0 : index
    %get3A_359 = arith.constant 13 : index
    %get3A_360 = memref.load %arg0[%get3A_358, %get3A_359] : memref<3x32xf32, #tpu.memory_space<smem>>
    %mul3A_361 = vector.broadcast %get3A_360 : f32 to vector<784x128xf32>
    %mul3A_362 = arith.mulf %get3A_1, %mul3A_361 : vector<784x128xf32>
    %get3A_363 = arith.constant 1 : index
    %get3A_364 = arith.constant 13 : index
    %get3A_365 = memref.load %arg0[%get3A_363, %get3A_364] : memref<3x32xf32, #tpu.memory_space<smem>>
    %mul3A_366 = vector.broadcast %get3A_365 : f32 to vector<784x128xf32>
    %mul3A_367 = arith.mulf %get3A_4, %mul3A_366 : vector<784x128xf32>
    %add3A_368 = arith.addf %mul3A_362, %mul3A_367 : vector<784x128xf32>
    %get3A_369 = arith.constant 2 : index
    %get3A_370 = arith.constant 13 : index
    %get3A_371 = memref.load %arg0[%get3A_369, %get3A_370] : memref<3x32xf32, #tpu.memory_space<smem>>
    %mul3A_372 = vector.broadcast %get3A_371 : f32 to vector<784x128xf32>
    %mul3A_373 = arith.mulf %get3A_7, %mul3A_372 : vector<784x128xf32>
    %add3A_374 = arith.addf %add3A_368, %mul3A_373 : vector<784x128xf32>
    %get3A_375 = arith.constant 13 : index
    %get3A_376 = memref.load %arg1[%get3A_375] : memref<32xf32, #tpu.memory_space<smem>>
    %add3A_377 = vector.broadcast %get3A_376 : f32 to vector<784x128xf32>
    %add3A_378 = arith.addf %add3A_374, %add3A_377 : vector<784x128xf32>
    %tanh3A_379 = math.tanh %add3A_378 : vector<784x128xf32>
    %get3A_380 = arith.constant 13 : index
    %get3A_381 = memref.load %arg2[%get3A_380] : memref<32xf32, #tpu.memory_space<smem>>
    %mul3A_382 = vector.broadcast %get3A_381 : f32 to vector<784x128xf32>
    %mul3A_383 = arith.mulf %tanh3A_379, %mul3A_382 : vector<784x128xf32>
    %add3A_384 = arith.addf %add3A_357, %mul3A_383 : vector<784x128xf32>
    %get3A_385 = arith.constant 0 : index
    %get3A_386 = arith.constant 14 : index
    %get3A_387 = memref.load %arg0[%get3A_385, %get3A_386] : memref<3x32xf32, #tpu.memory_space<smem>>
    %mul3A_388 = vector.broadcast %get3A_387 : f32 to vector<784x128xf32>
    %mul3A_389 = arith.mulf %get3A_1, %mul3A_388 : vector<784x128xf32>
    %get3A_390 = arith.constant 1 : index
    %get3A_391 = arith.constant 14 : index
    %get3A_392 = memref.load %arg0[%get3A_390, %get3A_391] : memref<3x32xf32, #tpu.memory_space<smem>>
    %mul3A_393 = vector.broadcast %get3A_392 : f32 to vector<784x128xf32>
    %mul3A_394 = arith.mulf %get3A_4, %mul3A_393 : vector<784x128xf32>
    %add3A_395 = arith.addf %mul3A_389, %mul3A_394 : vector<784x128xf32>
    %get3A_396 = arith.constant 2 : index
    %get3A_397 = arith.constant 14 : index
    %get3A_398 = memref.load %arg0[%get3A_396, %get3A_397] : memref<3x32xf32, #tpu.memory_space<smem>>
    %mul3A_399 = vector.broadcast %get3A_398 : f32 to vector<784x128xf32>
    %mul3A_400 = arith.mulf %get3A_7, %mul3A_399 : vector<784x128xf32>
    %add3A_401 = arith.addf %add3A_395, %mul3A_400 : vector<784x128xf32>
    %get3A_402 = arith.constant 14 : index
    %get3A_403 = memref.load %arg1[%get3A_402] : memref<32xf32, #tpu.memory_space<smem>>
    %add3A_404 = vector.broadcast %get3A_403 : f32 to vector<784x128xf32>
    %add3A_405 = arith.addf %add3A_401, %add3A_404 : vector<784x128xf32>
    %tanh3A_406 = math.tanh %add3A_405 : vector<784x128xf32>
    %get3A_407 = arith.constant 14 : index
    %get3A_408 = memref.load %arg2[%get3A_407] : memref<32xf32, #tpu.memory_space<smem>>
    %mul3A_409 = vector.broadcast %get3A_408 : f32 to vector<784x128xf32>
    %mul3A_410 = arith.mulf %tanh3A_406, %mul3A_409 : vector<784x128xf32>
    %add3A_411 = arith.addf %add3A_384, %mul3A_410 : vector<784x128xf32>
    %get3A_412 = arith.constant 0 : index
    %get3A_413 = arith.constant 15 : index
    %get3A_414 = memref.load %arg0[%get3A_412, %get3A_413] : memref<3x32xf32, #tpu.memory_space<smem>>
    %mul3A_415 = vector.broadcast %get3A_414 : f32 to vector<784x128xf32>
    %mul3A_416 = arith.mulf %get3A_1, %mul3A_415 : vector<784x128xf32>
    %get3A_417 = arith.constant 1 : index
    %get3A_418 = arith.constant 15 : index
    %get3A_419 = memref.load %arg0[%get3A_417, %get3A_418] : memref<3x32xf32, #tpu.memory_space<smem>>
    %mul3A_420 = vector.broadcast %get3A_419 : f32 to vector<784x128xf32>
    %mul3A_421 = arith.mulf %get3A_4, %mul3A_420 : vector<784x128xf32>
    %add3A_422 = arith.addf %mul3A_416, %mul3A_421 : vector<784x128xf32>
    %get3A_423 = arith.constant 2 : index
    %get3A_424 = arith.constant 15 : index
    %get3A_425 = memref.load %arg0[%get3A_423, %get3A_424] : memref<3x32xf32, #tpu.memory_space<smem>>
    %mul3A_426 = vector.broadcast %get3A_425 : f32 to vector<784x128xf32>
    %mul3A_427 = arith.mulf %get3A_7, %mul3A_426 : vector<784x128xf32>
    %add3A_428 = arith.addf %add3A_422, %mul3A_427 : vector<784x128xf32>
    %get3A_429 = arith.constant 15 : index
    %get3A_430 = memref.load %arg1[%get3A_429] : memref<32xf32, #tpu.memory_space<smem>>
    %add3A_431 = vector.broadcast %get3A_430 : f32 to vector<784x128xf32>
    %add3A_432 = arith.addf %add3A_428, %add3A_431 : vector<784x128xf32>
    %tanh3A_433 = math.tanh %add3A_432 : vector<784x128xf32>
    %get3A_434 = arith.constant 15 : index
    %get3A_435 = memref.load %arg2[%get3A_434] : memref<32xf32, #tpu.memory_space<smem>>
    %mul3A_436 = vector.broadcast %get3A_435 : f32 to vector<784x128xf32>
    %mul3A_437 = arith.mulf %tanh3A_433, %mul3A_436 : vector<784x128xf32>
    %add3A_438 = arith.addf %add3A_411, %mul3A_437 : vector<784x128xf32>
    %get3A_439 = arith.constant 0 : index
    %get3A_440 = arith.constant 16 : index
    %get3A_441 = memref.load %arg0[%get3A_439, %get3A_440] : memref<3x32xf32, #tpu.memory_space<smem>>
    %mul3A_442 = vector.broadcast %get3A_441 : f32 to vector<784x128xf32>
    %mul3A_443 = arith.mulf %get3A_1, %mul3A_442 : vector<784x128xf32>
    %get3A_444 = arith.constant 1 : index
    %get3A_445 = arith.constant 16 : index
    %get3A_446 = memref.load %arg0[%get3A_444, %get3A_445] : memref<3x32xf32, #tpu.memory_space<smem>>
    %mul3A_447 = vector.broadcast %get3A_446 : f32 to vector<784x128xf32>
    %mul3A_448 = arith.mulf %get3A_4, %mul3A_447 : vector<784x128xf32>
    %add3A_449 = arith.addf %mul3A_443, %mul3A_448 : vector<784x128xf32>
    %get3A_450 = arith.constant 2 : index
    %get3A_451 = arith.constant 16 : index
    %get3A_452 = memref.load %arg0[%get3A_450, %get3A_451] : memref<3x32xf32, #tpu.memory_space<smem>>
    %mul3A_453 = vector.broadcast %get3A_452 : f32 to vector<784x128xf32>
    %mul3A_454 = arith.mulf %get3A_7, %mul3A_453 : vector<784x128xf32>
    %add3A_455 = arith.addf %add3A_449, %mul3A_454 : vector<784x128xf32>
    %get3A_456 = arith.constant 16 : index
    %get3A_457 = memref.load %arg1[%get3A_456] : memref<32xf32, #tpu.memory_space<smem>>
    %add3A_458 = vector.broadcast %get3A_457 : f32 to vector<784x128xf32>
    %add3A_459 = arith.addf %add3A_455, %add3A_458 : vector<784x128xf32>
    %tanh3A_460 = math.tanh %add3A_459 : vector<784x128xf32>
    %get3A_461 = arith.constant 16 : index
    %get3A_462 = memref.load %arg2[%get3A_461] : memref<32xf32, #tpu.memory_space<smem>>
    %mul3A_463 = vector.broadcast %get3A_462 : f32 to vector<784x128xf32>
    %mul3A_464 = arith.mulf %tanh3A_460, %mul3A_463 : vector<784x128xf32>
    %add3A_465 = arith.addf %add3A_438, %mul3A_464 : vector<784x128xf32>
    %get3A_466 = arith.constant 0 : index
    %get3A_467 = arith.constant 17 : index
    %get3A_468 = memref.load %arg0[%get3A_466, %get3A_467] : memref<3x32xf32, #tpu.memory_space<smem>>
    %mul3A_469 = vector.broadcast %get3A_468 : f32 to vector<784x128xf32>
    %mul3A_470 = arith.mulf %get3A_1, %mul3A_469 : vector<784x128xf32>
    %get3A_471 = arith.constant 1 : index
    %get3A_472 = arith.constant 17 : index
    %get3A_473 = memref.load %arg0[%get3A_471, %get3A_472] : memref<3x32xf32, #tpu.memory_space<smem>>
    %mul3A_474 = vector.broadcast %get3A_473 : f32 to vector<784x128xf32>
    %mul3A_475 = arith.mulf %get3A_4, %mul3A_474 : vector<784x128xf32>
    %add3A_476 = arith.addf %mul3A_470, %mul3A_475 : vector<784x128xf32>
    %get3A_477 = arith.constant 2 : index
    %get3A_478 = arith.constant 17 : index
    %get3A_479 = memref.load %arg0[%get3A_477, %get3A_478] : memref<3x32xf32, #tpu.memory_space<smem>>
    %mul3A_480 = vector.broadcast %get3A_479 : f32 to vector<784x128xf32>
    %mul3A_481 = arith.mulf %get3A_7, %mul3A_480 : vector<784x128xf32>
    %add3A_482 = arith.addf %add3A_476, %mul3A_481 : vector<784x128xf32>
    %get3A_483 = arith.constant 17 : index
    %get3A_484 = memref.load %arg1[%get3A_483] : memref<32xf32, #tpu.memory_space<smem>>
    %add3A_485 = vector.broadcast %get3A_484 : f32 to vector<784x128xf32>
    %add3A_486 = arith.addf %add3A_482, %add3A_485 : vector<784x128xf32>
    %tanh3A_487 = math.tanh %add3A_486 : vector<784x128xf32>
    %get3A_488 = arith.constant 17 : index
    %get3A_489 = memref.load %arg2[%get3A_488] : memref<32xf32, #tpu.memory_space<smem>>
    %mul3A_490 = vector.broadcast %get3A_489 : f32 to vector<784x128xf32>
    %mul3A_491 = arith.mulf %tanh3A_487, %mul3A_490 : vector<784x128xf32>
    %add3A_492 = arith.addf %add3A_465, %mul3A_491 : vector<784x128xf32>
    %get3A_493 = arith.constant 0 : index
    %get3A_494 = arith.constant 18 : index
    %get3A_495 = memref.load %arg0[%get3A_493, %get3A_494] : memref<3x32xf32, #tpu.memory_space<smem>>
    %mul3A_496 = vector.broadcast %get3A_495 : f32 to vector<784x128xf32>
    %mul3A_497 = arith.mulf %get3A_1, %mul3A_496 : vector<784x128xf32>
    %get3A_498 = arith.constant 1 : index
    %get3A_499 = arith.constant 18 : index
    %get3A_500 = memref.load %arg0[%get3A_498, %get3A_499] : memref<3x32xf32, #tpu.memory_space<smem>>
    %mul3A_501 = vector.broadcast %get3A_500 : f32 to vector<784x128xf32>
    %mul3A_502 = arith.mulf %get3A_4, %mul3A_501 : vector<784x128xf32>
    %add3A_503 = arith.addf %mul3A_497, %mul3A_502 : vector<784x128xf32>
    %get3A_504 = arith.constant 2 : index
    %get3A_505 = arith.constant 18 : index
    %get3A_506 = memref.load %arg0[%get3A_504, %get3A_505] : memref<3x32xf32, #tpu.memory_space<smem>>
    %mul3A_507 = vector.broadcast %get3A_506 : f32 to vector<784x128xf32>
    %mul3A_508 = arith.mulf %get3A_7, %mul3A_507 : vector<784x128xf32>
    %add3A_509 = arith.addf %add3A_503, %mul3A_508 : vector<784x128xf32>
    %get3A_510 = arith.constant 18 : index
    %get3A_511 = memref.load %arg1[%get3A_510] : memref<32xf32, #tpu.memory_space<smem>>
    %add3A_512 = vector.broadcast %get3A_511 : f32 to vector<784x128xf32>
    %add3A_513 = arith.addf %add3A_509, %add3A_512 : vector<784x128xf32>
    %tanh3A_514 = math.tanh %add3A_513 : vector<784x128xf32>
    %get3A_515 = arith.constant 18 : index
    %get3A_516 = memref.load %arg2[%get3A_515] : memref<32xf32, #tpu.memory_space<smem>>
    %mul3A_517 = vector.broadcast %get3A_516 : f32 to vector<784x128xf32>
    %mul3A_518 = arith.mulf %tanh3A_514, %mul3A_517 : vector<784x128xf32>
    %add3A_519 = arith.addf %add3A_492, %mul3A_518 : vector<784x128xf32>
    %get3A_520 = arith.constant 0 : index
    %get3A_521 = arith.constant 19 : index
    %get3A_522 = memref.load %arg0[%get3A_520, %get3A_521] : memref<3x32xf32, #tpu.memory_space<smem>>
    %mul3A_523 = vector.broadcast %get3A_522 : f32 to vector<784x128xf32>
    %mul3A_524 = arith.mulf %get3A_1, %mul3A_523 : vector<784x128xf32>
    %get3A_525 = arith.constant 1 : index
    %get3A_526 = arith.constant 19 : index
    %get3A_527 = memref.load %arg0[%get3A_525, %get3A_526] : memref<3x32xf32, #tpu.memory_space<smem>>
    %mul3A_528 = vector.broadcast %get3A_527 : f32 to vector<784x128xf32>
    %mul3A_529 = arith.mulf %get3A_4, %mul3A_528 : vector<784x128xf32>
    %add3A_530 = arith.addf %mul3A_524, %mul3A_529 : vector<784x128xf32>
    %get3A_531 = arith.constant 2 : index
    %get3A_532 = arith.constant 19 : index
    %get3A_533 = memref.load %arg0[%get3A_531, %get3A_532] : memref<3x32xf32, #tpu.memory_space<smem>>
    %mul3A_534 = vector.broadcast %get3A_533 : f32 to vector<784x128xf32>
    %mul3A_535 = arith.mulf %get3A_7, %mul3A_534 : vector<784x128xf32>
    %add3A_536 = arith.addf %add3A_530, %mul3A_535 : vector<784x128xf32>
    %get3A_537 = arith.constant 19 : index
    %get3A_538 = memref.load %arg1[%get3A_537] : memref<32xf32, #tpu.memory_space<smem>>
    %add3A_539 = vector.broadcast %get3A_538 : f32 to vector<784x128xf32>
    %add3A_540 = arith.addf %add3A_536, %add3A_539 : vector<784x128xf32>
    %tanh3A_541 = math.tanh %add3A_540 : vector<784x128xf32>
    %get3A_542 = arith.constant 19 : index
    %get3A_543 = memref.load %arg2[%get3A_542] : memref<32xf32, #tpu.memory_space<smem>>
    %mul3A_544 = vector.broadcast %get3A_543 : f32 to vector<784x128xf32>
    %mul3A_545 = arith.mulf %tanh3A_541, %mul3A_544 : vector<784x128xf32>
    %add3A_546 = arith.addf %add3A_519, %mul3A_545 : vector<784x128xf32>
    %get3A_547 = arith.constant 0 : index
    %get3A_548 = arith.constant 20 : index
    %get3A_549 = memref.load %arg0[%get3A_547, %get3A_548] : memref<3x32xf32, #tpu.memory_space<smem>>
    %mul3A_550 = vector.broadcast %get3A_549 : f32 to vector<784x128xf32>
    %mul3A_551 = arith.mulf %get3A_1, %mul3A_550 : vector<784x128xf32>
    %get3A_552 = arith.constant 1 : index
    %get3A_553 = arith.constant 20 : index
    %get3A_554 = memref.load %arg0[%get3A_552, %get3A_553] : memref<3x32xf32, #tpu.memory_space<smem>>
    %mul3A_555 = vector.broadcast %get3A_554 : f32 to vector<784x128xf32>
    %mul3A_556 = arith.mulf %get3A_4, %mul3A_555 : vector<784x128xf32>
    %add3A_557 = arith.addf %mul3A_551, %mul3A_556 : vector<784x128xf32>
    %get3A_558 = arith.constant 2 : index
    %get3A_559 = arith.constant 20 : index
    %get3A_560 = memref.load %arg0[%get3A_558, %get3A_559] : memref<3x32xf32, #tpu.memory_space<smem>>
    %mul3A_561 = vector.broadcast %get3A_560 : f32 to vector<784x128xf32>
    %mul3A_562 = arith.mulf %get3A_7, %mul3A_561 : vector<784x128xf32>
    %add3A_563 = arith.addf %add3A_557, %mul3A_562 : vector<784x128xf32>
    %get3A_564 = arith.constant 20 : index
    %get3A_565 = memref.load %arg1[%get3A_564] : memref<32xf32, #tpu.memory_space<smem>>
    %add3A_566 = vector.broadcast %get3A_565 : f32 to vector<784x128xf32>
    %add3A_567 = arith.addf %add3A_563, %add3A_566 : vector<784x128xf32>
    %tanh3A_568 = math.tanh %add3A_567 : vector<784x128xf32>
    %get3A_569 = arith.constant 20 : index
    %get3A_570 = memref.load %arg2[%get3A_569] : memref<32xf32, #tpu.memory_space<smem>>
    %mul3A_571 = vector.broadcast %get3A_570 : f32 to vector<784x128xf32>
    %mul3A_572 = arith.mulf %tanh3A_568, %mul3A_571 : vector<784x128xf32>
    %add3A_573 = arith.addf %add3A_546, %mul3A_572 : vector<784x128xf32>
    %get3A_574 = arith.constant 0 : index
    %get3A_575 = arith.constant 21 : index
    %get3A_576 = memref.load %arg0[%get3A_574, %get3A_575] : memref<3x32xf32, #tpu.memory_space<smem>>
    %mul3A_577 = vector.broadcast %get3A_576 : f32 to vector<784x128xf32>
    %mul3A_578 = arith.mulf %get3A_1, %mul3A_577 : vector<784x128xf32>
    %get3A_579 = arith.constant 1 : index
    %get3A_580 = arith.constant 21 : index
    %get3A_581 = memref.load %arg0[%get3A_579, %get3A_580] : memref<3x32xf32, #tpu.memory_space<smem>>
    %mul3A_582 = vector.broadcast %get3A_581 : f32 to vector<784x128xf32>
    %mul3A_583 = arith.mulf %get3A_4, %mul3A_582 : vector<784x128xf32>
    %add3A_584 = arith.addf %mul3A_578, %mul3A_583 : vector<784x128xf32>
    %get3A_585 = arith.constant 2 : index
    %get3A_586 = arith.constant 21 : index
    %get3A_587 = memref.load %arg0[%get3A_585, %get3A_586] : memref<3x32xf32, #tpu.memory_space<smem>>
    %mul3A_588 = vector.broadcast %get3A_587 : f32 to vector<784x128xf32>
    %mul3A_589 = arith.mulf %get3A_7, %mul3A_588 : vector<784x128xf32>
    %add3A_590 = arith.addf %add3A_584, %mul3A_589 : vector<784x128xf32>
    %get3A_591 = arith.constant 21 : index
    %get3A_592 = memref.load %arg1[%get3A_591] : memref<32xf32, #tpu.memory_space<smem>>
    %add3A_593 = vector.broadcast %get3A_592 : f32 to vector<784x128xf32>
    %add3A_594 = arith.addf %add3A_590, %add3A_593 : vector<784x128xf32>
    %tanh3A_595 = math.tanh %add3A_594 : vector<784x128xf32>
    %get3A_596 = arith.constant 21 : index
    %get3A_597 = memref.load %arg2[%get3A_596] : memref<32xf32, #tpu.memory_space<smem>>
    %mul3A_598 = vector.broadcast %get3A_597 : f32 to vector<784x128xf32>
    %mul3A_599 = arith.mulf %tanh3A_595, %mul3A_598 : vector<784x128xf32>
    %add3A_600 = arith.addf %add3A_573, %mul3A_599 : vector<784x128xf32>
    %get3A_601 = arith.constant 0 : index
    %get3A_602 = arith.constant 22 : index
    %get3A_603 = memref.load %arg0[%get3A_601, %get3A_602] : memref<3x32xf32, #tpu.memory_space<smem>>
    %mul3A_604 = vector.broadcast %get3A_603 : f32 to vector<784x128xf32>
    %mul3A_605 = arith.mulf %get3A_1, %mul3A_604 : vector<784x128xf32>
    %get3A_606 = arith.constant 1 : index
    %get3A_607 = arith.constant 22 : index
    %get3A_608 = memref.load %arg0[%get3A_606, %get3A_607] : memref<3x32xf32, #tpu.memory_space<smem>>
    %mul3A_609 = vector.broadcast %get3A_608 : f32 to vector<784x128xf32>
    %mul3A_610 = arith.mulf %get3A_4, %mul3A_609 : vector<784x128xf32>
    %add3A_611 = arith.addf %mul3A_605, %mul3A_610 : vector<784x128xf32>
    %get3A_612 = arith.constant 2 : index
    %get3A_613 = arith.constant 22 : index
    %get3A_614 = memref.load %arg0[%get3A_612, %get3A_613] : memref<3x32xf32, #tpu.memory_space<smem>>
    %mul3A_615 = vector.broadcast %get3A_614 : f32 to vector<784x128xf32>
    %mul3A_616 = arith.mulf %get3A_7, %mul3A_615 : vector<784x128xf32>
    %add3A_617 = arith.addf %add3A_611, %mul3A_616 : vector<784x128xf32>
    %get3A_618 = arith.constant 22 : index
    %get3A_619 = memref.load %arg1[%get3A_618] : memref<32xf32, #tpu.memory_space<smem>>
    %add3A_620 = vector.broadcast %get3A_619 : f32 to vector<784x128xf32>
    %add3A_621 = arith.addf %add3A_617, %add3A_620 : vector<784x128xf32>
    %tanh3A_622 = math.tanh %add3A_621 : vector<784x128xf32>
    %get3A_623 = arith.constant 22 : index
    %get3A_624 = memref.load %arg2[%get3A_623] : memref<32xf32, #tpu.memory_space<smem>>
    %mul3A_625 = vector.broadcast %get3A_624 : f32 to vector<784x128xf32>
    %mul3A_626 = arith.mulf %tanh3A_622, %mul3A_625 : vector<784x128xf32>
    %add3A_627 = arith.addf %add3A_600, %mul3A_626 : vector<784x128xf32>
    %get3A_628 = arith.constant 0 : index
    %get3A_629 = arith.constant 23 : index
    %get3A_630 = memref.load %arg0[%get3A_628, %get3A_629] : memref<3x32xf32, #tpu.memory_space<smem>>
    %mul3A_631 = vector.broadcast %get3A_630 : f32 to vector<784x128xf32>
    %mul3A_632 = arith.mulf %get3A_1, %mul3A_631 : vector<784x128xf32>
    %get3A_633 = arith.constant 1 : index
    %get3A_634 = arith.constant 23 : index
    %get3A_635 = memref.load %arg0[%get3A_633, %get3A_634] : memref<3x32xf32, #tpu.memory_space<smem>>
    %mul3A_636 = vector.broadcast %get3A_635 : f32 to vector<784x128xf32>
    %mul3A_637 = arith.mulf %get3A_4, %mul3A_636 : vector<784x128xf32>
    %add3A_638 = arith.addf %mul3A_632, %mul3A_637 : vector<784x128xf32>
    %get3A_639 = arith.constant 2 : index
    %get3A_640 = arith.constant 23 : index
    %get3A_641 = memref.load %arg0[%get3A_639, %get3A_640] : memref<3x32xf32, #tpu.memory_space<smem>>
    %mul3A_642 = vector.broadcast %get3A_641 : f32 to vector<784x128xf32>
    %mul3A_643 = arith.mulf %get3A_7, %mul3A_642 : vector<784x128xf32>
    %add3A_644 = arith.addf %add3A_638, %mul3A_643 : vector<784x128xf32>
    %get3A_645 = arith.constant 23 : index
    %get3A_646 = memref.load %arg1[%get3A_645] : memref<32xf32, #tpu.memory_space<smem>>
    %add3A_647 = vector.broadcast %get3A_646 : f32 to vector<784x128xf32>
    %add3A_648 = arith.addf %add3A_644, %add3A_647 : vector<784x128xf32>
    %tanh3A_649 = math.tanh %add3A_648 : vector<784x128xf32>
    %get3A_650 = arith.constant 23 : index
    %get3A_651 = memref.load %arg2[%get3A_650] : memref<32xf32, #tpu.memory_space<smem>>
    %mul3A_652 = vector.broadcast %get3A_651 : f32 to vector<784x128xf32>
    %mul3A_653 = arith.mulf %tanh3A_649, %mul3A_652 : vector<784x128xf32>
    %add3A_654 = arith.addf %add3A_627, %mul3A_653 : vector<784x128xf32>
    %get3A_655 = arith.constant 0 : index
    %get3A_656 = arith.constant 24 : index
    %get3A_657 = memref.load %arg0[%get3A_655, %get3A_656] : memref<3x32xf32, #tpu.memory_space<smem>>
    %mul3A_658 = vector.broadcast %get3A_657 : f32 to vector<784x128xf32>
    %mul3A_659 = arith.mulf %get3A_1, %mul3A_658 : vector<784x128xf32>
    %get3A_660 = arith.constant 1 : index
    %get3A_661 = arith.constant 24 : index
    %get3A_662 = memref.load %arg0[%get3A_660, %get3A_661] : memref<3x32xf32, #tpu.memory_space<smem>>
    %mul3A_663 = vector.broadcast %get3A_662 : f32 to vector<784x128xf32>
    %mul3A_664 = arith.mulf %get3A_4, %mul3A_663 : vector<784x128xf32>
    %add3A_665 = arith.addf %mul3A_659, %mul3A_664 : vector<784x128xf32>
    %get3A_666 = arith.constant 2 : index
    %get3A_667 = arith.constant 24 : index
    %get3A_668 = memref.load %arg0[%get3A_666, %get3A_667] : memref<3x32xf32, #tpu.memory_space<smem>>
    %mul3A_669 = vector.broadcast %get3A_668 : f32 to vector<784x128xf32>
    %mul3A_670 = arith.mulf %get3A_7, %mul3A_669 : vector<784x128xf32>
    %add3A_671 = arith.addf %add3A_665, %mul3A_670 : vector<784x128xf32>
    %get3A_672 = arith.constant 24 : index
    %get3A_673 = memref.load %arg1[%get3A_672] : memref<32xf32, #tpu.memory_space<smem>>
    %add3A_674 = vector.broadcast %get3A_673 : f32 to vector<784x128xf32>
    %add3A_675 = arith.addf %add3A_671, %add3A_674 : vector<784x128xf32>
    %tanh3A_676 = math.tanh %add3A_675 : vector<784x128xf32>
    %get3A_677 = arith.constant 24 : index
    %get3A_678 = memref.load %arg2[%get3A_677] : memref<32xf32, #tpu.memory_space<smem>>
    %mul3A_679 = vector.broadcast %get3A_678 : f32 to vector<784x128xf32>
    %mul3A_680 = arith.mulf %tanh3A_676, %mul3A_679 : vector<784x128xf32>
    %add3A_681 = arith.addf %add3A_654, %mul3A_680 : vector<784x128xf32>
    %get3A_682 = arith.constant 0 : index
    %get3A_683 = arith.constant 25 : index
    %get3A_684 = memref.load %arg0[%get3A_682, %get3A_683] : memref<3x32xf32, #tpu.memory_space<smem>>
    %mul3A_685 = vector.broadcast %get3A_684 : f32 to vector<784x128xf32>
    %mul3A_686 = arith.mulf %get3A_1, %mul3A_685 : vector<784x128xf32>
    %get3A_687 = arith.constant 1 : index
    %get3A_688 = arith.constant 25 : index
    %get3A_689 = memref.load %arg0[%get3A_687, %get3A_688] : memref<3x32xf32, #tpu.memory_space<smem>>
    %mul3A_690 = vector.broadcast %get3A_689 : f32 to vector<784x128xf32>
    %mul3A_691 = arith.mulf %get3A_4, %mul3A_690 : vector<784x128xf32>
    %add3A_692 = arith.addf %mul3A_686, %mul3A_691 : vector<784x128xf32>
    %get3A_693 = arith.constant 2 : index
    %get3A_694 = arith.constant 25 : index
    %get3A_695 = memref.load %arg0[%get3A_693, %get3A_694] : memref<3x32xf32, #tpu.memory_space<smem>>
    %mul3A_696 = vector.broadcast %get3A_695 : f32 to vector<784x128xf32>
    %mul3A_697 = arith.mulf %get3A_7, %mul3A_696 : vector<784x128xf32>
    %add3A_698 = arith.addf %add3A_692, %mul3A_697 : vector<784x128xf32>
    %get3A_699 = arith.constant 25 : index
    %get3A_700 = memref.load %arg1[%get3A_699] : memref<32xf32, #tpu.memory_space<smem>>
    %add3A_701 = vector.broadcast %get3A_700 : f32 to vector<784x128xf32>
    %add3A_702 = arith.addf %add3A_698, %add3A_701 : vector<784x128xf32>
    %tanh3A_703 = math.tanh %add3A_702 : vector<784x128xf32>
    %get3A_704 = arith.constant 25 : index
    %get3A_705 = memref.load %arg2[%get3A_704] : memref<32xf32, #tpu.memory_space<smem>>
    %mul3A_706 = vector.broadcast %get3A_705 : f32 to vector<784x128xf32>
    %mul3A_707 = arith.mulf %tanh3A_703, %mul3A_706 : vector<784x128xf32>
    %add3A_708 = arith.addf %add3A_681, %mul3A_707 : vector<784x128xf32>
    %get3A_709 = arith.constant 0 : index
    %get3A_710 = arith.constant 26 : index
    %get3A_711 = memref.load %arg0[%get3A_709, %get3A_710] : memref<3x32xf32, #tpu.memory_space<smem>>
    %mul3A_712 = vector.broadcast %get3A_711 : f32 to vector<784x128xf32>
    %mul3A_713 = arith.mulf %get3A_1, %mul3A_712 : vector<784x128xf32>
    %get3A_714 = arith.constant 1 : index
    %get3A_715 = arith.constant 26 : index
    %get3A_716 = memref.load %arg0[%get3A_714, %get3A_715] : memref<3x32xf32, #tpu.memory_space<smem>>
    %mul3A_717 = vector.broadcast %get3A_716 : f32 to vector<784x128xf32>
    %mul3A_718 = arith.mulf %get3A_4, %mul3A_717 : vector<784x128xf32>
    %add3A_719 = arith.addf %mul3A_713, %mul3A_718 : vector<784x128xf32>
    %get3A_720 = arith.constant 2 : index
    %get3A_721 = arith.constant 26 : index
    %get3A_722 = memref.load %arg0[%get3A_720, %get3A_721] : memref<3x32xf32, #tpu.memory_space<smem>>
    %mul3A_723 = vector.broadcast %get3A_722 : f32 to vector<784x128xf32>
    %mul3A_724 = arith.mulf %get3A_7, %mul3A_723 : vector<784x128xf32>
    %add3A_725 = arith.addf %add3A_719, %mul3A_724 : vector<784x128xf32>
    %get3A_726 = arith.constant 26 : index
    %get3A_727 = memref.load %arg1[%get3A_726] : memref<32xf32, #tpu.memory_space<smem>>
    %add3A_728 = vector.broadcast %get3A_727 : f32 to vector<784x128xf32>
    %add3A_729 = arith.addf %add3A_725, %add3A_728 : vector<784x128xf32>
    %tanh3A_730 = math.tanh %add3A_729 : vector<784x128xf32>
    %get3A_731 = arith.constant 26 : index
    %get3A_732 = memref.load %arg2[%get3A_731] : memref<32xf32, #tpu.memory_space<smem>>
    %mul3A_733 = vector.broadcast %get3A_732 : f32 to vector<784x128xf32>
    %mul3A_734 = arith.mulf %tanh3A_730, %mul3A_733 : vector<784x128xf32>
    %add3A_735 = arith.addf %add3A_708, %mul3A_734 : vector<784x128xf32>
    %get3A_736 = arith.constant 0 : index
    %get3A_737 = arith.constant 27 : index
    %get3A_738 = memref.load %arg0[%get3A_736, %get3A_737] : memref<3x32xf32, #tpu.memory_space<smem>>
    %mul3A_739 = vector.broadcast %get3A_738 : f32 to vector<784x128xf32>
    %mul3A_740 = arith.mulf %get3A_1, %mul3A_739 : vector<784x128xf32>
    %get3A_741 = arith.constant 1 : index
    %get3A_742 = arith.constant 27 : index
    %get3A_743 = memref.load %arg0[%get3A_741, %get3A_742] : memref<3x32xf32, #tpu.memory_space<smem>>
    %mul3A_744 = vector.broadcast %get3A_743 : f32 to vector<784x128xf32>
    %mul3A_745 = arith.mulf %get3A_4, %mul3A_744 : vector<784x128xf32>
    %add3A_746 = arith.addf %mul3A_740, %mul3A_745 : vector<784x128xf32>
    %get3A_747 = arith.constant 2 : index
    %get3A_748 = arith.constant 27 : index
    %get3A_749 = memref.load %arg0[%get3A_747, %get3A_748] : memref<3x32xf32, #tpu.memory_space<smem>>
    %mul3A_750 = vector.broadcast %get3A_749 : f32 to vector<784x128xf32>
    %mul3A_751 = arith.mulf %get3A_7, %mul3A_750 : vector<784x128xf32>
    %add3A_752 = arith.addf %add3A_746, %mul3A_751 : vector<784x128xf32>
    %get3A_753 = arith.constant 27 : index
    %get3A_754 = memref.load %arg1[%get3A_753] : memref<32xf32, #tpu.memory_space<smem>>
    %add3A_755 = vector.broadcast %get3A_754 : f32 to vector<784x128xf32>
    %add3A_756 = arith.addf %add3A_752, %add3A_755 : vector<784x128xf32>
    %tanh3A_757 = math.tanh %add3A_756 : vector<784x128xf32>
    %get3A_758 = arith.constant 27 : index
    %get3A_759 = memref.load %arg2[%get3A_758] : memref<32xf32, #tpu.memory_space<smem>>
    %mul3A_760 = vector.broadcast %get3A_759 : f32 to vector<784x128xf32>
    %mul3A_761 = arith.mulf %tanh3A_757, %mul3A_760 : vector<784x128xf32>
    %add3A_762 = arith.addf %add3A_735, %mul3A_761 : vector<784x128xf32>
    %get3A_763 = arith.constant 0 : index
    %get3A_764 = arith.constant 28 : index
    %get3A_765 = memref.load %arg0[%get3A_763, %get3A_764] : memref<3x32xf32, #tpu.memory_space<smem>>
    %mul3A_766 = vector.broadcast %get3A_765 : f32 to vector<784x128xf32>
    %mul3A_767 = arith.mulf %get3A_1, %mul3A_766 : vector<784x128xf32>
    %get3A_768 = arith.constant 1 : index
    %get3A_769 = arith.constant 28 : index
    %get3A_770 = memref.load %arg0[%get3A_768, %get3A_769] : memref<3x32xf32, #tpu.memory_space<smem>>
    %mul3A_771 = vector.broadcast %get3A_770 : f32 to vector<784x128xf32>
    %mul3A_772 = arith.mulf %get3A_4, %mul3A_771 : vector<784x128xf32>
    %add3A_773 = arith.addf %mul3A_767, %mul3A_772 : vector<784x128xf32>
    %get3A_774 = arith.constant 2 : index
    %get3A_775 = arith.constant 28 : index
    %get3A_776 = memref.load %arg0[%get3A_774, %get3A_775] : memref<3x32xf32, #tpu.memory_space<smem>>
    %mul3A_777 = vector.broadcast %get3A_776 : f32 to vector<784x128xf32>
    %mul3A_778 = arith.mulf %get3A_7, %mul3A_777 : vector<784x128xf32>
    %add3A_779 = arith.addf %add3A_773, %mul3A_778 : vector<784x128xf32>
    %get3A_780 = arith.constant 28 : index
    %get3A_781 = memref.load %arg1[%get3A_780] : memref<32xf32, #tpu.memory_space<smem>>
    %add3A_782 = vector.broadcast %get3A_781 : f32 to vector<784x128xf32>
    %add3A_783 = arith.addf %add3A_779, %add3A_782 : vector<784x128xf32>
    %tanh3A_784 = math.tanh %add3A_783 : vector<784x128xf32>
    %get3A_785 = arith.constant 28 : index
    %get3A_786 = memref.load %arg2[%get3A_785] : memref<32xf32, #tpu.memory_space<smem>>
    %mul3A_787 = vector.broadcast %get3A_786 : f32 to vector<784x128xf32>
    %mul3A_788 = arith.mulf %tanh3A_784, %mul3A_787 : vector<784x128xf32>
    %add3A_789 = arith.addf %add3A_762, %mul3A_788 : vector<784x128xf32>
    %get3A_790 = arith.constant 0 : index
    %get3A_791 = arith.constant 29 : index
    %get3A_792 = memref.load %arg0[%get3A_790, %get3A_791] : memref<3x32xf32, #tpu.memory_space<smem>>
    %mul3A_793 = vector.broadcast %get3A_792 : f32 to vector<784x128xf32>
    %mul3A_794 = arith.mulf %get3A_1, %mul3A_793 : vector<784x128xf32>
    %get3A_795 = arith.constant 1 : index
    %get3A_796 = arith.constant 29 : index
    %get3A_797 = memref.load %arg0[%get3A_795, %get3A_796] : memref<3x32xf32, #tpu.memory_space<smem>>
    %mul3A_798 = vector.broadcast %get3A_797 : f32 to vector<784x128xf32>
    %mul3A_799 = arith.mulf %get3A_4, %mul3A_798 : vector<784x128xf32>
    %add3A_800 = arith.addf %mul3A_794, %mul3A_799 : vector<784x128xf32>
    %get3A_801 = arith.constant 2 : index
    %get3A_802 = arith.constant 29 : index
    %get3A_803 = memref.load %arg0[%get3A_801, %get3A_802] : memref<3x32xf32, #tpu.memory_space<smem>>
    %mul3A_804 = vector.broadcast %get3A_803 : f32 to vector<784x128xf32>
    %mul3A_805 = arith.mulf %get3A_7, %mul3A_804 : vector<784x128xf32>
    %add3A_806 = arith.addf %add3A_800, %mul3A_805 : vector<784x128xf32>
    %get3A_807 = arith.constant 29 : index
    %get3A_808 = memref.load %arg1[%get3A_807] : memref<32xf32, #tpu.memory_space<smem>>
    %add3A_809 = vector.broadcast %get3A_808 : f32 to vector<784x128xf32>
    %add3A_810 = arith.addf %add3A_806, %add3A_809 : vector<784x128xf32>
    %tanh3A_811 = math.tanh %add3A_810 : vector<784x128xf32>
    %get3A_812 = arith.constant 29 : index
    %get3A_813 = memref.load %arg2[%get3A_812] : memref<32xf32, #tpu.memory_space<smem>>
    %mul3A_814 = vector.broadcast %get3A_813 : f32 to vector<784x128xf32>
    %mul3A_815 = arith.mulf %tanh3A_811, %mul3A_814 : vector<784x128xf32>
    %add3A_816 = arith.addf %add3A_789, %mul3A_815 : vector<784x128xf32>
    %get3A_817 = arith.constant 0 : index
    %get3A_818 = arith.constant 30 : index
    %get3A_819 = memref.load %arg0[%get3A_817, %get3A_818] : memref<3x32xf32, #tpu.memory_space<smem>>
    %mul3A_820 = vector.broadcast %get3A_819 : f32 to vector<784x128xf32>
    %mul3A_821 = arith.mulf %get3A_1, %mul3A_820 : vector<784x128xf32>
    %get3A_822 = arith.constant 1 : index
    %get3A_823 = arith.constant 30 : index
    %get3A_824 = memref.load %arg0[%get3A_822, %get3A_823] : memref<3x32xf32, #tpu.memory_space<smem>>
    %mul3A_825 = vector.broadcast %get3A_824 : f32 to vector<784x128xf32>
    %mul3A_826 = arith.mulf %get3A_4, %mul3A_825 : vector<784x128xf32>
    %add3A_827 = arith.addf %mul3A_821, %mul3A_826 : vector<784x128xf32>
    %get3A_828 = arith.constant 2 : index
    %get3A_829 = arith.constant 30 : index
    %get3A_830 = memref.load %arg0[%get3A_828, %get3A_829] : memref<3x32xf32, #tpu.memory_space<smem>>
    %mul3A_831 = vector.broadcast %get3A_830 : f32 to vector<784x128xf32>
    %mul3A_832 = arith.mulf %get3A_7, %mul3A_831 : vector<784x128xf32>
    %add3A_833 = arith.addf %add3A_827, %mul3A_832 : vector<784x128xf32>
    %get3A_834 = arith.constant 30 : index
    %get3A_835 = memref.load %arg1[%get3A_834] : memref<32xf32, #tpu.memory_space<smem>>
    %add3A_836 = vector.broadcast %get3A_835 : f32 to vector<784x128xf32>
    %add3A_837 = arith.addf %add3A_833, %add3A_836 : vector<784x128xf32>
    %tanh3A_838 = math.tanh %add3A_837 : vector<784x128xf32>
    %get3A_839 = arith.constant 30 : index
    %get3A_840 = memref.load %arg2[%get3A_839] : memref<32xf32, #tpu.memory_space<smem>>
    %mul3A_841 = vector.broadcast %get3A_840 : f32 to vector<784x128xf32>
    %mul3A_842 = arith.mulf %tanh3A_838, %mul3A_841 : vector<784x128xf32>
    %add3A_843 = arith.addf %add3A_816, %mul3A_842 : vector<784x128xf32>
    %get3A_844 = arith.constant 0 : index
    %get3A_845 = arith.constant 31 : index
    %get3A_846 = memref.load %arg0[%get3A_844, %get3A_845] : memref<3x32xf32, #tpu.memory_space<smem>>
    %mul3A_847 = vector.broadcast %get3A_846 : f32 to vector<784x128xf32>
    %mul3A_848 = arith.mulf %get3A_1, %mul3A_847 : vector<784x128xf32>
    %get3A_849 = arith.constant 1 : index
    %get3A_850 = arith.constant 31 : index
    %get3A_851 = memref.load %arg0[%get3A_849, %get3A_850] : memref<3x32xf32, #tpu.memory_space<smem>>
    %mul3A_852 = vector.broadcast %get3A_851 : f32 to vector<784x128xf32>
    %mul3A_853 = arith.mulf %get3A_4, %mul3A_852 : vector<784x128xf32>
    %add3A_854 = arith.addf %mul3A_848, %mul3A_853 : vector<784x128xf32>
    %get3A_855 = arith.constant 2 : index
    %get3A_856 = arith.constant 31 : index
    %get3A_857 = memref.load %arg0[%get3A_855, %get3A_856] : memref<3x32xf32, #tpu.memory_space<smem>>
    %mul3A_858 = vector.broadcast %get3A_857 : f32 to vector<784x128xf32>
    %mul3A_859 = arith.mulf %get3A_7, %mul3A_858 : vector<784x128xf32>
    %add3A_860 = arith.addf %add3A_854, %mul3A_859 : vector<784x128xf32>
    %get3A_861 = arith.constant 31 : index
    %get3A_862 = memref.load %arg1[%get3A_861] : memref<32xf32, #tpu.memory_space<smem>>
    %add3A_863 = vector.broadcast %get3A_862 : f32 to vector<784x128xf32>
    %add3A_864 = arith.addf %add3A_860, %add3A_863 : vector<784x128xf32>
    %tanh3A_865 = math.tanh %add3A_864 : vector<784x128xf32>
    %get3A_866 = arith.constant 31 : index
    %get3A_867 = memref.load %arg2[%get3A_866] : memref<32xf32, #tpu.memory_space<smem>>
    %mul3A_868 = vector.broadcast %get3A_867 : f32 to vector<784x128xf32>
    %mul3A_869 = arith.mulf %tanh3A_865, %mul3A_868 : vector<784x128xf32>
    %add3A_870 = arith.addf %add3A_843, %mul3A_869 : vector<784x128xf32>
    %mul3A_871 = arith.mulf %add3A_870, %add3A_870 : vector<784x128xf32>
    %swap3A = arith.constant 0 : index
    %swap3A_872 = arith.constant 0 : index
    %swap3A_873 = vector.load %arg7[%swap3A, %swap3A_872] : memref<784x128xf32, #tpu.memory_space<vmem>>, vector<784x128xf32>
    tpu.vector_store %arg7[%swap3A, %swap3A_872], %mul3A_871 {strides = array<i32>} : memref<784x128xf32, #tpu.memory_space<vmem>>, vector<784x128xf32>,
    return
  }
}

module attributes {stable_mosaic.version = 14 : i64} {
  func.func @_out_body(%arg0: memref<5x32xf32, #tpu.memory_space<smem>>, %arg1: memref<32xf32, #tpu.memory_space<smem>>, %arg2: memref<32xf32, #tpu.memory_space<smem>>, %arg3: memref<1xf32, #tpu.memory_space<smem>>, %arg4: memref<784x128xf32, #tpu.memory_space<vmem>>, %arg5: memref<784x128xf32, #tpu.memory_space<vmem>>, %arg6: memref<784x128xf32, #tpu.memory_space<vmem>>, %arg7: memref<784x128xf32, #tpu.memory_space<vmem>>, %arg8: memref<784x128xf32, #tpu.memory_space<vmem>>, %arg9: memref<784x128xf32, #tpu.memory_space<vmem>>, %arg10: memref<784x128xf32, #tpu.memory_space<vmem>>) attributes {dimension_semantics = [], scalar_prefetch = 0 : i64, scratch_operands = 0 : i64, tpu.core_type = #tpu.core_type<tc>} {
    %get3A = arith.constant 0 : index
    %get3A_0 = arith.constant 0 : index
    %get3A_1 = vector.load %arg4[%get3A, %get3A_0] : memref<784x128xf32, #tpu.memory_space<vmem>>, vector<784x128xf32>
    %get3A_2 = arith.constant 0 : index
    %get3A_3 = arith.constant 0 : index
    %get3A_4 = vector.load %arg5[%get3A_2, %get3A_3] : memref<784x128xf32, #tpu.memory_space<vmem>>, vector<784x128xf32>
    %get3A_5 = arith.constant 0 : index
    %get3A_6 = arith.constant 0 : index
    %get3A_7 = vector.load %arg6[%get3A_5, %get3A_6] : memref<784x128xf32, #tpu.memory_space<vmem>>, vector<784x128xf32>
    %get3A_8 = arith.constant 0 : index
    %get3A_9 = arith.constant 0 : index
    %get3A_10 = vector.load %arg8[%get3A_8, %get3A_9] : memref<784x128xf32, #tpu.memory_space<vmem>>, vector<784x128xf32>
    %get3A_11 = arith.constant 0 : index
    %get3A_12 = arith.constant 0 : index
    %get3A_13 = vector.load %arg9[%get3A_11, %get3A_12] : memref<784x128xf32, #tpu.memory_space<vmem>>, vector<784x128xf32>
    %add3A = arith.addf %get3A_10, %get3A_13 : vector<784x128xf32>
    %get3A_14 = arith.constant 0 : index
    %get3A_15 = arith.constant 0 : index
    %get3A_16 = vector.load %arg7[%get3A_14, %get3A_15] : memref<784x128xf32, #tpu.memory_space<vmem>>, vector<784x128xf32>
    %get3A_17 = arith.constant 0 : index
    %get3A_18 = memref.load %arg3[%get3A_17] : memref<1xf32, #tpu.memory_space<smem>>
    %broadcast_in_dim3A = vector.broadcast %get3A_18 : f32 to vector<784x128xf32>
    %get3A_19 = arith.constant 0 : index
    %get3A_20 = arith.constant 0 : index
    %get3A_21 = memref.load %arg0[%get3A_19, %get3A_20] : memref<5x32xf32, #tpu.memory_space<smem>>
    %mul3A = vector.broadcast %get3A_21 : f32 to vector<784x128xf32>
    %mul3A_22 = arith.mulf %get3A_1, %mul3A : vector<784x128xf32>
    %get3A_23 = arith.constant 1 : index
    %get3A_24 = arith.constant 0 : index
    %get3A_25 = memref.load %arg0[%get3A_23, %get3A_24] : memref<5x32xf32, #tpu.memory_space<smem>>
    %mul3A_26 = vector.broadcast %get3A_25 : f32 to vector<784x128xf32>
    %mul3A_27 = arith.mulf %get3A_4, %mul3A_26 : vector<784x128xf32>
    %add3A_28 = arith.addf %mul3A_22, %mul3A_27 : vector<784x128xf32>
    %get3A_29 = arith.constant 2 : index
    %get3A_30 = arith.constant 0 : index
    %get3A_31 = memref.load %arg0[%get3A_29, %get3A_30] : memref<5x32xf32, #tpu.memory_space<smem>>
    %mul3A_32 = vector.broadcast %get3A_31 : f32 to vector<784x128xf32>
    %mul3A_33 = arith.mulf %get3A_7, %mul3A_32 : vector<784x128xf32>
    %add3A_34 = arith.addf %add3A_28, %mul3A_33 : vector<784x128xf32>
    %get3A_35 = arith.constant 3 : index
    %get3A_36 = arith.constant 0 : index
    %get3A_37 = memref.load %arg0[%get3A_35, %get3A_36] : memref<5x32xf32, #tpu.memory_space<smem>>
    %mul3A_38 = vector.broadcast %get3A_37 : f32 to vector<784x128xf32>
    %mul3A_39 = arith.mulf %add3A, %mul3A_38 : vector<784x128xf32>
    %add3A_40 = arith.addf %add3A_34, %mul3A_39 : vector<784x128xf32>
    %get3A_41 = arith.constant 4 : index
    %get3A_42 = arith.constant 0 : index
    %get3A_43 = memref.load %arg0[%get3A_41, %get3A_42] : memref<5x32xf32, #tpu.memory_space<smem>>
    %mul3A_44 = vector.broadcast %get3A_43 : f32 to vector<784x128xf32>
    %mul3A_45 = arith.mulf %get3A_16, %mul3A_44 : vector<784x128xf32>
    %add3A_46 = arith.addf %add3A_40, %mul3A_45 : vector<784x128xf32>
    %get3A_47 = arith.constant 0 : index
    %get3A_48 = memref.load %arg1[%get3A_47] : memref<32xf32, #tpu.memory_space<smem>>
    %add3A_49 = vector.broadcast %get3A_48 : f32 to vector<784x128xf32>
    %add3A_50 = arith.addf %add3A_46, %add3A_49 : vector<784x128xf32>
    %tanh3A = math.tanh %add3A_50 : vector<784x128xf32>
    %get3A_51 = arith.constant 0 : index
    %get3A_52 = memref.load %arg2[%get3A_51] : memref<32xf32, #tpu.memory_space<smem>>
    %mul3A_53 = vector.broadcast %get3A_52 : f32 to vector<784x128xf32>
    %mul3A_54 = arith.mulf %tanh3A, %mul3A_53 : vector<784x128xf32>
    %add3A_55 = arith.addf %broadcast_in_dim3A, %mul3A_54 : vector<784x128xf32>
    %get3A_56 = arith.constant 0 : index
    %get3A_57 = arith.constant 1 : index
    %get3A_58 = memref.load %arg0[%get3A_56, %get3A_57] : memref<5x32xf32, #tpu.memory_space<smem>>
    %mul3A_59 = vector.broadcast %get3A_58 : f32 to vector<784x128xf32>
    %mul3A_60 = arith.mulf %get3A_1, %mul3A_59 : vector<784x128xf32>
    %get3A_61 = arith.constant 1 : index
    %get3A_62 = arith.constant 1 : index
    %get3A_63 = memref.load %arg0[%get3A_61, %get3A_62] : memref<5x32xf32, #tpu.memory_space<smem>>
    %mul3A_64 = vector.broadcast %get3A_63 : f32 to vector<784x128xf32>
    %mul3A_65 = arith.mulf %get3A_4, %mul3A_64 : vector<784x128xf32>
    %add3A_66 = arith.addf %mul3A_60, %mul3A_65 : vector<784x128xf32>
    %get3A_67 = arith.constant 2 : index
    %get3A_68 = arith.constant 1 : index
    %get3A_69 = memref.load %arg0[%get3A_67, %get3A_68] : memref<5x32xf32, #tpu.memory_space<smem>>
    %mul3A_70 = vector.broadcast %get3A_69 : f32 to vector<784x128xf32>
    %mul3A_71 = arith.mulf %get3A_7, %mul3A_70 : vector<784x128xf32>
    %add3A_72 = arith.addf %add3A_66, %mul3A_71 : vector<784x128xf32>
    %get3A_73 = arith.constant 3 : index
    %get3A_74 = arith.constant 1 : index
    %get3A_75 = memref.load %arg0[%get3A_73, %get3A_74] : memref<5x32xf32, #tpu.memory_space<smem>>
    %mul3A_76 = vector.broadcast %get3A_75 : f32 to vector<784x128xf32>
    %mul3A_77 = arith.mulf %add3A, %mul3A_76 : vector<784x128xf32>
    %add3A_78 = arith.addf %add3A_72, %mul3A_77 : vector<784x128xf32>
    %get3A_79 = arith.constant 4 : index
    %get3A_80 = arith.constant 1 : index
    %get3A_81 = memref.load %arg0[%get3A_79, %get3A_80] : memref<5x32xf32, #tpu.memory_space<smem>>
    %mul3A_82 = vector.broadcast %get3A_81 : f32 to vector<784x128xf32>
    %mul3A_83 = arith.mulf %get3A_16, %mul3A_82 : vector<784x128xf32>
    %add3A_84 = arith.addf %add3A_78, %mul3A_83 : vector<784x128xf32>
    %get3A_85 = arith.constant 1 : index
    %get3A_86 = memref.load %arg1[%get3A_85] : memref<32xf32, #tpu.memory_space<smem>>
    %add3A_87 = vector.broadcast %get3A_86 : f32 to vector<784x128xf32>
    %add3A_88 = arith.addf %add3A_84, %add3A_87 : vector<784x128xf32>
    %tanh3A_89 = math.tanh %add3A_88 : vector<784x128xf32>
    %get3A_90 = arith.constant 1 : index
    %get3A_91 = memref.load %arg2[%get3A_90] : memref<32xf32, #tpu.memory_space<smem>>
    %mul3A_92 = vector.broadcast %get3A_91 : f32 to vector<784x128xf32>
    %mul3A_93 = arith.mulf %tanh3A_89, %mul3A_92 : vector<784x128xf32>
    %add3A_94 = arith.addf %add3A_55, %mul3A_93 : vector<784x128xf32>
    %get3A_95 = arith.constant 0 : index
    %get3A_96 = arith.constant 2 : index
    %get3A_97 = memref.load %arg0[%get3A_95, %get3A_96] : memref<5x32xf32, #tpu.memory_space<smem>>
    %mul3A_98 = vector.broadcast %get3A_97 : f32 to vector<784x128xf32>
    %mul3A_99 = arith.mulf %get3A_1, %mul3A_98 : vector<784x128xf32>
    %get3A_100 = arith.constant 1 : index
    %get3A_101 = arith.constant 2 : index
    %get3A_102 = memref.load %arg0[%get3A_100, %get3A_101] : memref<5x32xf32, #tpu.memory_space<smem>>
    %mul3A_103 = vector.broadcast %get3A_102 : f32 to vector<784x128xf32>
    %mul3A_104 = arith.mulf %get3A_4, %mul3A_103 : vector<784x128xf32>
    %add3A_105 = arith.addf %mul3A_99, %mul3A_104 : vector<784x128xf32>
    %get3A_106 = arith.constant 2 : index
    %get3A_107 = arith.constant 2 : index
    %get3A_108 = memref.load %arg0[%get3A_106, %get3A_107] : memref<5x32xf32, #tpu.memory_space<smem>>
    %mul3A_109 = vector.broadcast %get3A_108 : f32 to vector<784x128xf32>
    %mul3A_110 = arith.mulf %get3A_7, %mul3A_109 : vector<784x128xf32>
    %add3A_111 = arith.addf %add3A_105, %mul3A_110 : vector<784x128xf32>
    %get3A_112 = arith.constant 3 : index
    %get3A_113 = arith.constant 2 : index
    %get3A_114 = memref.load %arg0[%get3A_112, %get3A_113] : memref<5x32xf32, #tpu.memory_space<smem>>
    %mul3A_115 = vector.broadcast %get3A_114 : f32 to vector<784x128xf32>
    %mul3A_116 = arith.mulf %add3A, %mul3A_115 : vector<784x128xf32>
    %add3A_117 = arith.addf %add3A_111, %mul3A_116 : vector<784x128xf32>
    %get3A_118 = arith.constant 4 : index
    %get3A_119 = arith.constant 2 : index
    %get3A_120 = memref.load %arg0[%get3A_118, %get3A_119] : memref<5x32xf32, #tpu.memory_space<smem>>
    %mul3A_121 = vector.broadcast %get3A_120 : f32 to vector<784x128xf32>
    %mul3A_122 = arith.mulf %get3A_16, %mul3A_121 : vector<784x128xf32>
    %add3A_123 = arith.addf %add3A_117, %mul3A_122 : vector<784x128xf32>
    %get3A_124 = arith.constant 2 : index
    %get3A_125 = memref.load %arg1[%get3A_124] : memref<32xf32, #tpu.memory_space<smem>>
    %add3A_126 = vector.broadcast %get3A_125 : f32 to vector<784x128xf32>
    %add3A_127 = arith.addf %add3A_123, %add3A_126 : vector<784x128xf32>
    %tanh3A_128 = math.tanh %add3A_127 : vector<784x128xf32>
    %get3A_129 = arith.constant 2 : index
    %get3A_130 = memref.load %arg2[%get3A_129] : memref<32xf32, #tpu.memory_space<smem>>
    %mul3A_131 = vector.broadcast %get3A_130 : f32 to vector<784x128xf32>
    %mul3A_132 = arith.mulf %tanh3A_128, %mul3A_131 : vector<784x128xf32>
    %add3A_133 = arith.addf %add3A_94, %mul3A_132 : vector<784x128xf32>
    %get3A_134 = arith.constant 0 : index
    %get3A_135 = arith.constant 3 : index
    %get3A_136 = memref.load %arg0[%get3A_134, %get3A_135] : memref<5x32xf32, #tpu.memory_space<smem>>
    %mul3A_137 = vector.broadcast %get3A_136 : f32 to vector<784x128xf32>
    %mul3A_138 = arith.mulf %get3A_1, %mul3A_137 : vector<784x128xf32>
    %get3A_139 = arith.constant 1 : index
    %get3A_140 = arith.constant 3 : index
    %get3A_141 = memref.load %arg0[%get3A_139, %get3A_140] : memref<5x32xf32, #tpu.memory_space<smem>>
    %mul3A_142 = vector.broadcast %get3A_141 : f32 to vector<784x128xf32>
    %mul3A_143 = arith.mulf %get3A_4, %mul3A_142 : vector<784x128xf32>
    %add3A_144 = arith.addf %mul3A_138, %mul3A_143 : vector<784x128xf32>
    %get3A_145 = arith.constant 2 : index
    %get3A_146 = arith.constant 3 : index
    %get3A_147 = memref.load %arg0[%get3A_145, %get3A_146] : memref<5x32xf32, #tpu.memory_space<smem>>
    %mul3A_148 = vector.broadcast %get3A_147 : f32 to vector<784x128xf32>
    %mul3A_149 = arith.mulf %get3A_7, %mul3A_148 : vector<784x128xf32>
    %add3A_150 = arith.addf %add3A_144, %mul3A_149 : vector<784x128xf32>
    %get3A_151 = arith.constant 3 : index
    %get3A_152 = arith.constant 3 : index
    %get3A_153 = memref.load %arg0[%get3A_151, %get3A_152] : memref<5x32xf32, #tpu.memory_space<smem>>
    %mul3A_154 = vector.broadcast %get3A_153 : f32 to vector<784x128xf32>
    %mul3A_155 = arith.mulf %add3A, %mul3A_154 : vector<784x128xf32>
    %add3A_156 = arith.addf %add3A_150, %mul3A_155 : vector<784x128xf32>
    %get3A_157 = arith.constant 4 : index
    %get3A_158 = arith.constant 3 : index
    %get3A_159 = memref.load %arg0[%get3A_157, %get3A_158] : memref<5x32xf32, #tpu.memory_space<smem>>
    %mul3A_160 = vector.broadcast %get3A_159 : f32 to vector<784x128xf32>
    %mul3A_161 = arith.mulf %get3A_16, %mul3A_160 : vector<784x128xf32>
    %add3A_162 = arith.addf %add3A_156, %mul3A_161 : vector<784x128xf32>
    %get3A_163 = arith.constant 3 : index
    %get3A_164 = memref.load %arg1[%get3A_163] : memref<32xf32, #tpu.memory_space<smem>>
    %add3A_165 = vector.broadcast %get3A_164 : f32 to vector<784x128xf32>
    %add3A_166 = arith.addf %add3A_162, %add3A_165 : vector<784x128xf32>
    %tanh3A_167 = math.tanh %add3A_166 : vector<784x128xf32>
    %get3A_168 = arith.constant 3 : index
    %get3A_169 = memref.load %arg2[%get3A_168] : memref<32xf32, #tpu.memory_space<smem>>
    %mul3A_170 = vector.broadcast %get3A_169 : f32 to vector<784x128xf32>
    %mul3A_171 = arith.mulf %tanh3A_167, %mul3A_170 : vector<784x128xf32>
    %add3A_172 = arith.addf %add3A_133, %mul3A_171 : vector<784x128xf32>
    %get3A_173 = arith.constant 0 : index
    %get3A_174 = arith.constant 4 : index
    %get3A_175 = memref.load %arg0[%get3A_173, %get3A_174] : memref<5x32xf32, #tpu.memory_space<smem>>
    %mul3A_176 = vector.broadcast %get3A_175 : f32 to vector<784x128xf32>
    %mul3A_177 = arith.mulf %get3A_1, %mul3A_176 : vector<784x128xf32>
    %get3A_178 = arith.constant 1 : index
    %get3A_179 = arith.constant 4 : index
    %get3A_180 = memref.load %arg0[%get3A_178, %get3A_179] : memref<5x32xf32, #tpu.memory_space<smem>>
    %mul3A_181 = vector.broadcast %get3A_180 : f32 to vector<784x128xf32>
    %mul3A_182 = arith.mulf %get3A_4, %mul3A_181 : vector<784x128xf32>
    %add3A_183 = arith.addf %mul3A_177, %mul3A_182 : vector<784x128xf32>
    %get3A_184 = arith.constant 2 : index
    %get3A_185 = arith.constant 4 : index
    %get3A_186 = memref.load %arg0[%get3A_184, %get3A_185] : memref<5x32xf32, #tpu.memory_space<smem>>
    %mul3A_187 = vector.broadcast %get3A_186 : f32 to vector<784x128xf32>
    %mul3A_188 = arith.mulf %get3A_7, %mul3A_187 : vector<784x128xf32>
    %add3A_189 = arith.addf %add3A_183, %mul3A_188 : vector<784x128xf32>
    %get3A_190 = arith.constant 3 : index
    %get3A_191 = arith.constant 4 : index
    %get3A_192 = memref.load %arg0[%get3A_190, %get3A_191] : memref<5x32xf32, #tpu.memory_space<smem>>
    %mul3A_193 = vector.broadcast %get3A_192 : f32 to vector<784x128xf32>
    %mul3A_194 = arith.mulf %add3A, %mul3A_193 : vector<784x128xf32>
    %add3A_195 = arith.addf %add3A_189, %mul3A_194 : vector<784x128xf32>
    %get3A_196 = arith.constant 4 : index
    %get3A_197 = arith.constant 4 : index
    %get3A_198 = memref.load %arg0[%get3A_196, %get3A_197] : memref<5x32xf32, #tpu.memory_space<smem>>
    %mul3A_199 = vector.broadcast %get3A_198 : f32 to vector<784x128xf32>
    %mul3A_200 = arith.mulf %get3A_16, %mul3A_199 : vector<784x128xf32>
    %add3A_201 = arith.addf %add3A_195, %mul3A_200 : vector<784x128xf32>
    %get3A_202 = arith.constant 4 : index
    %get3A_203 = memref.load %arg1[%get3A_202] : memref<32xf32, #tpu.memory_space<smem>>
    %add3A_204 = vector.broadcast %get3A_203 : f32 to vector<784x128xf32>
    %add3A_205 = arith.addf %add3A_201, %add3A_204 : vector<784x128xf32>
    %tanh3A_206 = math.tanh %add3A_205 : vector<784x128xf32>
    %get3A_207 = arith.constant 4 : index
    %get3A_208 = memref.load %arg2[%get3A_207] : memref<32xf32, #tpu.memory_space<smem>>
    %mul3A_209 = vector.broadcast %get3A_208 : f32 to vector<784x128xf32>
    %mul3A_210 = arith.mulf %tanh3A_206, %mul3A_209 : vector<784x128xf32>
    %add3A_211 = arith.addf %add3A_172, %mul3A_210 : vector<784x128xf32>
    %get3A_212 = arith.constant 0 : index
    %get3A_213 = arith.constant 5 : index
    %get3A_214 = memref.load %arg0[%get3A_212, %get3A_213] : memref<5x32xf32, #tpu.memory_space<smem>>
    %mul3A_215 = vector.broadcast %get3A_214 : f32 to vector<784x128xf32>
    %mul3A_216 = arith.mulf %get3A_1, %mul3A_215 : vector<784x128xf32>
    %get3A_217 = arith.constant 1 : index
    %get3A_218 = arith.constant 5 : index
    %get3A_219 = memref.load %arg0[%get3A_217, %get3A_218] : memref<5x32xf32, #tpu.memory_space<smem>>
    %mul3A_220 = vector.broadcast %get3A_219 : f32 to vector<784x128xf32>
    %mul3A_221 = arith.mulf %get3A_4, %mul3A_220 : vector<784x128xf32>
    %add3A_222 = arith.addf %mul3A_216, %mul3A_221 : vector<784x128xf32>
    %get3A_223 = arith.constant 2 : index
    %get3A_224 = arith.constant 5 : index
    %get3A_225 = memref.load %arg0[%get3A_223, %get3A_224] : memref<5x32xf32, #tpu.memory_space<smem>>
    %mul3A_226 = vector.broadcast %get3A_225 : f32 to vector<784x128xf32>
    %mul3A_227 = arith.mulf %get3A_7, %mul3A_226 : vector<784x128xf32>
    %add3A_228 = arith.addf %add3A_222, %mul3A_227 : vector<784x128xf32>
    %get3A_229 = arith.constant 3 : index
    %get3A_230 = arith.constant 5 : index
    %get3A_231 = memref.load %arg0[%get3A_229, %get3A_230] : memref<5x32xf32, #tpu.memory_space<smem>>
    %mul3A_232 = vector.broadcast %get3A_231 : f32 to vector<784x128xf32>
    %mul3A_233 = arith.mulf %add3A, %mul3A_232 : vector<784x128xf32>
    %add3A_234 = arith.addf %add3A_228, %mul3A_233 : vector<784x128xf32>
    %get3A_235 = arith.constant 4 : index
    %get3A_236 = arith.constant 5 : index
    %get3A_237 = memref.load %arg0[%get3A_235, %get3A_236] : memref<5x32xf32, #tpu.memory_space<smem>>
    %mul3A_238 = vector.broadcast %get3A_237 : f32 to vector<784x128xf32>
    %mul3A_239 = arith.mulf %get3A_16, %mul3A_238 : vector<784x128xf32>
    %add3A_240 = arith.addf %add3A_234, %mul3A_239 : vector<784x128xf32>
    %get3A_241 = arith.constant 5 : index
    %get3A_242 = memref.load %arg1[%get3A_241] : memref<32xf32, #tpu.memory_space<smem>>
    %add3A_243 = vector.broadcast %get3A_242 : f32 to vector<784x128xf32>
    %add3A_244 = arith.addf %add3A_240, %add3A_243 : vector<784x128xf32>
    %tanh3A_245 = math.tanh %add3A_244 : vector<784x128xf32>
    %get3A_246 = arith.constant 5 : index
    %get3A_247 = memref.load %arg2[%get3A_246] : memref<32xf32, #tpu.memory_space<smem>>
    %mul3A_248 = vector.broadcast %get3A_247 : f32 to vector<784x128xf32>
    %mul3A_249 = arith.mulf %tanh3A_245, %mul3A_248 : vector<784x128xf32>
    %add3A_250 = arith.addf %add3A_211, %mul3A_249 : vector<784x128xf32>
    %get3A_251 = arith.constant 0 : index
    %get3A_252 = arith.constant 6 : index
    %get3A_253 = memref.load %arg0[%get3A_251, %get3A_252] : memref<5x32xf32, #tpu.memory_space<smem>>
    %mul3A_254 = vector.broadcast %get3A_253 : f32 to vector<784x128xf32>
    %mul3A_255 = arith.mulf %get3A_1, %mul3A_254 : vector<784x128xf32>
    %get3A_256 = arith.constant 1 : index
    %get3A_257 = arith.constant 6 : index
    %get3A_258 = memref.load %arg0[%get3A_256, %get3A_257] : memref<5x32xf32, #tpu.memory_space<smem>>
    %mul3A_259 = vector.broadcast %get3A_258 : f32 to vector<784x128xf32>
    %mul3A_260 = arith.mulf %get3A_4, %mul3A_259 : vector<784x128xf32>
    %add3A_261 = arith.addf %mul3A_255, %mul3A_260 : vector<784x128xf32>
    %get3A_262 = arith.constant 2 : index
    %get3A_263 = arith.constant 6 : index
    %get3A_264 = memref.load %arg0[%get3A_262, %get3A_263] : memref<5x32xf32, #tpu.memory_space<smem>>
    %mul3A_265 = vector.broadcast %get3A_264 : f32 to vector<784x128xf32>
    %mul3A_266 = arith.mulf %get3A_7, %mul3A_265 : vector<784x128xf32>
    %add3A_267 = arith.addf %add3A_261, %mul3A_266 : vector<784x128xf32>
    %get3A_268 = arith.constant 3 : index
    %get3A_269 = arith.constant 6 : index
    %get3A_270 = memref.load %arg0[%get3A_268, %get3A_269] : memref<5x32xf32, #tpu.memory_space<smem>>
    %mul3A_271 = vector.broadcast %get3A_270 : f32 to vector<784x128xf32>
    %mul3A_272 = arith.mulf %add3A, %mul3A_271 : vector<784x128xf32>
    %add3A_273 = arith.addf %add3A_267, %mul3A_272 : vector<784x128xf32>
    %get3A_274 = arith.constant 4 : index
    %get3A_275 = arith.constant 6 : index
    %get3A_276 = memref.load %arg0[%get3A_274, %get3A_275] : memref<5x32xf32, #tpu.memory_space<smem>>
    %mul3A_277 = vector.broadcast %get3A_276 : f32 to vector<784x128xf32>
    %mul3A_278 = arith.mulf %get3A_16, %mul3A_277 : vector<784x128xf32>
    %add3A_279 = arith.addf %add3A_273, %mul3A_278 : vector<784x128xf32>
    %get3A_280 = arith.constant 6 : index
    %get3A_281 = memref.load %arg1[%get3A_280] : memref<32xf32, #tpu.memory_space<smem>>
    %add3A_282 = vector.broadcast %get3A_281 : f32 to vector<784x128xf32>
    %add3A_283 = arith.addf %add3A_279, %add3A_282 : vector<784x128xf32>
    %tanh3A_284 = math.tanh %add3A_283 : vector<784x128xf32>
    %get3A_285 = arith.constant 6 : index
    %get3A_286 = memref.load %arg2[%get3A_285] : memref<32xf32, #tpu.memory_space<smem>>
    %mul3A_287 = vector.broadcast %get3A_286 : f32 to vector<784x128xf32>
    %mul3A_288 = arith.mulf %tanh3A_284, %mul3A_287 : vector<784x128xf32>
    %add3A_289 = arith.addf %add3A_250, %mul3A_288 : vector<784x128xf32>
    %get3A_290 = arith.constant 0 : index
    %get3A_291 = arith.constant 7 : index
    %get3A_292 = memref.load %arg0[%get3A_290, %get3A_291] : memref<5x32xf32, #tpu.memory_space<smem>>
    %mul3A_293 = vector.broadcast %get3A_292 : f32 to vector<784x128xf32>
    %mul3A_294 = arith.mulf %get3A_1, %mul3A_293 : vector<784x128xf32>
    %get3A_295 = arith.constant 1 : index
    %get3A_296 = arith.constant 7 : index
    %get3A_297 = memref.load %arg0[%get3A_295, %get3A_296] : memref<5x32xf32, #tpu.memory_space<smem>>
    %mul3A_298 = vector.broadcast %get3A_297 : f32 to vector<784x128xf32>
    %mul3A_299 = arith.mulf %get3A_4, %mul3A_298 : vector<784x128xf32>
    %add3A_300 = arith.addf %mul3A_294, %mul3A_299 : vector<784x128xf32>
    %get3A_301 = arith.constant 2 : index
    %get3A_302 = arith.constant 7 : index
    %get3A_303 = memref.load %arg0[%get3A_301, %get3A_302] : memref<5x32xf32, #tpu.memory_space<smem>>
    %mul3A_304 = vector.broadcast %get3A_303 : f32 to vector<784x128xf32>
    %mul3A_305 = arith.mulf %get3A_7, %mul3A_304 : vector<784x128xf32>
    %add3A_306 = arith.addf %add3A_300, %mul3A_305 : vector<784x128xf32>
    %get3A_307 = arith.constant 3 : index
    %get3A_308 = arith.constant 7 : index
    %get3A_309 = memref.load %arg0[%get3A_307, %get3A_308] : memref<5x32xf32, #tpu.memory_space<smem>>
    %mul3A_310 = vector.broadcast %get3A_309 : f32 to vector<784x128xf32>
    %mul3A_311 = arith.mulf %add3A, %mul3A_310 : vector<784x128xf32>
    %add3A_312 = arith.addf %add3A_306, %mul3A_311 : vector<784x128xf32>
    %get3A_313 = arith.constant 4 : index
    %get3A_314 = arith.constant 7 : index
    %get3A_315 = memref.load %arg0[%get3A_313, %get3A_314] : memref<5x32xf32, #tpu.memory_space<smem>>
    %mul3A_316 = vector.broadcast %get3A_315 : f32 to vector<784x128xf32>
    %mul3A_317 = arith.mulf %get3A_16, %mul3A_316 : vector<784x128xf32>
    %add3A_318 = arith.addf %add3A_312, %mul3A_317 : vector<784x128xf32>
    %get3A_319 = arith.constant 7 : index
    %get3A_320 = memref.load %arg1[%get3A_319] : memref<32xf32, #tpu.memory_space<smem>>
    %add3A_321 = vector.broadcast %get3A_320 : f32 to vector<784x128xf32>
    %add3A_322 = arith.addf %add3A_318, %add3A_321 : vector<784x128xf32>
    %tanh3A_323 = math.tanh %add3A_322 : vector<784x128xf32>
    %get3A_324 = arith.constant 7 : index
    %get3A_325 = memref.load %arg2[%get3A_324] : memref<32xf32, #tpu.memory_space<smem>>
    %mul3A_326 = vector.broadcast %get3A_325 : f32 to vector<784x128xf32>
    %mul3A_327 = arith.mulf %tanh3A_323, %mul3A_326 : vector<784x128xf32>
    %add3A_328 = arith.addf %add3A_289, %mul3A_327 : vector<784x128xf32>
    %get3A_329 = arith.constant 0 : index
    %get3A_330 = arith.constant 8 : index
    %get3A_331 = memref.load %arg0[%get3A_329, %get3A_330] : memref<5x32xf32, #tpu.memory_space<smem>>
    %mul3A_332 = vector.broadcast %get3A_331 : f32 to vector<784x128xf32>
    %mul3A_333 = arith.mulf %get3A_1, %mul3A_332 : vector<784x128xf32>
    %get3A_334 = arith.constant 1 : index
    %get3A_335 = arith.constant 8 : index
    %get3A_336 = memref.load %arg0[%get3A_334, %get3A_335] : memref<5x32xf32, #tpu.memory_space<smem>>
    %mul3A_337 = vector.broadcast %get3A_336 : f32 to vector<784x128xf32>
    %mul3A_338 = arith.mulf %get3A_4, %mul3A_337 : vector<784x128xf32>
    %add3A_339 = arith.addf %mul3A_333, %mul3A_338 : vector<784x128xf32>
    %get3A_340 = arith.constant 2 : index
    %get3A_341 = arith.constant 8 : index
    %get3A_342 = memref.load %arg0[%get3A_340, %get3A_341] : memref<5x32xf32, #tpu.memory_space<smem>>
    %mul3A_343 = vector.broadcast %get3A_342 : f32 to vector<784x128xf32>
    %mul3A_344 = arith.mulf %get3A_7, %mul3A_343 : vector<784x128xf32>
    %add3A_345 = arith.addf %add3A_339, %mul3A_344 : vector<784x128xf32>
    %get3A_346 = arith.constant 3 : index
    %get3A_347 = arith.constant 8 : index
    %get3A_348 = memref.load %arg0[%get3A_346, %get3A_347] : memref<5x32xf32, #tpu.memory_space<smem>>
    %mul3A_349 = vector.broadcast %get3A_348 : f32 to vector<784x128xf32>
    %mul3A_350 = arith.mulf %add3A, %mul3A_349 : vector<784x128xf32>
    %add3A_351 = arith.addf %add3A_345, %mul3A_350 : vector<784x128xf32>
    %get3A_352 = arith.constant 4 : index
    %get3A_353 = arith.constant 8 : index
    %get3A_354 = memref.load %arg0[%get3A_352, %get3A_353] : memref<5x32xf32, #tpu.memory_space<smem>>
    %mul3A_355 = vector.broadcast %get3A_354 : f32 to vector<784x128xf32>
    %mul3A_356 = arith.mulf %get3A_16, %mul3A_355 : vector<784x128xf32>
    %add3A_357 = arith.addf %add3A_351, %mul3A_356 : vector<784x128xf32>
    %get3A_358 = arith.constant 8 : index
    %get3A_359 = memref.load %arg1[%get3A_358] : memref<32xf32, #tpu.memory_space<smem>>
    %add3A_360 = vector.broadcast %get3A_359 : f32 to vector<784x128xf32>
    %add3A_361 = arith.addf %add3A_357, %add3A_360 : vector<784x128xf32>
    %tanh3A_362 = math.tanh %add3A_361 : vector<784x128xf32>
    %get3A_363 = arith.constant 8 : index
    %get3A_364 = memref.load %arg2[%get3A_363] : memref<32xf32, #tpu.memory_space<smem>>
    %mul3A_365 = vector.broadcast %get3A_364 : f32 to vector<784x128xf32>
    %mul3A_366 = arith.mulf %tanh3A_362, %mul3A_365 : vector<784x128xf32>
    %add3A_367 = arith.addf %add3A_328, %mul3A_366 : vector<784x128xf32>
    %get3A_368 = arith.constant 0 : index
    %get3A_369 = arith.constant 9 : index
    %get3A_370 = memref.load %arg0[%get3A_368, %get3A_369] : memref<5x32xf32, #tpu.memory_space<smem>>
    %mul3A_371 = vector.broadcast %get3A_370 : f32 to vector<784x128xf32>
    %mul3A_372 = arith.mulf %get3A_1, %mul3A_371 : vector<784x128xf32>
    %get3A_373 = arith.constant 1 : index
    %get3A_374 = arith.constant 9 : index
    %get3A_375 = memref.load %arg0[%get3A_373, %get3A_374] : memref<5x32xf32, #tpu.memory_space<smem>>
    %mul3A_376 = vector.broadcast %get3A_375 : f32 to vector<784x128xf32>
    %mul3A_377 = arith.mulf %get3A_4, %mul3A_376 : vector<784x128xf32>
    %add3A_378 = arith.addf %mul3A_372, %mul3A_377 : vector<784x128xf32>
    %get3A_379 = arith.constant 2 : index
    %get3A_380 = arith.constant 9 : index
    %get3A_381 = memref.load %arg0[%get3A_379, %get3A_380] : memref<5x32xf32, #tpu.memory_space<smem>>
    %mul3A_382 = vector.broadcast %get3A_381 : f32 to vector<784x128xf32>
    %mul3A_383 = arith.mulf %get3A_7, %mul3A_382 : vector<784x128xf32>
    %add3A_384 = arith.addf %add3A_378, %mul3A_383 : vector<784x128xf32>
    %get3A_385 = arith.constant 3 : index
    %get3A_386 = arith.constant 9 : index
    %get3A_387 = memref.load %arg0[%get3A_385, %get3A_386] : memref<5x32xf32, #tpu.memory_space<smem>>
    %mul3A_388 = vector.broadcast %get3A_387 : f32 to vector<784x128xf32>
    %mul3A_389 = arith.mulf %add3A, %mul3A_388 : vector<784x128xf32>
    %add3A_390 = arith.addf %add3A_384, %mul3A_389 : vector<784x128xf32>
    %get3A_391 = arith.constant 4 : index
    %get3A_392 = arith.constant 9 : index
    %get3A_393 = memref.load %arg0[%get3A_391, %get3A_392] : memref<5x32xf32, #tpu.memory_space<smem>>
    %mul3A_394 = vector.broadcast %get3A_393 : f32 to vector<784x128xf32>
    %mul3A_395 = arith.mulf %get3A_16, %mul3A_394 : vector<784x128xf32>
    %add3A_396 = arith.addf %add3A_390, %mul3A_395 : vector<784x128xf32>
    %get3A_397 = arith.constant 9 : index
    %get3A_398 = memref.load %arg1[%get3A_397] : memref<32xf32, #tpu.memory_space<smem>>
    %add3A_399 = vector.broadcast %get3A_398 : f32 to vector<784x128xf32>
    %add3A_400 = arith.addf %add3A_396, %add3A_399 : vector<784x128xf32>
    %tanh3A_401 = math.tanh %add3A_400 : vector<784x128xf32>
    %get3A_402 = arith.constant 9 : index
    %get3A_403 = memref.load %arg2[%get3A_402] : memref<32xf32, #tpu.memory_space<smem>>
    %mul3A_404 = vector.broadcast %get3A_403 : f32 to vector<784x128xf32>
    %mul3A_405 = arith.mulf %tanh3A_401, %mul3A_404 : vector<784x128xf32>
    %add3A_406 = arith.addf %add3A_367, %mul3A_405 : vector<784x128xf32>
    %get3A_407 = arith.constant 0 : index
    %get3A_408 = arith.constant 10 : index
    %get3A_409 = memref.load %arg0[%get3A_407, %get3A_408] : memref<5x32xf32, #tpu.memory_space<smem>>
    %mul3A_410 = vector.broadcast %get3A_409 : f32 to vector<784x128xf32>
    %mul3A_411 = arith.mulf %get3A_1, %mul3A_410 : vector<784x128xf32>
    %get3A_412 = arith.constant 1 : index
    %get3A_413 = arith.constant 10 : index
    %get3A_414 = memref.load %arg0[%get3A_412, %get3A_413] : memref<5x32xf32, #tpu.memory_space<smem>>
    %mul3A_415 = vector.broadcast %get3A_414 : f32 to vector<784x128xf32>
    %mul3A_416 = arith.mulf %get3A_4, %mul3A_415 : vector<784x128xf32>
    %add3A_417 = arith.addf %mul3A_411, %mul3A_416 : vector<784x128xf32>
    %get3A_418 = arith.constant 2 : index
    %get3A_419 = arith.constant 10 : index
    %get3A_420 = memref.load %arg0[%get3A_418, %get3A_419] : memref<5x32xf32, #tpu.memory_space<smem>>
    %mul3A_421 = vector.broadcast %get3A_420 : f32 to vector<784x128xf32>
    %mul3A_422 = arith.mulf %get3A_7, %mul3A_421 : vector<784x128xf32>
    %add3A_423 = arith.addf %add3A_417, %mul3A_422 : vector<784x128xf32>
    %get3A_424 = arith.constant 3 : index
    %get3A_425 = arith.constant 10 : index
    %get3A_426 = memref.load %arg0[%get3A_424, %get3A_425] : memref<5x32xf32, #tpu.memory_space<smem>>
    %mul3A_427 = vector.broadcast %get3A_426 : f32 to vector<784x128xf32>
    %mul3A_428 = arith.mulf %add3A, %mul3A_427 : vector<784x128xf32>
    %add3A_429 = arith.addf %add3A_423, %mul3A_428 : vector<784x128xf32>
    %get3A_430 = arith.constant 4 : index
    %get3A_431 = arith.constant 10 : index
    %get3A_432 = memref.load %arg0[%get3A_430, %get3A_431] : memref<5x32xf32, #tpu.memory_space<smem>>
    %mul3A_433 = vector.broadcast %get3A_432 : f32 to vector<784x128xf32>
    %mul3A_434 = arith.mulf %get3A_16, %mul3A_433 : vector<784x128xf32>
    %add3A_435 = arith.addf %add3A_429, %mul3A_434 : vector<784x128xf32>
    %get3A_436 = arith.constant 10 : index
    %get3A_437 = memref.load %arg1[%get3A_436] : memref<32xf32, #tpu.memory_space<smem>>
    %add3A_438 = vector.broadcast %get3A_437 : f32 to vector<784x128xf32>
    %add3A_439 = arith.addf %add3A_435, %add3A_438 : vector<784x128xf32>
    %tanh3A_440 = math.tanh %add3A_439 : vector<784x128xf32>
    %get3A_441 = arith.constant 10 : index
    %get3A_442 = memref.load %arg2[%get3A_441] : memref<32xf32, #tpu.memory_space<smem>>
    %mul3A_443 = vector.broadcast %get3A_442 : f32 to vector<784x128xf32>
    %mul3A_444 = arith.mulf %tanh3A_440, %mul3A_443 : vector<784x128xf32>
    %add3A_445 = arith.addf %add3A_406, %mul3A_444 : vector<784x128xf32>
    %get3A_446 = arith.constant 0 : index
    %get3A_447 = arith.constant 11 : index
    %get3A_448 = memref.load %arg0[%get3A_446, %get3A_447] : memref<5x32xf32, #tpu.memory_space<smem>>
    %mul3A_449 = vector.broadcast %get3A_448 : f32 to vector<784x128xf32>
    %mul3A_450 = arith.mulf %get3A_1, %mul3A_449 : vector<784x128xf32>
    %get3A_451 = arith.constant 1 : index
    %get3A_452 = arith.constant 11 : index
    %get3A_453 = memref.load %arg0[%get3A_451, %get3A_452] : memref<5x32xf32, #tpu.memory_space<smem>>
    %mul3A_454 = vector.broadcast %get3A_453 : f32 to vector<784x128xf32>
    %mul3A_455 = arith.mulf %get3A_4, %mul3A_454 : vector<784x128xf32>
    %add3A_456 = arith.addf %mul3A_450, %mul3A_455 : vector<784x128xf32>
    %get3A_457 = arith.constant 2 : index
    %get3A_458 = arith.constant 11 : index
    %get3A_459 = memref.load %arg0[%get3A_457, %get3A_458] : memref<5x32xf32, #tpu.memory_space<smem>>
    %mul3A_460 = vector.broadcast %get3A_459 : f32 to vector<784x128xf32>
    %mul3A_461 = arith.mulf %get3A_7, %mul3A_460 : vector<784x128xf32>
    %add3A_462 = arith.addf %add3A_456, %mul3A_461 : vector<784x128xf32>
    %get3A_463 = arith.constant 3 : index
    %get3A_464 = arith.constant 11 : index
    %get3A_465 = memref.load %arg0[%get3A_463, %get3A_464] : memref<5x32xf32, #tpu.memory_space<smem>>
    %mul3A_466 = vector.broadcast %get3A_465 : f32 to vector<784x128xf32>
    %mul3A_467 = arith.mulf %add3A, %mul3A_466 : vector<784x128xf32>
    %add3A_468 = arith.addf %add3A_462, %mul3A_467 : vector<784x128xf32>
    %get3A_469 = arith.constant 4 : index
    %get3A_470 = arith.constant 11 : index
    %get3A_471 = memref.load %arg0[%get3A_469, %get3A_470] : memref<5x32xf32, #tpu.memory_space<smem>>
    %mul3A_472 = vector.broadcast %get3A_471 : f32 to vector<784x128xf32>
    %mul3A_473 = arith.mulf %get3A_16, %mul3A_472 : vector<784x128xf32>
    %add3A_474 = arith.addf %add3A_468, %mul3A_473 : vector<784x128xf32>
    %get3A_475 = arith.constant 11 : index
    %get3A_476 = memref.load %arg1[%get3A_475] : memref<32xf32, #tpu.memory_space<smem>>
    %add3A_477 = vector.broadcast %get3A_476 : f32 to vector<784x128xf32>
    %add3A_478 = arith.addf %add3A_474, %add3A_477 : vector<784x128xf32>
    %tanh3A_479 = math.tanh %add3A_478 : vector<784x128xf32>
    %get3A_480 = arith.constant 11 : index
    %get3A_481 = memref.load %arg2[%get3A_480] : memref<32xf32, #tpu.memory_space<smem>>
    %mul3A_482 = vector.broadcast %get3A_481 : f32 to vector<784x128xf32>
    %mul3A_483 = arith.mulf %tanh3A_479, %mul3A_482 : vector<784x128xf32>
    %add3A_484 = arith.addf %add3A_445, %mul3A_483 : vector<784x128xf32>
    %get3A_485 = arith.constant 0 : index
    %get3A_486 = arith.constant 12 : index
    %get3A_487 = memref.load %arg0[%get3A_485, %get3A_486] : memref<5x32xf32, #tpu.memory_space<smem>>
    %mul3A_488 = vector.broadcast %get3A_487 : f32 to vector<784x128xf32>
    %mul3A_489 = arith.mulf %get3A_1, %mul3A_488 : vector<784x128xf32>
    %get3A_490 = arith.constant 1 : index
    %get3A_491 = arith.constant 12 : index
    %get3A_492 = memref.load %arg0[%get3A_490, %get3A_491] : memref<5x32xf32, #tpu.memory_space<smem>>
    %mul3A_493 = vector.broadcast %get3A_492 : f32 to vector<784x128xf32>
    %mul3A_494 = arith.mulf %get3A_4, %mul3A_493 : vector<784x128xf32>
    %add3A_495 = arith.addf %mul3A_489, %mul3A_494 : vector<784x128xf32>
    %get3A_496 = arith.constant 2 : index
    %get3A_497 = arith.constant 12 : index
    %get3A_498 = memref.load %arg0[%get3A_496, %get3A_497] : memref<5x32xf32, #tpu.memory_space<smem>>
    %mul3A_499 = vector.broadcast %get3A_498 : f32 to vector<784x128xf32>
    %mul3A_500 = arith.mulf %get3A_7, %mul3A_499 : vector<784x128xf32>
    %add3A_501 = arith.addf %add3A_495, %mul3A_500 : vector<784x128xf32>
    %get3A_502 = arith.constant 3 : index
    %get3A_503 = arith.constant 12 : index
    %get3A_504 = memref.load %arg0[%get3A_502, %get3A_503] : memref<5x32xf32, #tpu.memory_space<smem>>
    %mul3A_505 = vector.broadcast %get3A_504 : f32 to vector<784x128xf32>
    %mul3A_506 = arith.mulf %add3A, %mul3A_505 : vector<784x128xf32>
    %add3A_507 = arith.addf %add3A_501, %mul3A_506 : vector<784x128xf32>
    %get3A_508 = arith.constant 4 : index
    %get3A_509 = arith.constant 12 : index
    %get3A_510 = memref.load %arg0[%get3A_508, %get3A_509] : memref<5x32xf32, #tpu.memory_space<smem>>
    %mul3A_511 = vector.broadcast %get3A_510 : f32 to vector<784x128xf32>
    %mul3A_512 = arith.mulf %get3A_16, %mul3A_511 : vector<784x128xf32>
    %add3A_513 = arith.addf %add3A_507, %mul3A_512 : vector<784x128xf32>
    %get3A_514 = arith.constant 12 : index
    %get3A_515 = memref.load %arg1[%get3A_514] : memref<32xf32, #tpu.memory_space<smem>>
    %add3A_516 = vector.broadcast %get3A_515 : f32 to vector<784x128xf32>
    %add3A_517 = arith.addf %add3A_513, %add3A_516 : vector<784x128xf32>
    %tanh3A_518 = math.tanh %add3A_517 : vector<784x128xf32>
    %get3A_519 = arith.constant 12 : index
    %get3A_520 = memref.load %arg2[%get3A_519] : memref<32xf32, #tpu.memory_space<smem>>
    %mul3A_521 = vector.broadcast %get3A_520 : f32 to vector<784x128xf32>
    %mul3A_522 = arith.mulf %tanh3A_518, %mul3A_521 : vector<784x128xf32>
    %add3A_523 = arith.addf %add3A_484, %mul3A_522 : vector<784x128xf32>
    %get3A_524 = arith.constant 0 : index
    %get3A_525 = arith.constant 13 : index
    %get3A_526 = memref.load %arg0[%get3A_524, %get3A_525] : memref<5x32xf32, #tpu.memory_space<smem>>
    %mul3A_527 = vector.broadcast %get3A_526 : f32 to vector<784x128xf32>
    %mul3A_528 = arith.mulf %get3A_1, %mul3A_527 : vector<784x128xf32>
    %get3A_529 = arith.constant 1 : index
    %get3A_530 = arith.constant 13 : index
    %get3A_531 = memref.load %arg0[%get3A_529, %get3A_530] : memref<5x32xf32, #tpu.memory_space<smem>>
    %mul3A_532 = vector.broadcast %get3A_531 : f32 to vector<784x128xf32>
    %mul3A_533 = arith.mulf %get3A_4, %mul3A_532 : vector<784x128xf32>
    %add3A_534 = arith.addf %mul3A_528, %mul3A_533 : vector<784x128xf32>
    %get3A_535 = arith.constant 2 : index
    %get3A_536 = arith.constant 13 : index
    %get3A_537 = memref.load %arg0[%get3A_535, %get3A_536] : memref<5x32xf32, #tpu.memory_space<smem>>
    %mul3A_538 = vector.broadcast %get3A_537 : f32 to vector<784x128xf32>
    %mul3A_539 = arith.mulf %get3A_7, %mul3A_538 : vector<784x128xf32>
    %add3A_540 = arith.addf %add3A_534, %mul3A_539 : vector<784x128xf32>
    %get3A_541 = arith.constant 3 : index
    %get3A_542 = arith.constant 13 : index
    %get3A_543 = memref.load %arg0[%get3A_541, %get3A_542] : memref<5x32xf32, #tpu.memory_space<smem>>
    %mul3A_544 = vector.broadcast %get3A_543 : f32 to vector<784x128xf32>
    %mul3A_545 = arith.mulf %add3A, %mul3A_544 : vector<784x128xf32>
    %add3A_546 = arith.addf %add3A_540, %mul3A_545 : vector<784x128xf32>
    %get3A_547 = arith.constant 4 : index
    %get3A_548 = arith.constant 13 : index
    %get3A_549 = memref.load %arg0[%get3A_547, %get3A_548] : memref<5x32xf32, #tpu.memory_space<smem>>
    %mul3A_550 = vector.broadcast %get3A_549 : f32 to vector<784x128xf32>
    %mul3A_551 = arith.mulf %get3A_16, %mul3A_550 : vector<784x128xf32>
    %add3A_552 = arith.addf %add3A_546, %mul3A_551 : vector<784x128xf32>
    %get3A_553 = arith.constant 13 : index
    %get3A_554 = memref.load %arg1[%get3A_553] : memref<32xf32, #tpu.memory_space<smem>>
    %add3A_555 = vector.broadcast %get3A_554 : f32 to vector<784x128xf32>
    %add3A_556 = arith.addf %add3A_552, %add3A_555 : vector<784x128xf32>
    %tanh3A_557 = math.tanh %add3A_556 : vector<784x128xf32>
    %get3A_558 = arith.constant 13 : index
    %get3A_559 = memref.load %arg2[%get3A_558] : memref<32xf32, #tpu.memory_space<smem>>
    %mul3A_560 = vector.broadcast %get3A_559 : f32 to vector<784x128xf32>
    %mul3A_561 = arith.mulf %tanh3A_557, %mul3A_560 : vector<784x128xf32>
    %add3A_562 = arith.addf %add3A_523, %mul3A_561 : vector<784x128xf32>
    %get3A_563 = arith.constant 0 : index
    %get3A_564 = arith.constant 14 : index
    %get3A_565 = memref.load %arg0[%get3A_563, %get3A_564] : memref<5x32xf32, #tpu.memory_space<smem>>
    %mul3A_566 = vector.broadcast %get3A_565 : f32 to vector<784x128xf32>
    %mul3A_567 = arith.mulf %get3A_1, %mul3A_566 : vector<784x128xf32>
    %get3A_568 = arith.constant 1 : index
    %get3A_569 = arith.constant 14 : index
    %get3A_570 = memref.load %arg0[%get3A_568, %get3A_569] : memref<5x32xf32, #tpu.memory_space<smem>>
    %mul3A_571 = vector.broadcast %get3A_570 : f32 to vector<784x128xf32>
    %mul3A_572 = arith.mulf %get3A_4, %mul3A_571 : vector<784x128xf32>
    %add3A_573 = arith.addf %mul3A_567, %mul3A_572 : vector<784x128xf32>
    %get3A_574 = arith.constant 2 : index
    %get3A_575 = arith.constant 14 : index
    %get3A_576 = memref.load %arg0[%get3A_574, %get3A_575] : memref<5x32xf32, #tpu.memory_space<smem>>
    %mul3A_577 = vector.broadcast %get3A_576 : f32 to vector<784x128xf32>
    %mul3A_578 = arith.mulf %get3A_7, %mul3A_577 : vector<784x128xf32>
    %add3A_579 = arith.addf %add3A_573, %mul3A_578 : vector<784x128xf32>
    %get3A_580 = arith.constant 3 : index
    %get3A_581 = arith.constant 14 : index
    %get3A_582 = memref.load %arg0[%get3A_580, %get3A_581] : memref<5x32xf32, #tpu.memory_space<smem>>
    %mul3A_583 = vector.broadcast %get3A_582 : f32 to vector<784x128xf32>
    %mul3A_584 = arith.mulf %add3A, %mul3A_583 : vector<784x128xf32>
    %add3A_585 = arith.addf %add3A_579, %mul3A_584 : vector<784x128xf32>
    %get3A_586 = arith.constant 4 : index
    %get3A_587 = arith.constant 14 : index
    %get3A_588 = memref.load %arg0[%get3A_586, %get3A_587] : memref<5x32xf32, #tpu.memory_space<smem>>
    %mul3A_589 = vector.broadcast %get3A_588 : f32 to vector<784x128xf32>
    %mul3A_590 = arith.mulf %get3A_16, %mul3A_589 : vector<784x128xf32>
    %add3A_591 = arith.addf %add3A_585, %mul3A_590 : vector<784x128xf32>
    %get3A_592 = arith.constant 14 : index
    %get3A_593 = memref.load %arg1[%get3A_592] : memref<32xf32, #tpu.memory_space<smem>>
    %add3A_594 = vector.broadcast %get3A_593 : f32 to vector<784x128xf32>
    %add3A_595 = arith.addf %add3A_591, %add3A_594 : vector<784x128xf32>
    %tanh3A_596 = math.tanh %add3A_595 : vector<784x128xf32>
    %get3A_597 = arith.constant 14 : index
    %get3A_598 = memref.load %arg2[%get3A_597] : memref<32xf32, #tpu.memory_space<smem>>
    %mul3A_599 = vector.broadcast %get3A_598 : f32 to vector<784x128xf32>
    %mul3A_600 = arith.mulf %tanh3A_596, %mul3A_599 : vector<784x128xf32>
    %add3A_601 = arith.addf %add3A_562, %mul3A_600 : vector<784x128xf32>
    %get3A_602 = arith.constant 0 : index
    %get3A_603 = arith.constant 15 : index
    %get3A_604 = memref.load %arg0[%get3A_602, %get3A_603] : memref<5x32xf32, #tpu.memory_space<smem>>
    %mul3A_605 = vector.broadcast %get3A_604 : f32 to vector<784x128xf32>
    %mul3A_606 = arith.mulf %get3A_1, %mul3A_605 : vector<784x128xf32>
    %get3A_607 = arith.constant 1 : index
    %get3A_608 = arith.constant 15 : index
    %get3A_609 = memref.load %arg0[%get3A_607, %get3A_608] : memref<5x32xf32, #tpu.memory_space<smem>>
    %mul3A_610 = vector.broadcast %get3A_609 : f32 to vector<784x128xf32>
    %mul3A_611 = arith.mulf %get3A_4, %mul3A_610 : vector<784x128xf32>
    %add3A_612 = arith.addf %mul3A_606, %mul3A_611 : vector<784x128xf32>
    %get3A_613 = arith.constant 2 : index
    %get3A_614 = arith.constant 15 : index
    %get3A_615 = memref.load %arg0[%get3A_613, %get3A_614] : memref<5x32xf32, #tpu.memory_space<smem>>
    %mul3A_616 = vector.broadcast %get3A_615 : f32 to vector<784x128xf32>
    %mul3A_617 = arith.mulf %get3A_7, %mul3A_616 : vector<784x128xf32>
    %add3A_618 = arith.addf %add3A_612, %mul3A_617 : vector<784x128xf32>
    %get3A_619 = arith.constant 3 : index
    %get3A_620 = arith.constant 15 : index
    %get3A_621 = memref.load %arg0[%get3A_619, %get3A_620] : memref<5x32xf32, #tpu.memory_space<smem>>
    %mul3A_622 = vector.broadcast %get3A_621 : f32 to vector<784x128xf32>
    %mul3A_623 = arith.mulf %add3A, %mul3A_622 : vector<784x128xf32>
    %add3A_624 = arith.addf %add3A_618, %mul3A_623 : vector<784x128xf32>
    %get3A_625 = arith.constant 4 : index
    %get3A_626 = arith.constant 15 : index
    %get3A_627 = memref.load %arg0[%get3A_625, %get3A_626] : memref<5x32xf32, #tpu.memory_space<smem>>
    %mul3A_628 = vector.broadcast %get3A_627 : f32 to vector<784x128xf32>
    %mul3A_629 = arith.mulf %get3A_16, %mul3A_628 : vector<784x128xf32>
    %add3A_630 = arith.addf %add3A_624, %mul3A_629 : vector<784x128xf32>
    %get3A_631 = arith.constant 15 : index
    %get3A_632 = memref.load %arg1[%get3A_631] : memref<32xf32, #tpu.memory_space<smem>>
    %add3A_633 = vector.broadcast %get3A_632 : f32 to vector<784x128xf32>
    %add3A_634 = arith.addf %add3A_630, %add3A_633 : vector<784x128xf32>
    %tanh3A_635 = math.tanh %add3A_634 : vector<784x128xf32>
    %get3A_636 = arith.constant 15 : index
    %get3A_637 = memref.load %arg2[%get3A_636] : memref<32xf32, #tpu.memory_space<smem>>
    %mul3A_638 = vector.broadcast %get3A_637 : f32 to vector<784x128xf32>
    %mul3A_639 = arith.mulf %tanh3A_635, %mul3A_638 : vector<784x128xf32>
    %add3A_640 = arith.addf %add3A_601, %mul3A_639 : vector<784x128xf32>
    %get3A_641 = arith.constant 0 : index
    %get3A_642 = arith.constant 16 : index
    %get3A_643 = memref.load %arg0[%get3A_641, %get3A_642] : memref<5x32xf32, #tpu.memory_space<smem>>
    %mul3A_644 = vector.broadcast %get3A_643 : f32 to vector<784x128xf32>
    %mul3A_645 = arith.mulf %get3A_1, %mul3A_644 : vector<784x128xf32>
    %get3A_646 = arith.constant 1 : index
    %get3A_647 = arith.constant 16 : index
    %get3A_648 = memref.load %arg0[%get3A_646, %get3A_647] : memref<5x32xf32, #tpu.memory_space<smem>>
    %mul3A_649 = vector.broadcast %get3A_648 : f32 to vector<784x128xf32>
    %mul3A_650 = arith.mulf %get3A_4, %mul3A_649 : vector<784x128xf32>
    %add3A_651 = arith.addf %mul3A_645, %mul3A_650 : vector<784x128xf32>
    %get3A_652 = arith.constant 2 : index
    %get3A_653 = arith.constant 16 : index
    %get3A_654 = memref.load %arg0[%get3A_652, %get3A_653] : memref<5x32xf32, #tpu.memory_space<smem>>
    %mul3A_655 = vector.broadcast %get3A_654 : f32 to vector<784x128xf32>
    %mul3A_656 = arith.mulf %get3A_7, %mul3A_655 : vector<784x128xf32>
    %add3A_657 = arith.addf %add3A_651, %mul3A_656 : vector<784x128xf32>
    %get3A_658 = arith.constant 3 : index
    %get3A_659 = arith.constant 16 : index
    %get3A_660 = memref.load %arg0[%get3A_658, %get3A_659] : memref<5x32xf32, #tpu.memory_space<smem>>
    %mul3A_661 = vector.broadcast %get3A_660 : f32 to vector<784x128xf32>
    %mul3A_662 = arith.mulf %add3A, %mul3A_661 : vector<784x128xf32>
    %add3A_663 = arith.addf %add3A_657, %mul3A_662 : vector<784x128xf32>
    %get3A_664 = arith.constant 4 : index
    %get3A_665 = arith.constant 16 : index
    %get3A_666 = memref.load %arg0[%get3A_664, %get3A_665] : memref<5x32xf32, #tpu.memory_space<smem>>
    %mul3A_667 = vector.broadcast %get3A_666 : f32 to vector<784x128xf32>
    %mul3A_668 = arith.mulf %get3A_16, %mul3A_667 : vector<784x128xf32>
    %add3A_669 = arith.addf %add3A_663, %mul3A_668 : vector<784x128xf32>
    %get3A_670 = arith.constant 16 : index
    %get3A_671 = memref.load %arg1[%get3A_670] : memref<32xf32, #tpu.memory_space<smem>>
    %add3A_672 = vector.broadcast %get3A_671 : f32 to vector<784x128xf32>
    %add3A_673 = arith.addf %add3A_669, %add3A_672 : vector<784x128xf32>
    %tanh3A_674 = math.tanh %add3A_673 : vector<784x128xf32>
    %get3A_675 = arith.constant 16 : index
    %get3A_676 = memref.load %arg2[%get3A_675] : memref<32xf32, #tpu.memory_space<smem>>
    %mul3A_677 = vector.broadcast %get3A_676 : f32 to vector<784x128xf32>
    %mul3A_678 = arith.mulf %tanh3A_674, %mul3A_677 : vector<784x128xf32>
    %add3A_679 = arith.addf %add3A_640, %mul3A_678 : vector<784x128xf32>
    %get3A_680 = arith.constant 0 : index
    %get3A_681 = arith.constant 17 : index
    %get3A_682 = memref.load %arg0[%get3A_680, %get3A_681] : memref<5x32xf32, #tpu.memory_space<smem>>
    %mul3A_683 = vector.broadcast %get3A_682 : f32 to vector<784x128xf32>
    %mul3A_684 = arith.mulf %get3A_1, %mul3A_683 : vector<784x128xf32>
    %get3A_685 = arith.constant 1 : index
    %get3A_686 = arith.constant 17 : index
    %get3A_687 = memref.load %arg0[%get3A_685, %get3A_686] : memref<5x32xf32, #tpu.memory_space<smem>>
    %mul3A_688 = vector.broadcast %get3A_687 : f32 to vector<784x128xf32>
    %mul3A_689 = arith.mulf %get3A_4, %mul3A_688 : vector<784x128xf32>
    %add3A_690 = arith.addf %mul3A_684, %mul3A_689 : vector<784x128xf32>
    %get3A_691 = arith.constant 2 : index
    %get3A_692 = arith.constant 17 : index
    %get3A_693 = memref.load %arg0[%get3A_691, %get3A_692] : memref<5x32xf32, #tpu.memory_space<smem>>
    %mul3A_694 = vector.broadcast %get3A_693 : f32 to vector<784x128xf32>
    %mul3A_695 = arith.mulf %get3A_7, %mul3A_694 : vector<784x128xf32>
    %add3A_696 = arith.addf %add3A_690, %mul3A_695 : vector<784x128xf32>
    %get3A_697 = arith.constant 3 : index
    %get3A_698 = arith.constant 17 : index
    %get3A_699 = memref.load %arg0[%get3A_697, %get3A_698] : memref<5x32xf32, #tpu.memory_space<smem>>
    %mul3A_700 = vector.broadcast %get3A_699 : f32 to vector<784x128xf32>
    %mul3A_701 = arith.mulf %add3A, %mul3A_700 : vector<784x128xf32>
    %add3A_702 = arith.addf %add3A_696, %mul3A_701 : vector<784x128xf32>
    %get3A_703 = arith.constant 4 : index
    %get3A_704 = arith.constant 17 : index
    %get3A_705 = memref.load %arg0[%get3A_703, %get3A_704] : memref<5x32xf32, #tpu.memory_space<smem>>
    %mul3A_706 = vector.broadcast %get3A_705 : f32 to vector<784x128xf32>
    %mul3A_707 = arith.mulf %get3A_16, %mul3A_706 : vector<784x128xf32>
    %add3A_708 = arith.addf %add3A_702, %mul3A_707 : vector<784x128xf32>
    %get3A_709 = arith.constant 17 : index
    %get3A_710 = memref.load %arg1[%get3A_709] : memref<32xf32, #tpu.memory_space<smem>>
    %add3A_711 = vector.broadcast %get3A_710 : f32 to vector<784x128xf32>
    %add3A_712 = arith.addf %add3A_708, %add3A_711 : vector<784x128xf32>
    %tanh3A_713 = math.tanh %add3A_712 : vector<784x128xf32>
    %get3A_714 = arith.constant 17 : index
    %get3A_715 = memref.load %arg2[%get3A_714] : memref<32xf32, #tpu.memory_space<smem>>
    %mul3A_716 = vector.broadcast %get3A_715 : f32 to vector<784x128xf32>
    %mul3A_717 = arith.mulf %tanh3A_713, %mul3A_716 : vector<784x128xf32>
    %add3A_718 = arith.addf %add3A_679, %mul3A_717 : vector<784x128xf32>
    %get3A_719 = arith.constant 0 : index
    %get3A_720 = arith.constant 18 : index
    %get3A_721 = memref.load %arg0[%get3A_719, %get3A_720] : memref<5x32xf32, #tpu.memory_space<smem>>
    %mul3A_722 = vector.broadcast %get3A_721 : f32 to vector<784x128xf32>
    %mul3A_723 = arith.mulf %get3A_1, %mul3A_722 : vector<784x128xf32>
    %get3A_724 = arith.constant 1 : index
    %get3A_725 = arith.constant 18 : index
    %get3A_726 = memref.load %arg0[%get3A_724, %get3A_725] : memref<5x32xf32, #tpu.memory_space<smem>>
    %mul3A_727 = vector.broadcast %get3A_726 : f32 to vector<784x128xf32>
    %mul3A_728 = arith.mulf %get3A_4, %mul3A_727 : vector<784x128xf32>
    %add3A_729 = arith.addf %mul3A_723, %mul3A_728 : vector<784x128xf32>
    %get3A_730 = arith.constant 2 : index
    %get3A_731 = arith.constant 18 : index
    %get3A_732 = memref.load %arg0[%get3A_730, %get3A_731] : memref<5x32xf32, #tpu.memory_space<smem>>
    %mul3A_733 = vector.broadcast %get3A_732 : f32 to vector<784x128xf32>
    %mul3A_734 = arith.mulf %get3A_7, %mul3A_733 : vector<784x128xf32>
    %add3A_735 = arith.addf %add3A_729, %mul3A_734 : vector<784x128xf32>
    %get3A_736 = arith.constant 3 : index
    %get3A_737 = arith.constant 18 : index
    %get3A_738 = memref.load %arg0[%get3A_736, %get3A_737] : memref<5x32xf32, #tpu.memory_space<smem>>
    %mul3A_739 = vector.broadcast %get3A_738 : f32 to vector<784x128xf32>
    %mul3A_740 = arith.mulf %add3A, %mul3A_739 : vector<784x128xf32>
    %add3A_741 = arith.addf %add3A_735, %mul3A_740 : vector<784x128xf32>
    %get3A_742 = arith.constant 4 : index
    %get3A_743 = arith.constant 18 : index
    %get3A_744 = memref.load %arg0[%get3A_742, %get3A_743] : memref<5x32xf32, #tpu.memory_space<smem>>
    %mul3A_745 = vector.broadcast %get3A_744 : f32 to vector<784x128xf32>
    %mul3A_746 = arith.mulf %get3A_16, %mul3A_745 : vector<784x128xf32>
    %add3A_747 = arith.addf %add3A_741, %mul3A_746 : vector<784x128xf32>
    %get3A_748 = arith.constant 18 : index
    %get3A_749 = memref.load %arg1[%get3A_748] : memref<32xf32, #tpu.memory_space<smem>>
    %add3A_750 = vector.broadcast %get3A_749 : f32 to vector<784x128xf32>
    %add3A_751 = arith.addf %add3A_747, %add3A_750 : vector<784x128xf32>
    %tanh3A_752 = math.tanh %add3A_751 : vector<784x128xf32>
    %get3A_753 = arith.constant 18 : index
    %get3A_754 = memref.load %arg2[%get3A_753] : memref<32xf32, #tpu.memory_space<smem>>
    %mul3A_755 = vector.broadcast %get3A_754 : f32 to vector<784x128xf32>
    %mul3A_756 = arith.mulf %tanh3A_752, %mul3A_755 : vector<784x128xf32>
    %add3A_757 = arith.addf %add3A_718, %mul3A_756 : vector<784x128xf32>
    %get3A_758 = arith.constant 0 : index
    %get3A_759 = arith.constant 19 : index
    %get3A_760 = memref.load %arg0[%get3A_758, %get3A_759] : memref<5x32xf32, #tpu.memory_space<smem>>
    %mul3A_761 = vector.broadcast %get3A_760 : f32 to vector<784x128xf32>
    %mul3A_762 = arith.mulf %get3A_1, %mul3A_761 : vector<784x128xf32>
    %get3A_763 = arith.constant 1 : index
    %get3A_764 = arith.constant 19 : index
    %get3A_765 = memref.load %arg0[%get3A_763, %get3A_764] : memref<5x32xf32, #tpu.memory_space<smem>>
    %mul3A_766 = vector.broadcast %get3A_765 : f32 to vector<784x128xf32>
    %mul3A_767 = arith.mulf %get3A_4, %mul3A_766 : vector<784x128xf32>
    %add3A_768 = arith.addf %mul3A_762, %mul3A_767 : vector<784x128xf32>
    %get3A_769 = arith.constant 2 : index
    %get3A_770 = arith.constant 19 : index
    %get3A_771 = memref.load %arg0[%get3A_769, %get3A_770] : memref<5x32xf32, #tpu.memory_space<smem>>
    %mul3A_772 = vector.broadcast %get3A_771 : f32 to vector<784x128xf32>
    %mul3A_773 = arith.mulf %get3A_7, %mul3A_772 : vector<784x128xf32>
    %add3A_774 = arith.addf %add3A_768, %mul3A_773 : vector<784x128xf32>
    %get3A_775 = arith.constant 3 : index
    %get3A_776 = arith.constant 19 : index
    %get3A_777 = memref.load %arg0[%get3A_775, %get3A_776] : memref<5x32xf32, #tpu.memory_space<smem>>
    %mul3A_778 = vector.broadcast %get3A_777 : f32 to vector<784x128xf32>
    %mul3A_779 = arith.mulf %add3A, %mul3A_778 : vector<784x128xf32>
    %add3A_780 = arith.addf %add3A_774, %mul3A_779 : vector<784x128xf32>
    %get3A_781 = arith.constant 4 : index
    %get3A_782 = arith.constant 19 : index
    %get3A_783 = memref.load %arg0[%get3A_781, %get3A_782] : memref<5x32xf32, #tpu.memory_space<smem>>
    %mul3A_784 = vector.broadcast %get3A_783 : f32 to vector<784x128xf32>
    %mul3A_785 = arith.mulf %get3A_16, %mul3A_784 : vector<784x128xf32>
    %add3A_786 = arith.addf %add3A_780, %mul3A_785 : vector<784x128xf32>
    %get3A_787 = arith.constant 19 : index
    %get3A_788 = memref.load %arg1[%get3A_787] : memref<32xf32, #tpu.memory_space<smem>>
    %add3A_789 = vector.broadcast %get3A_788 : f32 to vector<784x128xf32>
    %add3A_790 = arith.addf %add3A_786, %add3A_789 : vector<784x128xf32>
    %tanh3A_791 = math.tanh %add3A_790 : vector<784x128xf32>
    %get3A_792 = arith.constant 19 : index
    %get3A_793 = memref.load %arg2[%get3A_792] : memref<32xf32, #tpu.memory_space<smem>>
    %mul3A_794 = vector.broadcast %get3A_793 : f32 to vector<784x128xf32>
    %mul3A_795 = arith.mulf %tanh3A_791, %mul3A_794 : vector<784x128xf32>
    %add3A_796 = arith.addf %add3A_757, %mul3A_795 : vector<784x128xf32>
    %get3A_797 = arith.constant 0 : index
    %get3A_798 = arith.constant 20 : index
    %get3A_799 = memref.load %arg0[%get3A_797, %get3A_798] : memref<5x32xf32, #tpu.memory_space<smem>>
    %mul3A_800 = vector.broadcast %get3A_799 : f32 to vector<784x128xf32>
    %mul3A_801 = arith.mulf %get3A_1, %mul3A_800 : vector<784x128xf32>
    %get3A_802 = arith.constant 1 : index
    %get3A_803 = arith.constant 20 : index
    %get3A_804 = memref.load %arg0[%get3A_802, %get3A_803] : memref<5x32xf32, #tpu.memory_space<smem>>
    %mul3A_805 = vector.broadcast %get3A_804 : f32 to vector<784x128xf32>
    %mul3A_806 = arith.mulf %get3A_4, %mul3A_805 : vector<784x128xf32>
    %add3A_807 = arith.addf %mul3A_801, %mul3A_806 : vector<784x128xf32>
    %get3A_808 = arith.constant 2 : index
    %get3A_809 = arith.constant 20 : index
    %get3A_810 = memref.load %arg0[%get3A_808, %get3A_809] : memref<5x32xf32, #tpu.memory_space<smem>>
    %mul3A_811 = vector.broadcast %get3A_810 : f32 to vector<784x128xf32>
    %mul3A_812 = arith.mulf %get3A_7, %mul3A_811 : vector<784x128xf32>
    %add3A_813 = arith.addf %add3A_807, %mul3A_812 : vector<784x128xf32>
    %get3A_814 = arith.constant 3 : index
    %get3A_815 = arith.constant 20 : index
    %get3A_816 = memref.load %arg0[%get3A_814, %get3A_815] : memref<5x32xf32, #tpu.memory_space<smem>>
    %mul3A_817 = vector.broadcast %get3A_816 : f32 to vector<784x128xf32>
    %mul3A_818 = arith.mulf %add3A, %mul3A_817 : vector<784x128xf32>
    %add3A_819 = arith.addf %add3A_813, %mul3A_818 : vector<784x128xf32>
    %get3A_820 = arith.constant 4 : index
    %get3A_821 = arith.constant 20 : index
    %get3A_822 = memref.load %arg0[%get3A_820, %get3A_821] : memref<5x32xf32, #tpu.memory_space<smem>>
    %mul3A_823 = vector.broadcast %get3A_822 : f32 to vector<784x128xf32>
    %mul3A_824 = arith.mulf %get3A_16, %mul3A_823 : vector<784x128xf32>
    %add3A_825 = arith.addf %add3A_819, %mul3A_824 : vector<784x128xf32>
    %get3A_826 = arith.constant 20 : index
    %get3A_827 = memref.load %arg1[%get3A_826] : memref<32xf32, #tpu.memory_space<smem>>
    %add3A_828 = vector.broadcast %get3A_827 : f32 to vector<784x128xf32>
    %add3A_829 = arith.addf %add3A_825, %add3A_828 : vector<784x128xf32>
    %tanh3A_830 = math.tanh %add3A_829 : vector<784x128xf32>
    %get3A_831 = arith.constant 20 : index
    %get3A_832 = memref.load %arg2[%get3A_831] : memref<32xf32, #tpu.memory_space<smem>>
    %mul3A_833 = vector.broadcast %get3A_832 : f32 to vector<784x128xf32>
    %mul3A_834 = arith.mulf %tanh3A_830, %mul3A_833 : vector<784x128xf32>
    %add3A_835 = arith.addf %add3A_796, %mul3A_834 : vector<784x128xf32>
    %get3A_836 = arith.constant 0 : index
    %get3A_837 = arith.constant 21 : index
    %get3A_838 = memref.load %arg0[%get3A_836, %get3A_837] : memref<5x32xf32, #tpu.memory_space<smem>>
    %mul3A_839 = vector.broadcast %get3A_838 : f32 to vector<784x128xf32>
    %mul3A_840 = arith.mulf %get3A_1, %mul3A_839 : vector<784x128xf32>
    %get3A_841 = arith.constant 1 : index
    %get3A_842 = arith.constant 21 : index
    %get3A_843 = memref.load %arg0[%get3A_841, %get3A_842] : memref<5x32xf32, #tpu.memory_space<smem>>
    %mul3A_844 = vector.broadcast %get3A_843 : f32 to vector<784x128xf32>
    %mul3A_845 = arith.mulf %get3A_4, %mul3A_844 : vector<784x128xf32>
    %add3A_846 = arith.addf %mul3A_840, %mul3A_845 : vector<784x128xf32>
    %get3A_847 = arith.constant 2 : index
    %get3A_848 = arith.constant 21 : index
    %get3A_849 = memref.load %arg0[%get3A_847, %get3A_848] : memref<5x32xf32, #tpu.memory_space<smem>>
    %mul3A_850 = vector.broadcast %get3A_849 : f32 to vector<784x128xf32>
    %mul3A_851 = arith.mulf %get3A_7, %mul3A_850 : vector<784x128xf32>
    %add3A_852 = arith.addf %add3A_846, %mul3A_851 : vector<784x128xf32>
    %get3A_853 = arith.constant 3 : index
    %get3A_854 = arith.constant 21 : index
    %get3A_855 = memref.load %arg0[%get3A_853, %get3A_854] : memref<5x32xf32, #tpu.memory_space<smem>>
    %mul3A_856 = vector.broadcast %get3A_855 : f32 to vector<784x128xf32>
    %mul3A_857 = arith.mulf %add3A, %mul3A_856 : vector<784x128xf32>
    %add3A_858 = arith.addf %add3A_852, %mul3A_857 : vector<784x128xf32>
    %get3A_859 = arith.constant 4 : index
    %get3A_860 = arith.constant 21 : index
    %get3A_861 = memref.load %arg0[%get3A_859, %get3A_860] : memref<5x32xf32, #tpu.memory_space<smem>>
    %mul3A_862 = vector.broadcast %get3A_861 : f32 to vector<784x128xf32>
    %mul3A_863 = arith.mulf %get3A_16, %mul3A_862 : vector<784x128xf32>
    %add3A_864 = arith.addf %add3A_858, %mul3A_863 : vector<784x128xf32>
    %get3A_865 = arith.constant 21 : index
    %get3A_866 = memref.load %arg1[%get3A_865] : memref<32xf32, #tpu.memory_space<smem>>
    %add3A_867 = vector.broadcast %get3A_866 : f32 to vector<784x128xf32>
    %add3A_868 = arith.addf %add3A_864, %add3A_867 : vector<784x128xf32>
    %tanh3A_869 = math.tanh %add3A_868 : vector<784x128xf32>
    %get3A_870 = arith.constant 21 : index
    %get3A_871 = memref.load %arg2[%get3A_870] : memref<32xf32, #tpu.memory_space<smem>>
    %mul3A_872 = vector.broadcast %get3A_871 : f32 to vector<784x128xf32>
    %mul3A_873 = arith.mulf %tanh3A_869, %mul3A_872 : vector<784x128xf32>
    %add3A_874 = arith.addf %add3A_835, %mul3A_873 : vector<784x128xf32>
    %get3A_875 = arith.constant 0 : index
    %get3A_876 = arith.constant 22 : index
    %get3A_877 = memref.load %arg0[%get3A_875, %get3A_876] : memref<5x32xf32, #tpu.memory_space<smem>>
    %mul3A_878 = vector.broadcast %get3A_877 : f32 to vector<784x128xf32>
    %mul3A_879 = arith.mulf %get3A_1, %mul3A_878 : vector<784x128xf32>
    %get3A_880 = arith.constant 1 : index
    %get3A_881 = arith.constant 22 : index
    %get3A_882 = memref.load %arg0[%get3A_880, %get3A_881] : memref<5x32xf32, #tpu.memory_space<smem>>
    %mul3A_883 = vector.broadcast %get3A_882 : f32 to vector<784x128xf32>
    %mul3A_884 = arith.mulf %get3A_4, %mul3A_883 : vector<784x128xf32>
    %add3A_885 = arith.addf %mul3A_879, %mul3A_884 : vector<784x128xf32>
    %get3A_886 = arith.constant 2 : index
    %get3A_887 = arith.constant 22 : index
    %get3A_888 = memref.load %arg0[%get3A_886, %get3A_887] : memref<5x32xf32, #tpu.memory_space<smem>>
    %mul3A_889 = vector.broadcast %get3A_888 : f32 to vector<784x128xf32>
    %mul3A_890 = arith.mulf %get3A_7, %mul3A_889 : vector<784x128xf32>
    %add3A_891 = arith.addf %add3A_885, %mul3A_890 : vector<784x128xf32>
    %get3A_892 = arith.constant 3 : index
    %get3A_893 = arith.constant 22 : index
    %get3A_894 = memref.load %arg0[%get3A_892, %get3A_893] : memref<5x32xf32, #tpu.memory_space<smem>>
    %mul3A_895 = vector.broadcast %get3A_894 : f32 to vector<784x128xf32>
    %mul3A_896 = arith.mulf %add3A, %mul3A_895 : vector<784x128xf32>
    %add3A_897 = arith.addf %add3A_891, %mul3A_896 : vector<784x128xf32>
    %get3A_898 = arith.constant 4 : index
    %get3A_899 = arith.constant 22 : index
    %get3A_900 = memref.load %arg0[%get3A_898, %get3A_899] : memref<5x32xf32, #tpu.memory_space<smem>>
    %mul3A_901 = vector.broadcast %get3A_900 : f32 to vector<784x128xf32>
    %mul3A_902 = arith.mulf %get3A_16, %mul3A_901 : vector<784x128xf32>
    %add3A_903 = arith.addf %add3A_897, %mul3A_902 : vector<784x128xf32>
    %get3A_904 = arith.constant 22 : index
    %get3A_905 = memref.load %arg1[%get3A_904] : memref<32xf32, #tpu.memory_space<smem>>
    %add3A_906 = vector.broadcast %get3A_905 : f32 to vector<784x128xf32>
    %add3A_907 = arith.addf %add3A_903, %add3A_906 : vector<784x128xf32>
    %tanh3A_908 = math.tanh %add3A_907 : vector<784x128xf32>
    %get3A_909 = arith.constant 22 : index
    %get3A_910 = memref.load %arg2[%get3A_909] : memref<32xf32, #tpu.memory_space<smem>>
    %mul3A_911 = vector.broadcast %get3A_910 : f32 to vector<784x128xf32>
    %mul3A_912 = arith.mulf %tanh3A_908, %mul3A_911 : vector<784x128xf32>
    %add3A_913 = arith.addf %add3A_874, %mul3A_912 : vector<784x128xf32>
    %get3A_914 = arith.constant 0 : index
    %get3A_915 = arith.constant 23 : index
    %get3A_916 = memref.load %arg0[%get3A_914, %get3A_915] : memref<5x32xf32, #tpu.memory_space<smem>>
    %mul3A_917 = vector.broadcast %get3A_916 : f32 to vector<784x128xf32>
    %mul3A_918 = arith.mulf %get3A_1, %mul3A_917 : vector<784x128xf32>
    %get3A_919 = arith.constant 1 : index
    %get3A_920 = arith.constant 23 : index
    %get3A_921 = memref.load %arg0[%get3A_919, %get3A_920] : memref<5x32xf32, #tpu.memory_space<smem>>
    %mul3A_922 = vector.broadcast %get3A_921 : f32 to vector<784x128xf32>
    %mul3A_923 = arith.mulf %get3A_4, %mul3A_922 : vector<784x128xf32>
    %add3A_924 = arith.addf %mul3A_918, %mul3A_923 : vector<784x128xf32>
    %get3A_925 = arith.constant 2 : index
    %get3A_926 = arith.constant 23 : index
    %get3A_927 = memref.load %arg0[%get3A_925, %get3A_926] : memref<5x32xf32, #tpu.memory_space<smem>>
    %mul3A_928 = vector.broadcast %get3A_927 : f32 to vector<784x128xf32>
    %mul3A_929 = arith.mulf %get3A_7, %mul3A_928 : vector<784x128xf32>
    %add3A_930 = arith.addf %add3A_924, %mul3A_929 : vector<784x128xf32>
    %get3A_931 = arith.constant 3 : index
    %get3A_932 = arith.constant 23 : index
    %get3A_933 = memref.load %arg0[%get3A_931, %get3A_932] : memref<5x32xf32, #tpu.memory_space<smem>>
    %mul3A_934 = vector.broadcast %get3A_933 : f32 to vector<784x128xf32>
    %mul3A_935 = arith.mulf %add3A, %mul3A_934 : vector<784x128xf32>
    %add3A_936 = arith.addf %add3A_930, %mul3A_935 : vector<784x128xf32>
    %get3A_937 = arith.constant 4 : index
    %get3A_938 = arith.constant 23 : index
    %get3A_939 = memref.load %arg0[%get3A_937, %get3A_938] : memref<5x32xf32, #tpu.memory_space<smem>>
    %mul3A_940 = vector.broadcast %get3A_939 : f32 to vector<784x128xf32>
    %mul3A_941 = arith.mulf %get3A_16, %mul3A_940 : vector<784x128xf32>
    %add3A_942 = arith.addf %add3A_936, %mul3A_941 : vector<784x128xf32>
    %get3A_943 = arith.constant 23 : index
    %get3A_944 = memref.load %arg1[%get3A_943] : memref<32xf32, #tpu.memory_space<smem>>
    %add3A_945 = vector.broadcast %get3A_944 : f32 to vector<784x128xf32>
    %add3A_946 = arith.addf %add3A_942, %add3A_945 : vector<784x128xf32>
    %tanh3A_947 = math.tanh %add3A_946 : vector<784x128xf32>
    %get3A_948 = arith.constant 23 : index
    %get3A_949 = memref.load %arg2[%get3A_948] : memref<32xf32, #tpu.memory_space<smem>>
    %mul3A_950 = vector.broadcast %get3A_949 : f32 to vector<784x128xf32>
    %mul3A_951 = arith.mulf %tanh3A_947, %mul3A_950 : vector<784x128xf32>
    %add3A_952 = arith.addf %add3A_913, %mul3A_951 : vector<784x128xf32>
    %get3A_953 = arith.constant 0 : index
    %get3A_954 = arith.constant 24 : index
    %get3A_955 = memref.load %arg0[%get3A_953, %get3A_954] : memref<5x32xf32, #tpu.memory_space<smem>>
    %mul3A_956 = vector.broadcast %get3A_955 : f32 to vector<784x128xf32>
    %mul3A_957 = arith.mulf %get3A_1, %mul3A_956 : vector<784x128xf32>
    %get3A_958 = arith.constant 1 : index
    %get3A_959 = arith.constant 24 : index
    %get3A_960 = memref.load %arg0[%get3A_958, %get3A_959] : memref<5x32xf32, #tpu.memory_space<smem>>
    %mul3A_961 = vector.broadcast %get3A_960 : f32 to vector<784x128xf32>
    %mul3A_962 = arith.mulf %get3A_4, %mul3A_961 : vector<784x128xf32>
    %add3A_963 = arith.addf %mul3A_957, %mul3A_962 : vector<784x128xf32>
    %get3A_964 = arith.constant 2 : index
    %get3A_965 = arith.constant 24 : index
    %get3A_966 = memref.load %arg0[%get3A_964, %get3A_965] : memref<5x32xf32, #tpu.memory_space<smem>>
    %mul3A_967 = vector.broadcast %get3A_966 : f32 to vector<784x128xf32>
    %mul3A_968 = arith.mulf %get3A_7, %mul3A_967 : vector<784x128xf32>
    %add3A_969 = arith.addf %add3A_963, %mul3A_968 : vector<784x128xf32>
    %get3A_970 = arith.constant 3 : index
    %get3A_971 = arith.constant 24 : index
    %get3A_972 = memref.load %arg0[%get3A_970, %get3A_971] : memref<5x32xf32, #tpu.memory_space<smem>>
    %mul3A_973 = vector.broadcast %get3A_972 : f32 to vector<784x128xf32>
    %mul3A_974 = arith.mulf %add3A, %mul3A_973 : vector<784x128xf32>
    %add3A_975 = arith.addf %add3A_969, %mul3A_974 : vector<784x128xf32>
    %get3A_976 = arith.constant 4 : index
    %get3A_977 = arith.constant 24 : index
    %get3A_978 = memref.load %arg0[%get3A_976, %get3A_977] : memref<5x32xf32, #tpu.memory_space<smem>>
    %mul3A_979 = vector.broadcast %get3A_978 : f32 to vector<784x128xf32>
    %mul3A_980 = arith.mulf %get3A_16, %mul3A_979 : vector<784x128xf32>
    %add3A_981 = arith.addf %add3A_975, %mul3A_980 : vector<784x128xf32>
    %get3A_982 = arith.constant 24 : index
    %get3A_983 = memref.load %arg1[%get3A_982] : memref<32xf32, #tpu.memory_space<smem>>
    %add3A_984 = vector.broadcast %get3A_983 : f32 to vector<784x128xf32>
    %add3A_985 = arith.addf %add3A_981, %add3A_984 : vector<784x128xf32>
    %tanh3A_986 = math.tanh %add3A_985 : vector<784x128xf32>
    %get3A_987 = arith.constant 24 : index
    %get3A_988 = memref.load %arg2[%get3A_987] : memref<32xf32, #tpu.memory_space<smem>>
    %mul3A_989 = vector.broadcast %get3A_988 : f32 to vector<784x128xf32>
    %mul3A_990 = arith.mulf %tanh3A_986, %mul3A_989 : vector<784x128xf32>
    %add3A_991 = arith.addf %add3A_952, %mul3A_990 : vector<784x128xf32>
    %get3A_992 = arith.constant 0 : index
    %get3A_993 = arith.constant 25 : index
    %get3A_994 = memref.load %arg0[%get3A_992, %get3A_993] : memref<5x32xf32, #tpu.memory_space<smem>>
    %mul3A_995 = vector.broadcast %get3A_994 : f32 to vector<784x128xf32>
    %mul3A_996 = arith.mulf %get3A_1, %mul3A_995 : vector<784x128xf32>
    %get3A_997 = arith.constant 1 : index
    %get3A_998 = arith.constant 25 : index
    %get3A_999 = memref.load %arg0[%get3A_997, %get3A_998] : memref<5x32xf32, #tpu.memory_space<smem>>
    %mul3A_1000 = vector.broadcast %get3A_999 : f32 to vector<784x128xf32>
    %mul3A_1001 = arith.mulf %get3A_4, %mul3A_1000 : vector<784x128xf32>
    %add3A_1002 = arith.addf %mul3A_996, %mul3A_1001 : vector<784x128xf32>
    %get3A_1003 = arith.constant 2 : index
    %get3A_1004 = arith.constant 25 : index
    %get3A_1005 = memref.load %arg0[%get3A_1003, %get3A_1004] : memref<5x32xf32, #tpu.memory_space<smem>>
    %mul3A_1006 = vector.broadcast %get3A_1005 : f32 to vector<784x128xf32>
    %mul3A_1007 = arith.mulf %get3A_7, %mul3A_1006 : vector<784x128xf32>
    %add3A_1008 = arith.addf %add3A_1002, %mul3A_1007 : vector<784x128xf32>
    %get3A_1009 = arith.constant 3 : index
    %get3A_1010 = arith.constant 25 : index
    %get3A_1011 = memref.load %arg0[%get3A_1009, %get3A_1010] : memref<5x32xf32, #tpu.memory_space<smem>>
    %mul3A_1012 = vector.broadcast %get3A_1011 : f32 to vector<784x128xf32>
    %mul3A_1013 = arith.mulf %add3A, %mul3A_1012 : vector<784x128xf32>
    %add3A_1014 = arith.addf %add3A_1008, %mul3A_1013 : vector<784x128xf32>
    %get3A_1015 = arith.constant 4 : index
    %get3A_1016 = arith.constant 25 : index
    %get3A_1017 = memref.load %arg0[%get3A_1015, %get3A_1016] : memref<5x32xf32, #tpu.memory_space<smem>>
    %mul3A_1018 = vector.broadcast %get3A_1017 : f32 to vector<784x128xf32>
    %mul3A_1019 = arith.mulf %get3A_16, %mul3A_1018 : vector<784x128xf32>
    %add3A_1020 = arith.addf %add3A_1014, %mul3A_1019 : vector<784x128xf32>
    %get3A_1021 = arith.constant 25 : index
    %get3A_1022 = memref.load %arg1[%get3A_1021] : memref<32xf32, #tpu.memory_space<smem>>
    %add3A_1023 = vector.broadcast %get3A_1022 : f32 to vector<784x128xf32>
    %add3A_1024 = arith.addf %add3A_1020, %add3A_1023 : vector<784x128xf32>
    %tanh3A_1025 = math.tanh %add3A_1024 : vector<784x128xf32>
    %get3A_1026 = arith.constant 25 : index
    %get3A_1027 = memref.load %arg2[%get3A_1026] : memref<32xf32, #tpu.memory_space<smem>>
    %mul3A_1028 = vector.broadcast %get3A_1027 : f32 to vector<784x128xf32>
    %mul3A_1029 = arith.mulf %tanh3A_1025, %mul3A_1028 : vector<784x128xf32>
    %add3A_1030 = arith.addf %add3A_991, %mul3A_1029 : vector<784x128xf32>
    %get3A_1031 = arith.constant 0 : index
    %get3A_1032 = arith.constant 26 : index
    %get3A_1033 = memref.load %arg0[%get3A_1031, %get3A_1032] : memref<5x32xf32, #tpu.memory_space<smem>>
    %mul3A_1034 = vector.broadcast %get3A_1033 : f32 to vector<784x128xf32>
    %mul3A_1035 = arith.mulf %get3A_1, %mul3A_1034 : vector<784x128xf32>
    %get3A_1036 = arith.constant 1 : index
    %get3A_1037 = arith.constant 26 : index
    %get3A_1038 = memref.load %arg0[%get3A_1036, %get3A_1037] : memref<5x32xf32, #tpu.memory_space<smem>>
    %mul3A_1039 = vector.broadcast %get3A_1038 : f32 to vector<784x128xf32>
    %mul3A_1040 = arith.mulf %get3A_4, %mul3A_1039 : vector<784x128xf32>
    %add3A_1041 = arith.addf %mul3A_1035, %mul3A_1040 : vector<784x128xf32>
    %get3A_1042 = arith.constant 2 : index
    %get3A_1043 = arith.constant 26 : index
    %get3A_1044 = memref.load %arg0[%get3A_1042, %get3A_1043] : memref<5x32xf32, #tpu.memory_space<smem>>
    %mul3A_1045 = vector.broadcast %get3A_1044 : f32 to vector<784x128xf32>
    %mul3A_1046 = arith.mulf %get3A_7, %mul3A_1045 : vector<784x128xf32>
    %add3A_1047 = arith.addf %add3A_1041, %mul3A_1046 : vector<784x128xf32>
    %get3A_1048 = arith.constant 3 : index
    %get3A_1049 = arith.constant 26 : index
    %get3A_1050 = memref.load %arg0[%get3A_1048, %get3A_1049] : memref<5x32xf32, #tpu.memory_space<smem>>
    %mul3A_1051 = vector.broadcast %get3A_1050 : f32 to vector<784x128xf32>
    %mul3A_1052 = arith.mulf %add3A, %mul3A_1051 : vector<784x128xf32>
    %add3A_1053 = arith.addf %add3A_1047, %mul3A_1052 : vector<784x128xf32>
    %get3A_1054 = arith.constant 4 : index
    %get3A_1055 = arith.constant 26 : index
    %get3A_1056 = memref.load %arg0[%get3A_1054, %get3A_1055] : memref<5x32xf32, #tpu.memory_space<smem>>
    %mul3A_1057 = vector.broadcast %get3A_1056 : f32 to vector<784x128xf32>
    %mul3A_1058 = arith.mulf %get3A_16, %mul3A_1057 : vector<784x128xf32>
    %add3A_1059 = arith.addf %add3A_1053, %mul3A_1058 : vector<784x128xf32>
    %get3A_1060 = arith.constant 26 : index
    %get3A_1061 = memref.load %arg1[%get3A_1060] : memref<32xf32, #tpu.memory_space<smem>>
    %add3A_1062 = vector.broadcast %get3A_1061 : f32 to vector<784x128xf32>
    %add3A_1063 = arith.addf %add3A_1059, %add3A_1062 : vector<784x128xf32>
    %tanh3A_1064 = math.tanh %add3A_1063 : vector<784x128xf32>
    %get3A_1065 = arith.constant 26 : index
    %get3A_1066 = memref.load %arg2[%get3A_1065] : memref<32xf32, #tpu.memory_space<smem>>
    %mul3A_1067 = vector.broadcast %get3A_1066 : f32 to vector<784x128xf32>
    %mul3A_1068 = arith.mulf %tanh3A_1064, %mul3A_1067 : vector<784x128xf32>
    %add3A_1069 = arith.addf %add3A_1030, %mul3A_1068 : vector<784x128xf32>
    %get3A_1070 = arith.constant 0 : index
    %get3A_1071 = arith.constant 27 : index
    %get3A_1072 = memref.load %arg0[%get3A_1070, %get3A_1071] : memref<5x32xf32, #tpu.memory_space<smem>>
    %mul3A_1073 = vector.broadcast %get3A_1072 : f32 to vector<784x128xf32>
    %mul3A_1074 = arith.mulf %get3A_1, %mul3A_1073 : vector<784x128xf32>
    %get3A_1075 = arith.constant 1 : index
    %get3A_1076 = arith.constant 27 : index
    %get3A_1077 = memref.load %arg0[%get3A_1075, %get3A_1076] : memref<5x32xf32, #tpu.memory_space<smem>>
    %mul3A_1078 = vector.broadcast %get3A_1077 : f32 to vector<784x128xf32>
    %mul3A_1079 = arith.mulf %get3A_4, %mul3A_1078 : vector<784x128xf32>
    %add3A_1080 = arith.addf %mul3A_1074, %mul3A_1079 : vector<784x128xf32>
    %get3A_1081 = arith.constant 2 : index
    %get3A_1082 = arith.constant 27 : index
    %get3A_1083 = memref.load %arg0[%get3A_1081, %get3A_1082] : memref<5x32xf32, #tpu.memory_space<smem>>
    %mul3A_1084 = vector.broadcast %get3A_1083 : f32 to vector<784x128xf32>
    %mul3A_1085 = arith.mulf %get3A_7, %mul3A_1084 : vector<784x128xf32>
    %add3A_1086 = arith.addf %add3A_1080, %mul3A_1085 : vector<784x128xf32>
    %get3A_1087 = arith.constant 3 : index
    %get3A_1088 = arith.constant 27 : index
    %get3A_1089 = memref.load %arg0[%get3A_1087, %get3A_1088] : memref<5x32xf32, #tpu.memory_space<smem>>
    %mul3A_1090 = vector.broadcast %get3A_1089 : f32 to vector<784x128xf32>
    %mul3A_1091 = arith.mulf %add3A, %mul3A_1090 : vector<784x128xf32>
    %add3A_1092 = arith.addf %add3A_1086, %mul3A_1091 : vector<784x128xf32>
    %get3A_1093 = arith.constant 4 : index
    %get3A_1094 = arith.constant 27 : index
    %get3A_1095 = memref.load %arg0[%get3A_1093, %get3A_1094] : memref<5x32xf32, #tpu.memory_space<smem>>
    %mul3A_1096 = vector.broadcast %get3A_1095 : f32 to vector<784x128xf32>
    %mul3A_1097 = arith.mulf %get3A_16, %mul3A_1096 : vector<784x128xf32>
    %add3A_1098 = arith.addf %add3A_1092, %mul3A_1097 : vector<784x128xf32>
    %get3A_1099 = arith.constant 27 : index
    %get3A_1100 = memref.load %arg1[%get3A_1099] : memref<32xf32, #tpu.memory_space<smem>>
    %add3A_1101 = vector.broadcast %get3A_1100 : f32 to vector<784x128xf32>
    %add3A_1102 = arith.addf %add3A_1098, %add3A_1101 : vector<784x128xf32>
    %tanh3A_1103 = math.tanh %add3A_1102 : vector<784x128xf32>
    %get3A_1104 = arith.constant 27 : index
    %get3A_1105 = memref.load %arg2[%get3A_1104] : memref<32xf32, #tpu.memory_space<smem>>
    %mul3A_1106 = vector.broadcast %get3A_1105 : f32 to vector<784x128xf32>
    %mul3A_1107 = arith.mulf %tanh3A_1103, %mul3A_1106 : vector<784x128xf32>
    %add3A_1108 = arith.addf %add3A_1069, %mul3A_1107 : vector<784x128xf32>
    %get3A_1109 = arith.constant 0 : index
    %get3A_1110 = arith.constant 28 : index
    %get3A_1111 = memref.load %arg0[%get3A_1109, %get3A_1110] : memref<5x32xf32, #tpu.memory_space<smem>>
    %mul3A_1112 = vector.broadcast %get3A_1111 : f32 to vector<784x128xf32>
    %mul3A_1113 = arith.mulf %get3A_1, %mul3A_1112 : vector<784x128xf32>
    %get3A_1114 = arith.constant 1 : index
    %get3A_1115 = arith.constant 28 : index
    %get3A_1116 = memref.load %arg0[%get3A_1114, %get3A_1115] : memref<5x32xf32, #tpu.memory_space<smem>>
    %mul3A_1117 = vector.broadcast %get3A_1116 : f32 to vector<784x128xf32>
    %mul3A_1118 = arith.mulf %get3A_4, %mul3A_1117 : vector<784x128xf32>
    %add3A_1119 = arith.addf %mul3A_1113, %mul3A_1118 : vector<784x128xf32>
    %get3A_1120 = arith.constant 2 : index
    %get3A_1121 = arith.constant 28 : index
    %get3A_1122 = memref.load %arg0[%get3A_1120, %get3A_1121] : memref<5x32xf32, #tpu.memory_space<smem>>
    %mul3A_1123 = vector.broadcast %get3A_1122 : f32 to vector<784x128xf32>
    %mul3A_1124 = arith.mulf %get3A_7, %mul3A_1123 : vector<784x128xf32>
    %add3A_1125 = arith.addf %add3A_1119, %mul3A_1124 : vector<784x128xf32>
    %get3A_1126 = arith.constant 3 : index
    %get3A_1127 = arith.constant 28 : index
    %get3A_1128 = memref.load %arg0[%get3A_1126, %get3A_1127] : memref<5x32xf32, #tpu.memory_space<smem>>
    %mul3A_1129 = vector.broadcast %get3A_1128 : f32 to vector<784x128xf32>
    %mul3A_1130 = arith.mulf %add3A, %mul3A_1129 : vector<784x128xf32>
    %add3A_1131 = arith.addf %add3A_1125, %mul3A_1130 : vector<784x128xf32>
    %get3A_1132 = arith.constant 4 : index
    %get3A_1133 = arith.constant 28 : index
    %get3A_1134 = memref.load %arg0[%get3A_1132, %get3A_1133] : memref<5x32xf32, #tpu.memory_space<smem>>
    %mul3A_1135 = vector.broadcast %get3A_1134 : f32 to vector<784x128xf32>
    %mul3A_1136 = arith.mulf %get3A_16, %mul3A_1135 : vector<784x128xf32>
    %add3A_1137 = arith.addf %add3A_1131, %mul3A_1136 : vector<784x128xf32>
    %get3A_1138 = arith.constant 28 : index
    %get3A_1139 = memref.load %arg1[%get3A_1138] : memref<32xf32, #tpu.memory_space<smem>>
    %add3A_1140 = vector.broadcast %get3A_1139 : f32 to vector<784x128xf32>
    %add3A_1141 = arith.addf %add3A_1137, %add3A_1140 : vector<784x128xf32>
    %tanh3A_1142 = math.tanh %add3A_1141 : vector<784x128xf32>
    %get3A_1143 = arith.constant 28 : index
    %get3A_1144 = memref.load %arg2[%get3A_1143] : memref<32xf32, #tpu.memory_space<smem>>
    %mul3A_1145 = vector.broadcast %get3A_1144 : f32 to vector<784x128xf32>
    %mul3A_1146 = arith.mulf %tanh3A_1142, %mul3A_1145 : vector<784x128xf32>
    %add3A_1147 = arith.addf %add3A_1108, %mul3A_1146 : vector<784x128xf32>
    %get3A_1148 = arith.constant 0 : index
    %get3A_1149 = arith.constant 29 : index
    %get3A_1150 = memref.load %arg0[%get3A_1148, %get3A_1149] : memref<5x32xf32, #tpu.memory_space<smem>>
    %mul3A_1151 = vector.broadcast %get3A_1150 : f32 to vector<784x128xf32>
    %mul3A_1152 = arith.mulf %get3A_1, %mul3A_1151 : vector<784x128xf32>
    %get3A_1153 = arith.constant 1 : index
    %get3A_1154 = arith.constant 29 : index
    %get3A_1155 = memref.load %arg0[%get3A_1153, %get3A_1154] : memref<5x32xf32, #tpu.memory_space<smem>>
    %mul3A_1156 = vector.broadcast %get3A_1155 : f32 to vector<784x128xf32>
    %mul3A_1157 = arith.mulf %get3A_4, %mul3A_1156 : vector<784x128xf32>
    %add3A_1158 = arith.addf %mul3A_1152, %mul3A_1157 : vector<784x128xf32>
    %get3A_1159 = arith.constant 2 : index
    %get3A_1160 = arith.constant 29 : index
    %get3A_1161 = memref.load %arg0[%get3A_1159, %get3A_1160] : memref<5x32xf32, #tpu.memory_space<smem>>
    %mul3A_1162 = vector.broadcast %get3A_1161 : f32 to vector<784x128xf32>
    %mul3A_1163 = arith.mulf %get3A_7, %mul3A_1162 : vector<784x128xf32>
    %add3A_1164 = arith.addf %add3A_1158, %mul3A_1163 : vector<784x128xf32>
    %get3A_1165 = arith.constant 3 : index
    %get3A_1166 = arith.constant 29 : index
    %get3A_1167 = memref.load %arg0[%get3A_1165, %get3A_1166] : memref<5x32xf32, #tpu.memory_space<smem>>
    %mul3A_1168 = vector.broadcast %get3A_1167 : f32 to vector<784x128xf32>
    %mul3A_1169 = arith.mulf %add3A, %mul3A_1168 : vector<784x128xf32>
    %add3A_1170 = arith.addf %add3A_1164, %mul3A_1169 : vector<784x128xf32>
    %get3A_1171 = arith.constant 4 : index
    %get3A_1172 = arith.constant 29 : index
    %get3A_1173 = memref.load %arg0[%get3A_1171, %get3A_1172] : memref<5x32xf32, #tpu.memory_space<smem>>
    %mul3A_1174 = vector.broadcast %get3A_1173 : f32 to vector<784x128xf32>
    %mul3A_1175 = arith.mulf %get3A_16, %mul3A_1174 : vector<784x128xf32>
    %add3A_1176 = arith.addf %add3A_1170, %mul3A_1175 : vector<784x128xf32>
    %get3A_1177 = arith.constant 29 : index
    %get3A_1178 = memref.load %arg1[%get3A_1177] : memref<32xf32, #tpu.memory_space<smem>>
    %add3A_1179 = vector.broadcast %get3A_1178 : f32 to vector<784x128xf32>
    %add3A_1180 = arith.addf %add3A_1176, %add3A_1179 : vector<784x128xf32>
    %tanh3A_1181 = math.tanh %add3A_1180 : vector<784x128xf32>
    %get3A_1182 = arith.constant 29 : index
    %get3A_1183 = memref.load %arg2[%get3A_1182] : memref<32xf32, #tpu.memory_space<smem>>
    %mul3A_1184 = vector.broadcast %get3A_1183 : f32 to vector<784x128xf32>
    %mul3A_1185 = arith.mulf %tanh3A_1181, %mul3A_1184 : vector<784x128xf32>
    %add3A_1186 = arith.addf %add3A_1147, %mul3A_1185 : vector<784x128xf32>
    %get3A_1187 = arith.constant 0 : index
    %get3A_1188 = arith.constant 30 : index
    %get3A_1189 = memref.load %arg0[%get3A_1187, %get3A_1188] : memref<5x32xf32, #tpu.memory_space<smem>>
    %mul3A_1190 = vector.broadcast %get3A_1189 : f32 to vector<784x128xf32>
    %mul3A_1191 = arith.mulf %get3A_1, %mul3A_1190 : vector<784x128xf32>
    %get3A_1192 = arith.constant 1 : index
    %get3A_1193 = arith.constant 30 : index
    %get3A_1194 = memref.load %arg0[%get3A_1192, %get3A_1193] : memref<5x32xf32, #tpu.memory_space<smem>>
    %mul3A_1195 = vector.broadcast %get3A_1194 : f32 to vector<784x128xf32>
    %mul3A_1196 = arith.mulf %get3A_4, %mul3A_1195 : vector<784x128xf32>
    %add3A_1197 = arith.addf %mul3A_1191, %mul3A_1196 : vector<784x128xf32>
    %get3A_1198 = arith.constant 2 : index
    %get3A_1199 = arith.constant 30 : index
    %get3A_1200 = memref.load %arg0[%get3A_1198, %get3A_1199] : memref<5x32xf32, #tpu.memory_space<smem>>
    %mul3A_1201 = vector.broadcast %get3A_1200 : f32 to vector<784x128xf32>
    %mul3A_1202 = arith.mulf %get3A_7, %mul3A_1201 : vector<784x128xf32>
    %add3A_1203 = arith.addf %add3A_1197, %mul3A_1202 : vector<784x128xf32>
    %get3A_1204 = arith.constant 3 : index
    %get3A_1205 = arith.constant 30 : index
    %get3A_1206 = memref.load %arg0[%get3A_1204, %get3A_1205] : memref<5x32xf32, #tpu.memory_space<smem>>
    %mul3A_1207 = vector.broadcast %get3A_1206 : f32 to vector<784x128xf32>
    %mul3A_1208 = arith.mulf %add3A, %mul3A_1207 : vector<784x128xf32>
    %add3A_1209 = arith.addf %add3A_1203, %mul3A_1208 : vector<784x128xf32>
    %get3A_1210 = arith.constant 4 : index
    %get3A_1211 = arith.constant 30 : index
    %get3A_1212 = memref.load %arg0[%get3A_1210, %get3A_1211] : memref<5x32xf32, #tpu.memory_space<smem>>
    %mul3A_1213 = vector.broadcast %get3A_1212 : f32 to vector<784x128xf32>
    %mul3A_1214 = arith.mulf %get3A_16, %mul3A_1213 : vector<784x128xf32>
    %add3A_1215 = arith.addf %add3A_1209, %mul3A_1214 : vector<784x128xf32>
    %get3A_1216 = arith.constant 30 : index
    %get3A_1217 = memref.load %arg1[%get3A_1216] : memref<32xf32, #tpu.memory_space<smem>>
    %add3A_1218 = vector.broadcast %get3A_1217 : f32 to vector<784x128xf32>
    %add3A_1219 = arith.addf %add3A_1215, %add3A_1218 : vector<784x128xf32>
    %tanh3A_1220 = math.tanh %add3A_1219 : vector<784x128xf32>
    %get3A_1221 = arith.constant 30 : index
    %get3A_1222 = memref.load %arg2[%get3A_1221] : memref<32xf32, #tpu.memory_space<smem>>
    %mul3A_1223 = vector.broadcast %get3A_1222 : f32 to vector<784x128xf32>
    %mul3A_1224 = arith.mulf %tanh3A_1220, %mul3A_1223 : vector<784x128xf32>
    %add3A_1225 = arith.addf %add3A_1186, %mul3A_1224 : vector<784x128xf32>
    %get3A_1226 = arith.constant 0 : index
    %get3A_1227 = arith.constant 31 : index
    %get3A_1228 = memref.load %arg0[%get3A_1226, %get3A_1227] : memref<5x32xf32, #tpu.memory_space<smem>>
    %mul3A_1229 = vector.broadcast %get3A_1228 : f32 to vector<784x128xf32>
    %mul3A_1230 = arith.mulf %get3A_1, %mul3A_1229 : vector<784x128xf32>
    %get3A_1231 = arith.constant 1 : index
    %get3A_1232 = arith.constant 31 : index
    %get3A_1233 = memref.load %arg0[%get3A_1231, %get3A_1232] : memref<5x32xf32, #tpu.memory_space<smem>>
    %mul3A_1234 = vector.broadcast %get3A_1233 : f32 to vector<784x128xf32>
    %mul3A_1235 = arith.mulf %get3A_4, %mul3A_1234 : vector<784x128xf32>
    %add3A_1236 = arith.addf %mul3A_1230, %mul3A_1235 : vector<784x128xf32>
    %get3A_1237 = arith.constant 2 : index
    %get3A_1238 = arith.constant 31 : index
    %get3A_1239 = memref.load %arg0[%get3A_1237, %get3A_1238] : memref<5x32xf32, #tpu.memory_space<smem>>
    %mul3A_1240 = vector.broadcast %get3A_1239 : f32 to vector<784x128xf32>
    %mul3A_1241 = arith.mulf %get3A_7, %mul3A_1240 : vector<784x128xf32>
    %add3A_1242 = arith.addf %add3A_1236, %mul3A_1241 : vector<784x128xf32>
    %get3A_1243 = arith.constant 3 : index
    %get3A_1244 = arith.constant 31 : index
    %get3A_1245 = memref.load %arg0[%get3A_1243, %get3A_1244] : memref<5x32xf32, #tpu.memory_space<smem>>
    %mul3A_1246 = vector.broadcast %get3A_1245 : f32 to vector<784x128xf32>
    %mul3A_1247 = arith.mulf %add3A, %mul3A_1246 : vector<784x128xf32>
    %add3A_1248 = arith.addf %add3A_1242, %mul3A_1247 : vector<784x128xf32>
    %get3A_1249 = arith.constant 4 : index
    %get3A_1250 = arith.constant 31 : index
    %get3A_1251 = memref.load %arg0[%get3A_1249, %get3A_1250] : memref<5x32xf32, #tpu.memory_space<smem>>
    %mul3A_1252 = vector.broadcast %get3A_1251 : f32 to vector<784x128xf32>
    %mul3A_1253 = arith.mulf %get3A_16, %mul3A_1252 : vector<784x128xf32>
    %add3A_1254 = arith.addf %add3A_1248, %mul3A_1253 : vector<784x128xf32>
    %get3A_1255 = arith.constant 31 : index
    %get3A_1256 = memref.load %arg1[%get3A_1255] : memref<32xf32, #tpu.memory_space<smem>>
    %add3A_1257 = vector.broadcast %get3A_1256 : f32 to vector<784x128xf32>
    %add3A_1258 = arith.addf %add3A_1254, %add3A_1257 : vector<784x128xf32>
    %tanh3A_1259 = math.tanh %add3A_1258 : vector<784x128xf32>
    %get3A_1260 = arith.constant 31 : index
    %get3A_1261 = memref.load %arg2[%get3A_1260] : memref<32xf32, #tpu.memory_space<smem>>
    %mul3A_1262 = vector.broadcast %get3A_1261 : f32 to vector<784x128xf32>
    %mul3A_1263 = arith.mulf %tanh3A_1259, %mul3A_1262 : vector<784x128xf32>
    %add3A_1264 = arith.addf %add3A_1225, %mul3A_1263 : vector<784x128xf32>
    %swap3A = arith.constant 0 : index
    %swap3A_1265 = arith.constant 0 : index
    %swap3A_1266 = vector.load %arg10[%swap3A, %swap3A_1265] : memref<784x128xf32, #tpu.memory_space<vmem>>, vector<784x128xf32>
    tpu.vector_store %arg10[%swap3A, %swap3A_1265], %add3A_1264 {strides = array<i32>} : memref<784x128xf32, #tpu.memory_space<vmem>>, vector<784x128xf32>,
    return
  }
}

</mosaic_0001>

<sc_bundles>
// kernel: kernel.5.cloned.1.call-start
scs
__scs_entry_jumppad:
0x0: {  	(pc) =	sbr.rel $0x88, $3  }
0x1: {  	(tag) =	ssettag $0x0;
	lr =	simm.s32 $0x1  }
0x2: {  	[smem:$0x3F94] =	sst lr;
	_ =	strace $0xD0000000  }
0x3: {  	_ = 	snop  }
0x4: {  	_ = 	snop  }
0x5: {  	_ = 	snop  }
0x6: {  	_ = 	snop  }
0x7: {  	_ = 	snop  }
__scs_overlays_trampoline_lowered:
0x8: {  	[smem:$0x3FA3] =	sst s0  }
0x9: {  	[smem:$0x3FA4] =	sst s1  }
0xa: {  	[smem:$0x3FA5] =	sst s2  }
0xb: {  	[smem:$0x3FA6] =	sst s3  }
0xc: {  	[smem:$0x3FA7] =	sst s4  }
0xd: {  	[smem:$0x3FA8] =	sst s5  }
0xe: {  	[smem:$0x3FA9] =	sst s6  }
0xf: {  	[smem:$0x3FAA] =	sst s7  }
0x10: {  	[smem:$0x3FAB] =	sst s8  }
0x11: {  	[smem:$0x3FAC] =	sst s9;
	s0 =	simm.s32 @!p0 $0x0  }
0x12: {  	s1 =	sld [smem:$0x3F92];
	s0 =	simm.s32 @p0 $0x1  }
0x13: {  	[smem:$0x3FAD] =	sst s0;
	s0 =	simm.s32 @!p1 $0x0  }
0x14: {  	s2 =	sld [smem:$0x3F91];
	s0 =	simm.s32 @p1 $0x1  }
0x15: {  	[smem:$0x3FAE] =	sst s0;
	s0 =	simm.s32 @!p2 $0x0  }
0x16: {  	s3 =	sld [smem:$0x3FDB];
	s0 =	simm.s32 @p2 $0x1  }
0x17: {  	s4 =	simm.s32 $0x1BF5;
	[smem:$0x3FB0] =	sst s0  }
0x18: {  	s0 =	sld [smem:$0x3F93];
	_ =	swait.ge [sflag:s4], $0x0  }
0x19: {  	s7 =	sld [smem:$0x3F94]  }
0x1a: {  	s8 =	sadd.s32 $0xFFFFE003, lr  }
0x1b: {  	s9 =	sadd.s32 $0xFFFFFEF7, lr;
	s5 =	simm.s32 $0xFFFFFFFF;
	p2 =	slt.u32 s8, $0xFFFFF086  }
0x1c: {  	p1 =	slt.u32 s9, $0xF7A;
	s5 =	simm.s32 @!p2 $0x0  }
0x1d: {  	s5 =	simm.s32 @p1 $0x1;
	p0 =	seq.s32 s7, s2  }
0x1e: {  	s7 =	smul.u32 @!p0 $0xF7A, s2;
	p2 =	seq.s32 @!p0 s5, $0x0  }
0x1f: {  	s9 =	smul.u32 $0xF7A, s1;
	s8 =	simm.s32 @!p0 $0x1BF5;
	p2 =	por !p2, p0  }
0x20: {  	[sflag:s8] =	ssyncset.s32 @!p0 $0xFFFFF086;
	s6 =	sadd.s32 @!p0 s3, s7;
	s7 =	simm.s32 @!p0 $0x108  }
0x21: {  	s3 =	sadd.s32 s3, s9;
	s6 =	sadd.s32 @!p0 $0x88, s6;
	s7 =	simm.s32 @p2 $0x1082  }
0x22: {  	[simem:s7], [sflag:s8] =	dma.local @!p0 [hbm:s6], $0xF7A  }
0x23: {  	s9 =	sor.u32 $0xD0000000, s2;
	s6 =	simm.s32 $0x108;
	_ =	swait.ge @!p0 [sflag:s8], $0x0  }
0x24: {  	s3 =	sadd.s32 $0x88, s3;
	s6 =	simm.s32 @!p1 $0x1082;
	[sflag:s4] =	ssyncset.s32 $0xFFFFF086  }
0x25: {  	[simem:s6], [sflag:s4] =	dma.local [hbm:s3], $0xF7A  }
0x26: {  	[smem:$0x3F94] =	sst s1;
	(tag) =	ssettag s2;
	_ =	strace s9  }
0x27: {  	s1 =	sld [smem:$0x3FA4]  }
0x28: {  	s2 =	sld [smem:$0x3FA5]  }
0x29: {  	s4 =	sld [smem:$0x3FA7]  }
0x2a: {  	p0 =	seq.s32 s5, $0x0;
	s5 =	sld [smem:$0x3FA8]  }
0x2b: {  	s6 =	sld [smem:$0x3FA9]  }
0x2c: {  	s7 =	sld [smem:$0x3FAA]  }
0x2d: {  	s3 =	simm.s32 $0x108;
	s8 =	sld [smem:$0x3FAB]  }
0x2e: {  	s3 =	simm.s32 @!p0 $0x1082;
	s9 =	sld [smem:$0x3FAC]  }
0x2f: {  	lr =	sadd.s32 s0, s3;
	s0 =	sld [smem:$0x3FA3]  }
0x30: {  	s3 =	sld [smem:$0x3FA6]  }
0x31: {  	[smem:$0x3FAF] =	sst s10  }
0x32: {  	s10 =	sld [smem:$0x3FAD];
	_ =	sdelay $0x3  }
0x33: {  	p0 =	seq.s32 s10, $0x1;
	s10 =	sld [smem:$0x3FAF];
	_ =	sdelay $0x3  }
0x34: {  	[smem:$0x3FAF] =	sst s10  }
0x35: {  	s10 =	sld [smem:$0x3FAE];
	_ =	sdelay $0x3  }
0x36: {  	p1 =	seq.s32 s10, $0x1;
	s10 =	sld [smem:$0x3FAF];
	_ =	sdelay $0x3  }
0x37: {  	[smem:$0x3FAF] =	sst s10  }
0x38: {  	s10 =	sld [smem:$0x3FB0]  }
0x39: {  	_ = 	snop;
	(pc) =	sbr.ind lr, $3  }
0x3a: {  	_ = 	snop  }
0x3b: {  	_ = 	snop  }
0x3c: {  	p2 =	seq.s32 s10, $0x1;
	s10 =	sld [smem:$0x3FAF]  }
0x3d: {  	_ =	shalt  }
0x3e: {  	_ =	shalt  }
0x3f: {  	_ =	shalt  }
0x40: {  	_ =	shalt  }
0x41: {  	_ =	shalt  }
0x42: {  	_ =	shalt  }
0x43: {  	_ =	shalt  }
0x44: {  	_ =	shalt  }
0x45: {  	_ =	shalt  }
0x46: {  	_ =	shalt  }
0x47: {  	_ =	shalt  }
0x48: {  	_ =	shalt  }
0x49: {  	_ =	shalt  }
0x4a: {  	_ =	shalt  }
0x4b: {  	_ =	shalt  }
0x4c: {  	_ =	shalt  }
0x4d: {  	_ =	shalt  }
0x4e: {  	_ =	shalt  }
0x4f: {  	_ =	shalt  }
0x50: {  	_ =	shalt  }
0x51: {  	_ =	shalt  }
0x52: {  	_ =	shalt  }
0x53: {  	_ =	shalt  }
0x54: {  	_ =	shalt  }
0x55: {  	_ =	shalt  }
0x56: {  	_ =	shalt  }
0x57: {  	_ =	shalt  }
0x58: {  	_ =	shalt  }
0x59: {  	_ =	shalt  }
0x5a: {  	_ =	shalt  }
0x5b: {  	_ =	shalt  }
0x5c: {  	_ =	shalt  }
0x5d: {  	_ =	shalt  }
0x5e: {  	_ =	shalt  }
0x5f: {  	_ =	shalt  }
0x60: {  	_ =	shalt  }
0x61: {  	_ =	shalt  }
0x62: {  	_ =	shalt  }
0x63: {  	_ =	shalt  }
0x64: {  	_ =	shalt  }
0x65: {  	_ =	shalt  }
0x66: {  	_ =	shalt  }
0x67: {  	_ =	shalt  }
0x68: {  	_ =	shalt  }
0x69: {  	_ =	shalt  }
0x6a: {  	_ =	shalt  }
0x6b: {  	_ =	shalt  }
0x6c: {  	_ =	shalt  }
0x6d: {  	_ =	shalt  }
0x6e: {  	_ =	shalt  }
0x6f: {  	_ =	shalt  }
0x70: {  	_ =	shalt  }
0x71: {  	_ =	shalt  }
0x72: {  	_ =	shalt  }
0x73: {  	_ =	shalt  }
0x74: {  	_ =	shalt  }
0x75: {  	_ =	shalt  }
0x76: {  	_ =	shalt  }
0x77: {  	_ =	shalt  }
0x78: {  	_ =	shalt  }
0x79: {  	_ =	shalt  }
0x7a: {  	_ =	shalt  }
0x7b: {  	_ =	shalt  }
0x7c: {  	_ =	shalt  }
0x7d: {  	_ =	shalt  }
0x7e: {  	_ =	shalt  }
0x7f: {  	_ =	shalt  }
0x80: {  	_ =	shalt  }
0x81: {  	_ =	shalt  }
0x82: {  	_ =	shalt  }
0x83: {  	_ =	shalt  }
0x84: {  	_ =	shalt  }
0x85: {  	_ =	shalt  }
0x86: {  	_ =	shalt  }
0x87: {  	_ =	shalt  }
.Lfunc_end0:
.L_simem_size_0:
called_computation_lowered:
.L_overlay_start_0:
0x88: {  	s2 =	sld [smem:$0x3FD9]  }
0x89: {  	s3 =	sld [smem:$0x3FFE];
	_ =	sdelay $0x1  }
0x8a: {  	s1 =	srdreg.scid  }
0x8b: {  	s0 =	sand.u32 $0x1, s1  }
0x8c: {  	s17 =	sshll.u32 s0, $0xA;
	s2 =	sadd.s32 s3, s2  }
0x8d: {  	s2 =	sadd.s32 s2, s17  }
0x8e: {  	[smem:$0x3FBB] =	sst s2  }
0x8f: {  	_ = 	snop  }
0x90: {  	s2 =	sld [smem:$0x3FC7]  }
0x91: {  	s18 =	sld [smem:$0x3FC5];
	(tm) =	ssettm $0x1  }
0x92: {  	s4 =	sld [smem:$0x3FFB];
	_ =	sdelay $0x3  }
0x93: {  	_ =	strace s4  }
0x94: {  	s4 =	sld [smem:$0x3FFC];
	_ =	sdelay $0x3  }
0x95: {  	_ =	strace s4  }
0x96: {  	s4 =	sld [smem:$0x3FFD];
	_ =	sdelay $0x3  }
0x97: {  	_ =	strace s4  }
0x98: {  	_ =	strace $0x8FFFFFFF  }
0x99: {  	s19 =	sld [smem:$0x3FDB];
	_ =	sdelay $0x1  }
0x9a: {  	s5 =	simm.s32 $_scs_section_size  }
0x9b: {  	s6 =	simm.s32 $_size__tile_overlayer_lowered;
	s7 =	simm.s32 $_tile_overlayer_lowered  }
0x9c: {  	s22 =	simm.s32 $0x1BFF;
	s21 =	sshll.u32 s7, $0x1;
	s4 =	sadd.s32 s5, s19  }
0x9d: {  	s8 =	simm.s32 $0x0;
	s20 =	sshll.u32 s6, $0x1;
	s6 =	sadd.s32 s21, s4  }
0x9e: {  	[timem:s8], [sflag:s22] =	dma.local [hbm:s6], s20  }
0x9f: {  	_ =	swait.ge [sflag:s22], s20  }
0xa0: {  	s5 =	ssub.s32 $0x0, s20;
	[sflag:s22] =	ssyncset.done $0x0  }
0xa1: {  	[sflag:s22] =	ssyncadd.s32 s5;
	_ =	sdelay $0x1  }
0xa2: {  	s23 =	simm.s32 $0x1B8B  }
0xa3: {  	_ =	swait.ge [sflag:s23], $0x1  }
0xa4: {  	[sflag:s23] =	ssyncset.done $0x0  }
0xa5: {  	s25 =	simm.s32 $0x1B8E;
	s24 =	sld [smem:$0x3FFE];
	[sflag:s23] =	ssyncadd.s32 $0xFFFFFFFF  }
0xa6: {  	s26 =	simm.s32 $execute0_lowered;
	[smem:$0x3FD2] =	sst s25  }
0xa7: {  	s6 =	sshll.u32 s26, $0x1;
	_ =	strace $0x80000046;
	[dreg:$0x1] =	wrdreg $0xFFFFFFFF  }
0xa8: {  	s28 =	simm.s32 $_size_execute0_lowered;
	s4 =	sadd.s32 s4, s6;
	[dreg:$0x0] =	wrdreg $0x0  }
0xa9: {  	s6 =	sshll.u32 s28, $0x1;
	[dreg:$0x2] =	wrdreg s4  }
0xaa: {  	[dreg:$0x3] =	wrdreg s6  }
0xab: {  	[dreg:$0x4] =	wrdreg $0xC0  }
0xac: {  	_ =	task [dreg:s8], $0x5FFFF  }
0xad: {  	[dreg:$0x1] =	wrdreg $0xFFFFFFFF  }
0xae: {  	[dreg:$0x0] =	wrdreg $0x60  }
0xaf: {  	[dreg:$0x2] =	wrdreg s24  }
0xb0: {  	[dreg:$0x3] =	wrdreg s2  }
0xb1: {  	[dreg:$0x4] =	wrdreg s18  }
0xb2: {  	[dreg:$0x5] =	wrdreg $0x1E7800  }
0xb3: {  	[dreg:$0x6] =	wrdreg $0x9  }
0xb4: {  	_ =	task.clear_ibuf [dreg:s8], $0x7FFFF;
	_ =	strace $0x90000046  }
0xb5: {  	s29 =	simm.s32 $0x9;
	_ =	strace $0x80000048  }
0xb6: {  	_ =	swait.ge [sflag:s29], $0x1  }
0xb7: {  	[sflag:s29] =	ssyncadd.s32 $0xFFFFFFFF  }
0xb8: {  	_ =	strace $0x90000048  }
0xb9: {  	_ =	sfence  }
0xba: {  	s30 =	sld [smem:$0x0];
	_ =	sdelay $0x2  }
0xbb: {  	s31 =	sshll.u32 s1, $0xD;
	s1 =	sshrl.u32 s1, $0x2  }
0xbc: {  	s3 =	sand.u32 $0x4000, s31;
	s1 =	sadd.s32 s1, s30  }
0xbd: {  	s0 =	sor.u32 s3, s0;
	s1 =	sshll.u32 s1, $0x11  }
0xbe: {  	s0 =	sor.u32 s1, s0  }
0xbf: {  	s0 =	sadd.s32 $0x8F2B, s0  }
0xc0: {  	[sflag:s0] =	ssyncadd.remote.s32 $0x1  }
0xc1: {  	_ =	sfence.sel $0xFFFF  }
0xc2: {  	[dreg:$0x0] =	wrdreg $0xFFFFFFFF;
	(pc) =	sbr.abs _section_cstart, $3  }
0xc3: {  	[dreg:$0x1] =	wrdreg $0xFFFFFFFF  }
0xc4: {  	_ =	task.clear_ibuf [dreg:s8], $0x2FFFF;
	_ =	strace $0x9FFFFFFF  }
0xc5: {  	(tm) =	ssettm $0x7FFFFFFF  }
tec
execute0_lowered:
.L_overlay_start_1:
0x0: {  	(tag) =	ssettag $0x1  }
0x1: {  	s0 =	rddreg [dreg:$0x0]  }
0x2: {  	s1 =	rddreg [dreg:$0x1]  }
0x3: {  	s2 =	rddreg [dreg:$0x2]  }
0x4: {  	s3 =	rddreg [dreg:$0x3];
	s4 =	srdreg.scid;
	s5 =	simm.s32 $0x0  }
0x5: {  	s12 =	stileid.u32;
	s28 =	simm.s32 $0x2;
	s29 =	simm.s32 $0x4  }
0x6: {  	s30 =	simm.s32 $0x3;
	s31 =	simm.s32 $0x0;
	s7 =	smul.u32 $0x1880, s12  }
0x7: {  	s4 =	sand.u32 $0x1, s4;
	[smem:$0x7FF] =	sst s5;
	s24 =	smul.u32 $0x6200, s12  }
0x8: {  	s8 =	sadd.s32 $0x200, s0;
	s17 =	sshll.u32 s12, $0x1;
	s6 =	smul.u32 $0x18800, s4  }
0x9: {  	_ =	strace $0x80000047;
	[dreg:$0x5] =	wrdreg s8;
	s9 =	ssub.s32 $0x2, s4  }
0xa: {  	s4 =	sor.u32 s4, s17;
	s8 =	sadd.s32 $0x10, s1;
	s18 =	sshrl.u32 s9, $0x1  }
0xb: {  	s10 =	sshll.u32 s4, $0x9;
	s20 =	sshll.u32 s4, $0x8;
	s11 =	sor.u32 $0x20, s4  }
0xc: {  	s14 =	sor.u32 $0x40, s4;
	s15 =	ssub.s32 $0xC15, s4;
	s16 =	sor.u32 $0x60, s4  }
0xd: {  	s17 =	sor.u32 $0x80, s4;
	s25 =	sadd.s32 s7, s3;
	s26 =	sshrl.u32 s24, $0x2  }
0xe: {  	s24 =	simm.s32 $0x100;
	s6 =	sadd.s32 s7, s6;
	s19 =	sadd.s32 s1, s10  }
0xf: {  	s10 =	sadd.s32 s10, s8;
	s21 =	sshll.u32 s11, $0x9;
	s23 =	sshll.u32 s11, $0x8  }
0x10: {  	s25 =	sshrl.u32 s25, $0x3;
	s6 =	sshrl.u32 s6, $0x3;
	[dreg:$0x6] =	wrdreg s19  }
0x11: {  	[dreg:$0x7] =	wrdreg s10;
	s22 =	sadd.s32 s1, s21;
	s13 =	sadd.s32 s2, s23  }
.Ltmp0:
0x12: {  	s23 =	simm.s32 $0x80;
	s0 =	sadd.s32 s6, s0;
	(pc) =	sbr.rel .LBB2_1-.Ltmp0, $4  }
0x13: {  	s6 =	ssub.s32 s9, s18;
	s9 =	sadd.s32 s2, s20;
	[dreg:$0x9] =	wrdreg s22  }
0x14: {  	s20 =	sadd.s32 s26, s3;
	s22 =	simm.s32 $0x7;
	s26 =	simm.s32 $0x1  }
0x15: {  	[dreg:$0x8] =	wrdreg s9;
	s9 =	sadd.s32 s21, s8;
	s18 =	sadd.s32 $0x3400, s0  }
0x16: {  	v0 =	vimm.f32 $0.0e+00;
	s19 =	smax.u32 s6, $0x1;
	s21 =	simm.s32 $0x1E700;
	[dreg:$0xa] =	wrdreg s9  }
.LBB2_15:
0x17: {  	s0 =	stileid.u32;
	s31 =	sadd.s32 $0x1, s31  }
0x18: {  	s0 =	sshll.u32 s0, $0x6;
	p0 =	sne.s32 s31, s19  }
.Ltmp1:
0x19: {  	[bflag:$0x0] =	sbarrier.arrive $0xFFFF;
	s0 =	sor.u32 $0x1C07, s0;
	(pc) =	sbr.rel @!p0 .LBB2_16-.Ltmp1, $4  }
0x1a: {  	[hbm:s18], [sflag:s0] =	dma.local [spmem:s25], $0x310  }
0x1b: {  	_ =	swait.ge [sflag:s22], $0x310  }
0x1c: {  	[sflag:s22] =	ssyncset.done $0x0  }
0x1d: {  	[sflag:s22] =	ssyncadd.s32 $0xFFFFFCF0  }
.LBB2_1:
0x1e: {  	[tilespmem:$0x1E700] =	vst v0  }
0x1f: {  	[tilespmem:$0x1E710] =	vst v0  }
0x20: {  	[tilespmem:$0x1E720] =	vst v0  }
0x21: {  	[tilespmem:$0x1E730] =	vst v0  }
0x22: {  	[tilespmem:$0x1E740] =	vst v0  }
0x23: {  	[tilespmem:$0x1E750] =	vst v0  }
0x24: {  	[tilespmem:$0x1E760] =	vst v0  }
0x25: {  	[tilespmem:$0x1E770] =	vst v0;
	s0 =	sadd.s32 $0x0, s20  }
0x26: {  	[spmem:s0] =	stream.linear.scatter [tilespmem:s21], [sflag:$0x7], $0x80, $0x38;
	v63 =	vld [tilespmem:$0x0]  }
0x27: {  	s0 =	simm.s32 $0x200;
	_ =	swait.ge [sflag:s22], $0x80  }
.LBB2_2:
0x28: {  	s4 =	sshra.s32 s0, $0x2;
	[sflag:s22] =	ssyncset.done $0x0;
	p0 =	sne.s32 s0, $0x6000  }
.Ltmp2:
0x29: {  	s4 =	sadd.s32 s4, s20;
	[sflag:s22] =	ssyncadd.s32 $0xFFFFFF80;
	(pc) =	sbr.rel @p0 .LBB2_2-.Ltmp2, $3  }
0x2a: {  	[spmem:s4] =	stream.linear.scatter [tilespmem:s21], [sflag:$0x7], $0x80, $0x38;
	v63 =	vld [tilespmem:$0x0]  }
0x2b: {  	s0 =	sadd.s32 $0x200, s0;
	_ =	sdelay $0x1  }
0x2c: {  	_ =	swait.ge [sflag:s22], $0x80  }
0x2d: {  	[sflag:s22] =	ssyncset.done $0x0  }
0x2e: {  	s0 =	simm.s32 $0x0;
	s4 =	rddreg [dreg:$0x5];
	[sflag:s22] =	ssyncadd.s32 $0xFFFFFF80  }
0x2f: {  	[tilespmem:s0], [sflag:$0x7] =	stream.linear.gather [hbm4b:s4+s0], $0x186A0, $0x38;
	v63 =	vld [tilespmem:$0x0]  }
0x30: {  	_ =	swait.ge [sflag:s22], $0x186A0  }
0x31: {  	[sflag:s22] =	ssyncset.done $0x0  }
0x32: {  	[sflag:s22] =	ssyncadd.s32 $0xFFFE7960  }
0x33: {  	[bflag:$0x0] =	sbarrier.arrive $0xFFFF  }
0x34: {  	s6 =	simm.s32 $0x18700;
	s7 =	rddreg [dreg:$0x6]  }
0x35: {  	[tilespmem:s6], [sflag:$0x1] =	stream.strided.gather [hbm4b:s7+s23], $0x800, s24, s23, $0x38;
	v63 =	vld [tilespmem:$0x0]  }
0x36: {  	s10 =	simm.s32 $0x1B700;
	s9 =	rddreg [dreg:$0x7]  }
0x37: {  	[tilespmem:s10], [sflag:$0x1] =	stream.strided.gather [hbm4b:s9+s23], $0x800, s24, s23, $0x38;
	v63 =	vld [tilespmem:$0x0]  }
0x38: {  	s12 =	simm.s32 $0x19F00;
	s11 =	rddreg [dreg:$0x8]  }
0x39: {  	[tilespmem:s12], [sflag:$0x1] =	stream.linear.gather [hbm4b:s11+s0], $0x800, $0x38;
	v63 =	vld [tilespmem:$0x0]  }
0x3a: {  	s7 =	rddreg [dreg:$0x9];
	s9 =	simm.s32 $0x18F00  }
0x3b: {  	[tilespmem:s9], [sflag:$0x2] =	stream.strided.gather [hbm4b:s7+s23], $0x800, s24, s23, $0x38;
	v63 =	vld [tilespmem:$0x0]  }
.Ltmp3:
0x3c: {  	_ = 	snop;
	(pc) =	sbr.rel .LBB2_4-.Ltmp3, $4  }
0x3d: {  	s10 =	rddreg [dreg:$0xa];
	s11 =	simm.s32 $0x1BF00  }
0x3e: {  	[tilespmem:s11], [sflag:$0x2] =	stream.strided.gather [hbm4b:s10+s23], $0x800, s24, s23, $0x38;
	v63 =	vld [tilespmem:$0x0]  }
0x3f: {  	s12 =	simm.s32 $0x1A700  }
0x40: {  	[tilespmem:s12], [sflag:$0x2] =	stream.linear.gather [hbm4b:s13+s0], $0x800, $0x38;
	v63 =	vld [tilespmem:$0x0]  }
.LBB2_14:
0x41: {  	s6 =	simm.s32 @!p0 $0x5;
	s4 =	sadd.s32 s17, s4  }
0x42: {  	_ =	swait.ge @!p0 [sflag:s6], $0x800;
	p1 =	sgt.u32 s4, $0xC34  }
0x43: {  	s0 =	sadd.s32 $0x1, s0;
	[sflag:s6] =	ssyncset.done @!p0 $0x0;
	s7 =	sshll.u32 @!p1 s4, $0x9  }
0x44: {  	s9 =	simm.s32 @!p1 $0x80;
	s10 =	simm.s32 @!p1 $0x100;
	s11 =	simm.s32 @!p1 $0x18F00  }
0x45: {  	[sflag:s6] =	ssyncadd.s32 @!p0 $0xFFFFF800;
	s6 =	sadd.s32 @!p1 s1, s7;
	p0 =	sne.s32 s0, $0x21  }
0x46: {  	[tilespmem:s11], [sflag:$0x2] =	stream.strided.gather @!p1 [hbm4b:s6+s9], $0x800, s10, s9, $0x38;
	v63 =	vld [tilespmem:$0x0]  }
.Ltmp4:
0x47: {  	_ = 	snop;
	(pc) =	sbr.rel @!p0 .LBB2_15-.Ltmp4, $4  }
0x48: {  	s4 =	sshll.u32 @!p1 s4, $0x8;
	s6 =	sadd.s32 @!p1 s7, s8;
	s7 =	simm.s32 @!p1 $0x1BF00  }
0x49: {  	[tilespmem:s7], [sflag:$0x2] =	stream.strided.gather @!p1 [hbm4b:s6+s9], $0x800, s10, s9, $0x38;
	v63 =	vld [tilespmem:$0x0]  }
0x4a: {  	s4 =	sadd.s32 @!p1 s2, s4;
	s6 =	simm.s32 @!p1 $0x0;
	s7 =	simm.s32 @!p1 $0x1A700  }
0x4b: {  	[tilespmem:s7], [sflag:$0x2] =	stream.linear.gather @!p1 [hbm4b:s4+s6], $0x800, $0x38;
	v63 =	vld [tilespmem:$0x0]  }
.LBB2_4:
0x4c: {  	_ =	swait.ge [sflag:s26], $0x800  }
0x4d: {  	[sflag:s26] =	ssyncset.done $0x0  }
0x4e: {  	[sflag:s26] =	ssyncadd.s32 $0xFFFFF800  }
0x4f: {  	_ =	swait.ge [sflag:s26], $0x800  }
0x50: {  	[sflag:s26] =	ssyncset.done $0x0  }
0x51: {  	[sflag:s26] =	ssyncadd.s32 $0xFFFFF800  }
0x52: {  	_ =	swait.ge [sflag:s26], $0x800  }
0x53: {  	[sflag:s26] =	ssyncset.done $0x0  }
0x54: {  	s9 =	simm.s32 $0x0;
	[sflag:s26] =	ssyncadd.s32 $0xFFFFF800  }
0x55: {  	v1 =	vld [tilespmem:s9+$0x18700];
	_ =	sdelay $0x5  }
0x56: {  	v2 =	vld [tilespmem:s9+$0x18710]  }
0x57: {  	v3 =	vld [tilespmem:s9+$0x19F00]  }
0x58: {  	v1 =	vld.idx.msk [tilespmem:v1+s5+$0x0], $0xffff;
	_ =	sdelay $0x4  }
0x59: {  	v1 =	vmul.f32 v1, v3  }
0x5a: {  	v3 =	vld [tilespmem:s9+$0x19F10]  }
0x5b: {  	[tilespmem:s9+$0x1CF00] =	vst v1;
	v1 =	vld [tilespmem:s9+$0x18720]  }
0x5c: {  	v2 =	vld.idx.msk [tilespmem:v2+s5+$0x0], $0xffff;
	_ =	sdelay $0x4  }
0x5d: {  	v2 =	vmul.f32 v2, v3  }
0x5e: {  	v3 =	vld [tilespmem:s9+$0x19F20]  }
0x5f: {  	[tilespmem:s9+$0x1CF10] =	vst v2;
	v2 =	vld [tilespmem:s9+$0x18730]  }
0x60: {  	v1 =	vld.idx.msk [tilespmem:v1+s5+$0x0], $0xffff;
	_ =	sdelay $0x4  }
0x61: {  	v1 =	vmul.f32 v1, v3  }
0x62: {  	v3 =	vld [tilespmem:s9+$0x19F30]  }
0x63: {  	[tilespmem:s9+$0x1CF20] =	vst v1;
	v1 =	vld [tilespmem:s9+$0x18740]  }
0x64: {  	v2 =	vld.idx.msk [tilespmem:v2+s5+$0x0], $0xffff;
	_ =	sdelay $0x4  }
0x65: {  	v2 =	vmul.f32 v2, v3  }
0x66: {  	v3 =	vld [tilespmem:s9+$0x19F40]  }
0x67: {  	[tilespmem:s9+$0x1CF30] =	vst v2;
	v2 =	vld [tilespmem:s9+$0x18750]  }
0x68: {  	v1 =	vld.idx.msk [tilespmem:v1+s5+$0x0], $0xffff;
	_ =	sdelay $0x4  }
0x69: {  	v1 =	vmul.f32 v1, v3  }
0x6a: {  	v3 =	vld [tilespmem:s9+$0x19F50]  }
0x6b: {  	[tilespmem:s9+$0x1CF40] =	vst v1;
	v1 =	vld [tilespmem:s9+$0x18760]  }
0x6c: {  	v2 =	vld.idx.msk [tilespmem:v2+s5+$0x0], $0xffff;
	_ =	sdelay $0x4  }
0x6d: {  	v2 =	vmul.f32 v2, v3  }
0x6e: {  	v3 =	vld [tilespmem:s9+$0x19F60]  }
0x6f: {  	[tilespmem:s9+$0x1CF50] =	vst v2;
	v2 =	vld [tilespmem:s9+$0x18770]  }
0x70: {  	v1 =	vld.idx.msk [tilespmem:v1+s5+$0x0], $0xffff;
	_ =	sdelay $0x4  }
0x71: {  	v1 =	vmul.f32 v1, v3;
	_ =	sdelay $0x1  }
0x72: {  	[tilespmem:s9+$0x1CF60] =	vst v1  }
0x73: {  	v1 =	vld.idx.msk [tilespmem:v2+s5+$0x0], $0xffff  }
0x74: {  	v2 =	vld [tilespmem:s9+$0x19F70];
	_ =	sdelay $0x4  }
0x75: {  	v1 =	vmul.f32 v1, v2  }
0x76: {  	s4 =	smul.u32 $0x60, s0;
	s6 =	simm.s32 $0x80  }
0x77: {  	s7 =	simm.s32 $0x400;
	s10 =	simm.s32 $0x1CF00;
	s11 =	simm.s32 $0x1B700;
	[tilespmem:s9+$0x1CF70] =	vst v1  }
.LBB2_5:
0x78: {  	[spmem:s3] =	stream.indirect.scatter.add.f32 [tilespmem:s10], [sflag:$0x4], $0x1, s11, s23, $0xb8;
	v63 =	vld [tilespmem:$0x0]  }
0x79: {  	s9 =	sshra.s32 s7, $0x2;
	p0 =	sne.s32 s7, $0x1E00;
	s7 =	sadd.s32 $0x200, s7;
	v1 =	vld [tilespmem:s6+$0x18700]  }
0x7a: {  	_ =	sdelay $0x5  }
0x7b: {  	v2 =	vld [tilespmem:s6+$0x18710]  }
0x7c: {  	v1 =	vld.idx.msk [tilespmem:v1+s5+$0x0], $0xffff  }
0x7d: {  	v3 =	vld [tilespmem:s6+$0x19F00];
	_ =	sdelay $0x4  }
0x7e: {  	v1 =	vmul.f32 v1, v3;
	_ =	sdelay $0x1  }
0x7f: {  	[tilespmem:s6+$0x1CF00] =	vst v1;
	v1 =	vld [tilespmem:s6+$0x18720]  }
0x80: {  	v2 =	vld.idx.msk [tilespmem:v2+s5+$0x0], $0xffff  }
0x81: {  	v3 =	vld [tilespmem:s6+$0x19F10];
	_ =	sdelay $0x4  }
0x82: {  	v2 =	vmul.f32 v2, v3;
	_ =	sdelay $0x1  }
0x83: {  	[tilespmem:s6+$0x1CF10] =	vst v2;
	v2 =	vld [tilespmem:s6+$0x18730]  }
0x84: {  	v1 =	vld.idx.msk [tilespmem:v1+s5+$0x0], $0xffff  }
0x85: {  	v3 =	vld [tilespmem:s6+$0x19F20];
	_ =	sdelay $0x4  }
0x86: {  	v1 =	vmul.f32 v1, v3;
	_ =	sdelay $0x1  }
0x87: {  	[tilespmem:s6+$0x1CF20] =	vst v1;
	v1 =	vld [tilespmem:s6+$0x18740]  }
0x88: {  	v2 =	vld.idx.msk [tilespmem:v2+s5+$0x0], $0xffff  }
0x89: {  	v3 =	vld [tilespmem:s6+$0x19F30];
	_ =	sdelay $0x4  }
0x8a: {  	v2 =	vmul.f32 v2, v3;
	_ =	sdelay $0x1  }
0x8b: {  	[tilespmem:s6+$0x1CF30] =	vst v2;
	v2 =	vld [tilespmem:s6+$0x18750]  }
0x8c: {  	v1 =	vld.idx.msk [tilespmem:v1+s5+$0x0], $0xffff  }
0x8d: {  	v3 =	vld [tilespmem:s6+$0x19F40];
	_ =	sdelay $0x4  }
0x8e: {  	v1 =	vmul.f32 v1, v3;
	_ =	sdelay $0x1  }
0x8f: {  	[tilespmem:s6+$0x1CF40] =	vst v1;
	v1 =	vld [tilespmem:s6+$0x18760]  }
0x90: {  	v2 =	vld.idx.msk [tilespmem:v2+s5+$0x0], $0xffff  }
0x91: {  	v3 =	vld [tilespmem:s6+$0x19F50];
	_ =	sdelay $0x4  }
0x92: {  	v2 =	vmul.f32 v2, v3;
	_ =	sdelay $0x1  }
0x93: {  	[tilespmem:s6+$0x1CF50] =	vst v2;
	v2 =	vld [tilespmem:s6+$0x18770]  }
0x94: {  	v1 =	vld.idx.msk [tilespmem:v1+s5+$0x0], $0xffff  }
0x95: {  	v3 =	vld [tilespmem:s6+$0x19F60];
	_ =	sdelay $0x4  }
0x96: {  	v1 =	vmul.f32 v1, v3;
	_ =	sdelay $0x1  }
0x97: {  	[tilespmem:s6+$0x1CF60] =	vst v1  }
0x98: {  	v1 =	vld.idx.msk [tilespmem:v2+s5+$0x0], $0xffff  }
0x99: {  	v2 =	vld [tilespmem:s6+$0x19F70];
	_ =	sdelay $0x2  }
.Ltmp5:
0x9a: {  	(pc) =	sbr.rel @p0 .LBB2_5-.Ltmp5, $3  }
0x9b: {  	_ = 	snop  }
0x9c: {  	v1 =	vmul.f32 v1, v2;
	_ =	sdelay $0x1  }
0x9d: {  	s10 =	sadd.s32 $0x1CF00, s6;
	s11 =	sadd.s32 $0x1B700, s6;
	[tilespmem:s6+$0x1CF70] =	vst v1;
	s6 =	smov.u32 s9  }
0x9e: {  	[spmem:s3] =	stream.indirect.scatter.add.f32 [tilespmem:s10], [sflag:$0x4], $0x1, s11, s23, $0xb8;
	v63 =	vld [tilespmem:$0x0]  }
0x9f: {  	v1 =	vld [tilespmem:s6+$0x18700];
	_ =	sdelay $0x5  }
0xa0: {  	v2 =	vld [tilespmem:s6+$0x18710]  }
0xa1: {  	v3 =	vld [tilespmem:s6+$0x19F00]  }
0xa2: {  	v1 =	vld.idx.msk [tilespmem:v1+s5+$0x0], $0xffff;
	_ =	sdelay $0x4  }
0xa3: {  	v1 =	vmul.f32 v1, v3;
	_ =	sdelay $0x1  }
0xa4: {  	v3 =	vld [tilespmem:s6+$0x18720];
	[tilespmem:s6+$0x1CF00] =	vst v1  }
0xa5: {  	v1 =	vld.idx.msk [tilespmem:v2+s5+$0x0], $0xffff  }
0xa6: {  	v2 =	vld [tilespmem:s6+$0x19F10];
	_ =	sdelay $0x4  }
0xa7: {  	v1 =	vmul.f32 v1, v2;
	_ =	sdelay $0x1  }
0xa8: {  	[tilespmem:s6+$0x1CF10] =	vst v1;
	v1 =	vld [tilespmem:s6+$0x18730]  }
0xa9: {  	v2 =	vld.idx.msk [tilespmem:v3+s5+$0x0], $0xffff  }
0xaa: {  	v3 =	vld [tilespmem:s6+$0x19F20];
	_ =	sdelay $0x4  }
0xab: {  	v2 =	vmul.f32 v2, v3  }
0xac: {  	v3 =	vld [tilespmem:s6+$0x18740]  }
0xad: {  	[tilespmem:s6+$0x1CF20] =	vst v2;
	v2 =	vld [tilespmem:s6+$0x19F30]  }
0xae: {  	v1 =	vld.idx.msk [tilespmem:v1+s5+$0x0], $0xffff;
	_ =	sdelay $0x4  }
0xaf: {  	v1 =	vmul.f32 v1, v2;
	_ =	sdelay $0x1  }
0xb0: {  	[tilespmem:s6+$0x1CF30] =	vst v1;
	v1 =	vld [tilespmem:s6+$0x18750]  }
0xb1: {  	v2 =	vld.idx.msk [tilespmem:v3+s5+$0x0], $0xffff  }
0xb2: {  	v3 =	vld [tilespmem:s6+$0x19F40];
	_ =	sdelay $0x4  }
0xb3: {  	v2 =	vmul.f32 v2, v3  }
0xb4: {  	v3 =	vld [tilespmem:s6+$0x18760]  }
0xb5: {  	[tilespmem:s6+$0x1CF40] =	vst v2;
	v2 =	vld [tilespmem:s6+$0x19F50]  }
0xb6: {  	v1 =	vld.idx.msk [tilespmem:v1+s5+$0x0], $0xffff;
	_ =	sdelay $0x4  }
0xb7: {  	v1 =	vmul.f32 v1, v2;
	_ =	sdelay $0x1  }
0xb8: {  	[tilespmem:s6+$0x1CF50] =	vst v1;
	v1 =	vld [tilespmem:s6+$0x18770]  }
0xb9: {  	v2 =	vld.idx.msk [tilespmem:v3+s5+$0x0], $0xffff  }
0xba: {  	v3 =	vld [tilespmem:s6+$0x19F60];
	_ =	sdelay $0x4  }
0xbb: {  	v2 =	vmul.f32 v2, v3;
	_ =	sdelay $0x1  }
0xbc: {  	[tilespmem:s6+$0x1CF60] =	vst v2;
	v2 =	vld [tilespmem:s6+$0x19F70]  }
0xbd: {  	v1 =	vld.idx.msk [tilespmem:v1+s5+$0x0], $0xffff;
	_ =	sdelay $0x4  }
0xbe: {  	v1 =	vmul.f32 v1, v2;
	_ =	sdelay $0x1  }
0xbf: {  	s7 =	sadd.s32 $0x1CF00, s6;
	s12 =	sadd.s32 $0x1B700, s6;
	p0 =	seq.s32 s0, $0x0;
	[tilespmem:s6+$0x1CF70] =	vst v1  }
0xc0: {  	[spmem:s3] =	stream.indirect.scatter.add.f32 [tilespmem:s7], [sflag:$0x4], $0x1, s12, s23, $0xb8;
	v63 =	vld [tilespmem:$0x0]  }
0xc1: {  	s6 =	simm.s32 @!p0 $0x6;
	s7 =	sadd.s32 s14, s4  }
0xc2: {  	_ =	swait.ge @!p0 [sflag:s6], $0x800;
	p1 =	sgt.u32 s7, $0xC34  }
0xc3: {  	[sflag:s6] =	ssyncset.done @!p0 $0x0;
	s9 =	sshll.u32 @!p1 s7, $0x9  }
0xc4: {  	s10 =	simm.s32 @!p1 $0x80;
	s11 =	simm.s32 @!p1 $0x100;
	s12 =	simm.s32 @!p1 $0x19700  }
0xc5: {  	[sflag:s6] =	ssyncadd.s32 @!p0 $0xFFFFF800;
	s6 =	sadd.s32 @!p1 s1, s9;
	p0 =	sge.u32 s4, s15  }
0xc6: {  	[tilespmem:s12], [sflag:$0x3] =	stream.strided.gather @!p1 [hbm4b:s6+s10], $0x800, s11, s10, $0x38;
	v63 =	vld [tilespmem:$0x0]  }
.Ltmp6:
0xc7: {  	s6 =	sadd.s32 @!p1 s9, s8;
	s9 =	simm.s32 @!p1 $0x1C700;
	(pc) =	sbr.rel @p0 .LBB2_10-.Ltmp6, $4  }
0xc8: {  	[tilespmem:s9], [sflag:$0x3] =	stream.strided.gather @!p1 [hbm4b:s6+s10], $0x800, s11, s10, $0x38;
	v63 =	vld [tilespmem:$0x0]  }
0xc9: {  	s6 =	sshll.u32 @!p1 s7, $0x8  }
0xca: {  	s7 =	simm.s32 @!p1 $0x0;
	s9 =	simm.s32 @!p1 $0x1AF00;
	s6 =	sadd.s32 @!p1 s2, s6  }
0xcb: {  	[tilespmem:s9], [sflag:$0x3] =	stream.linear.gather @!p1 [hbm4b:s6+s7], $0x800, $0x38;
	v63 =	vld [tilespmem:$0x0]  }
0xcc: {  	_ =	swait.ge [sflag:s28], $0x800  }
0xcd: {  	[sflag:s28] =	ssyncset.done $0x0  }
0xce: {  	[sflag:s28] =	ssyncadd.s32 $0xFFFFF800  }
0xcf: {  	_ =	swait.ge [sflag:s28], $0x800  }
0xd0: {  	[sflag:s28] =	ssyncset.done $0x0  }
0xd1: {  	[sflag:s28] =	ssyncadd.s32 $0xFFFFF800  }
0xd2: {  	_ =	swait.ge [sflag:s28], $0x800  }
0xd3: {  	[sflag:s28] =	ssyncset.done $0x0  }
0xd4: {  	s9 =	simm.s32 $0x0;
	[sflag:s28] =	ssyncadd.s32 $0xFFFFF800  }
0xd5: {  	v1 =	vld [tilespmem:s9+$0x18F00];
	_ =	sdelay $0x5  }
0xd6: {  	v2 =	vld [tilespmem:s9+$0x18F10]  }
0xd7: {  	v3 =	vld [tilespmem:s9+$0x1A700]  }
0xd8: {  	v1 =	vld.idx.msk [tilespmem:v1+s5+$0x0], $0xffff;
	_ =	sdelay $0x4  }
0xd9: {  	v1 =	vmul.f32 v1, v3  }
0xda: {  	v3 =	vld [tilespmem:s9+$0x1A710]  }
0xdb: {  	[tilespmem:s9+$0x1D700] =	vst v1;
	v1 =	vld [tilespmem:s9+$0x18F20]  }
0xdc: {  	v2 =	vld.idx.msk [tilespmem:v2+s5+$0x0], $0xffff;
	_ =	sdelay $0x4  }
0xdd: {  	v2 =	vmul.f32 v2, v3  }
0xde: {  	v3 =	vld [tilespmem:s9+$0x1A720]  }
0xdf: {  	[tilespmem:s9+$0x1D710] =	vst v2;
	v2 =	vld [tilespmem:s9+$0x18F30]  }
0xe0: {  	v1 =	vld.idx.msk [tilespmem:v1+s5+$0x0], $0xffff;
	_ =	sdelay $0x4  }
0xe1: {  	v1 =	vmul.f32 v1, v3  }
0xe2: {  	v3 =	vld [tilespmem:s9+$0x1A730]  }
0xe3: {  	[tilespmem:s9+$0x1D720] =	vst v1;
	v1 =	vld [tilespmem:s9+$0x18F40]  }
0xe4: {  	v2 =	vld.idx.msk [tilespmem:v2+s5+$0x0], $0xffff;
	_ =	sdelay $0x4  }
0xe5: {  	v2 =	vmul.f32 v2, v3  }
0xe6: {  	v3 =	vld [tilespmem:s9+$0x1A740]  }
0xe7: {  	[tilespmem:s9+$0x1D730] =	vst v2;
	v2 =	vld [tilespmem:s9+$0x18F50]  }
0xe8: {  	v1 =	vld.idx.msk [tilespmem:v1+s5+$0x0], $0xffff;
	_ =	sdelay $0x4  }
0xe9: {  	v1 =	vmul.f32 v1, v3  }
0xea: {  	v3 =	vld [tilespmem:s9+$0x1A750]  }
0xeb: {  	[tilespmem:s9+$0x1D740] =	vst v1;
	v1 =	vld [tilespmem:s9+$0x18F60]  }
0xec: {  	v2 =	vld.idx.msk [tilespmem:v2+s5+$0x0], $0xffff;
	_ =	sdelay $0x4  }
0xed: {  	v2 =	vmul.f32 v2, v3  }
0xee: {  	v3 =	vld [tilespmem:s9+$0x1A760]  }
0xef: {  	[tilespmem:s9+$0x1D750] =	vst v2;
	v2 =	vld [tilespmem:s9+$0x18F70]  }
0xf0: {  	v1 =	vld.idx.msk [tilespmem:v1+s5+$0x0], $0xffff;
	_ =	sdelay $0x4  }
0xf1: {  	v1 =	vmul.f32 v1, v3;
	_ =	sdelay $0x1  }
0xf2: {  	[tilespmem:s9+$0x1D760] =	vst v1  }
0xf3: {  	v1 =	vld.idx.msk [tilespmem:v2+s5+$0x0], $0xffff  }
0xf4: {  	v2 =	vld [tilespmem:s9+$0x1A770];
	_ =	sdelay $0x4  }
0xf5: {  	v1 =	vmul.f32 v1, v2  }
0xf6: {  	s6 =	simm.s32 $0x80  }
0xf7: {  	s7 =	simm.s32 $0x400;
	s10 =	simm.s32 $0x1D700;
	s11 =	simm.s32 $0x1BF00;
	[tilespmem:s9+$0x1D770] =	vst v1  }
.LBB2_8:
0xf8: {  	[spmem:s3] =	stream.indirect.scatter.add.f32 [tilespmem:s10], [sflag:$0x5], $0x1, s11, s23, $0xb8;
	v63 =	vld [tilespmem:$0x0]  }
0xf9: {  	s9 =	sshra.s32 s7, $0x2;
	p2 =	sne.s32 s7, $0x1E00;
	s7 =	sadd.s32 $0x200, s7;
	v1 =	vld [tilespmem:s6+$0x18F00]  }
0xfa: {  	_ =	sdelay $0x5  }
0xfb: {  	v2 =	vld [tilespmem:s6+$0x18F10]  }
0xfc: {  	v1 =	vld.idx.msk [tilespmem:v1+s5+$0x0], $0xffff  }
0xfd: {  	v3 =	vld [tilespmem:s6+$0x1A700];
	_ =	sdelay $0x4  }
0xfe: {  	v1 =	vmul.f32 v1, v3;
	_ =	sdelay $0x1  }
0xff: {  	[tilespmem:s6+$0x1D700] =	vst v1;
	v1 =	vld [tilespmem:s6+$0x18F20]  }
0x100: {  	v2 =	vld.idx.msk [tilespmem:v2+s5+$0x0], $0xffff  }
0x101: {  	v3 =	vld [tilespmem:s6+$0x1A710];
	_ =	sdelay $0x4  }
0x102: {  	v2 =	vmul.f32 v2, v3;
	_ =	sdelay $0x1  }
0x103: {  	[tilespmem:s6+$0x1D710] =	vst v2;
	v2 =	vld [tilespmem:s6+$0x18F30]  }
0x104: {  	v1 =	vld.idx.msk [tilespmem:v1+s5+$0x0], $0xffff  }
0x105: {  	v3 =	vld [tilespmem:s6+$0x1A720];
	_ =	sdelay $0x4  }
0x106: {  	v1 =	vmul.f32 v1, v3;
	_ =	sdelay $0x1  }
0x107: {  	[tilespmem:s6+$0x1D720] =	vst v1;
	v1 =	vld [tilespmem:s6+$0x18F40]  }
0x108: {  	v2 =	vld.idx.msk [tilespmem:v2+s5+$0x0], $0xffff  }
0x109: {  	v3 =	vld [tilespmem:s6+$0x1A730];
	_ =	sdelay $0x4  }
0x10a: {  	v2 =	vmul.f32 v2, v3;
	_ =	sdelay $0x1  }
0x10b: {  	[tilespmem:s6+$0x1D730] =	vst v2;
	v2 =	vld [tilespmem:s6+$0x18F50]  }
0x10c: {  	v1 =	vld.idx.msk [tilespmem:v1+s5+$0x0], $0xffff  }
0x10d: {  	v3 =	vld [tilespmem:s6+$0x1A740];
	_ =	sdelay $0x4  }
0x10e: {  	v1 =	vmul.f32 v1, v3;
	_ =	sdelay $0x1  }
0x10f: {  	[tilespmem:s6+$0x1D740] =	vst v1;
	v1 =	vld [tilespmem:s6+$0x18F60]  }
0x110: {  	v2 =	vld.idx.msk [tilespmem:v2+s5+$0x0], $0xffff  }
0x111: {  	v3 =	vld [tilespmem:s6+$0x1A750];
	_ =	sdelay $0x4  }
0x112: {  	v2 =	vmul.f32 v2, v3;
	_ =	sdelay $0x1  }
0x113: {  	[tilespmem:s6+$0x1D750] =	vst v2;
	v2 =	vld [tilespmem:s6+$0x18F70]  }
0x114: {  	v1 =	vld.idx.msk [tilespmem:v1+s5+$0x0], $0xffff  }
0x115: {  	v3 =	vld [tilespmem:s6+$0x1A760];
	_ =	sdelay $0x4  }
0x116: {  	v1 =	vmul.f32 v1, v3;
	_ =	sdelay $0x1  }
0x117: {  	[tilespmem:s6+$0x1D760] =	vst v1  }
0x118: {  	v1 =	vld.idx.msk [tilespmem:v2+s5+$0x0], $0xffff  }
0x119: {  	v2 =	vld [tilespmem:s6+$0x1A770];
	_ =	sdelay $0x2  }
.Ltmp7:
0x11a: {  	(pc) =	sbr.rel @p2 .LBB2_8-.Ltmp7, $3  }
0x11b: {  	_ = 	snop  }
0x11c: {  	v1 =	vmul.f32 v1, v2;
	_ =	sdelay $0x1  }
0x11d: {  	s10 =	sadd.s32 $0x1D700, s6;
	s11 =	sadd.s32 $0x1BF00, s6;
	[tilespmem:s6+$0x1D770] =	vst v1;
	s6 =	smov.u32 s9  }
0x11e: {  	[spmem:s3] =	stream.indirect.scatter.add.f32 [tilespmem:s10], [sflag:$0x5], $0x1, s11, s23, $0xb8;
	v63 =	vld [tilespmem:$0x0]  }
0x11f: {  	v1 =	vld [tilespmem:s6+$0x18F00];
	_ =	sdelay $0x5  }
0x120: {  	v2 =	vld [tilespmem:s6+$0x18F10]  }
0x121: {  	v3 =	vld [tilespmem:s6+$0x1A700]  }
0x122: {  	v1 =	vld.idx.msk [tilespmem:v1+s5+$0x0], $0xffff;
	_ =	sdelay $0x4  }
0x123: {  	v1 =	vmul.f32 v1, v3;
	_ =	sdelay $0x1  }
0x124: {  	v3 =	vld [tilespmem:s6+$0x18F20];
	[tilespmem:s6+$0x1D700] =	vst v1  }
0x125: {  	v1 =	vld.idx.msk [tilespmem:v2+s5+$0x0], $0xffff  }
0x126: {  	v2 =	vld [tilespmem:s6+$0x1A710];
	_ =	sdelay $0x4  }
0x127: {  	v1 =	vmul.f32 v1, v2;
	_ =	sdelay $0x1  }
0x128: {  	[tilespmem:s6+$0x1D710] =	vst v1;
	v1 =	vld [tilespmem:s6+$0x18F30]  }
0x129: {  	v2 =	vld.idx.msk [tilespmem:v3+s5+$0x0], $0xffff  }
0x12a: {  	v3 =	vld [tilespmem:s6+$0x1A720];
	_ =	sdelay $0x4  }
0x12b: {  	v2 =	vmul.f32 v2, v3  }
0x12c: {  	v3 =	vld [tilespmem:s6+$0x18F40]  }
0x12d: {  	[tilespmem:s6+$0x1D720] =	vst v2;
	v2 =	vld [tilespmem:s6+$0x1A730]  }
0x12e: {  	v1 =	vld.idx.msk [tilespmem:v1+s5+$0x0], $0xffff;
	_ =	sdelay $0x4  }
0x12f: {  	v1 =	vmul.f32 v1, v2;
	_ =	sdelay $0x1  }
0x130: {  	[tilespmem:s6+$0x1D730] =	vst v1;
	v1 =	vld [tilespmem:s6+$0x18F50]  }
0x131: {  	v2 =	vld.idx.msk [tilespmem:v3+s5+$0x0], $0xffff  }
0x132: {  	v3 =	vld [tilespmem:s6+$0x1A740];
	_ =	sdelay $0x4  }
0x133: {  	v2 =	vmul.f32 v2, v3  }
0x134: {  	v3 =	vld [tilespmem:s6+$0x18F60]  }
0x135: {  	[tilespmem:s6+$0x1D740] =	vst v2;
	v2 =	vld [tilespmem:s6+$0x1A750]  }
0x136: {  	v1 =	vld.idx.msk [tilespmem:v1+s5+$0x0], $0xffff;
	_ =	sdelay $0x4  }
0x137: {  	v1 =	vmul.f32 v1, v2;
	_ =	sdelay $0x1  }
0x138: {  	[tilespmem:s6+$0x1D750] =	vst v1;
	v1 =	vld [tilespmem:s6+$0x18F70]  }
0x139: {  	v2 =	vld.idx.msk [tilespmem:v3+s5+$0x0], $0xffff  }
0x13a: {  	v3 =	vld [tilespmem:s6+$0x1A760];
	_ =	sdelay $0x4  }
0x13b: {  	v2 =	vmul.f32 v2, v3;
	_ =	sdelay $0x1  }
0x13c: {  	[tilespmem:s6+$0x1D760] =	vst v2;
	v2 =	vld [tilespmem:s6+$0x1A770]  }
0x13d: {  	v1 =	vld.idx.msk [tilespmem:v1+s5+$0x0], $0xffff;
	_ =	sdelay $0x4  }
0x13e: {  	v1 =	vmul.f32 v1, v2;
	_ =	sdelay $0x1  }
0x13f: {  	s7 =	sadd.s32 $0x1D700, s6;
	s12 =	sadd.s32 $0x1BF00, s6;
	[tilespmem:s6+$0x1D770] =	vst v1  }
0x140: {  	[spmem:s3] =	stream.indirect.scatter.add.f32 [tilespmem:s7], [sflag:$0x5], $0x1, s12, s23, $0xb8;
	v63 =	vld [tilespmem:$0x0]  }
.LBB2_10:
0x141: {  	s6 =	sadd.s32 s16, s4;
	_ =	swait.ge [sflag:s29], $0x800  }
0x142: {  	p2 =	sgt.u32 s6, $0xC34;
	[sflag:s29] =	ssyncset.done $0x0  }
0x143: {  	s7 =	sshll.u32 @!p2 s6, $0x9;
	[sflag:s29] =	ssyncadd.s32 $0xFFFFF800;
	s10 =	simm.s32 @!p2 $0x80  }
0x144: {  	s11 =	simm.s32 @!p2 $0x100;
	s12 =	simm.s32 @!p2 $0x18700;
	s9 =	sadd.s32 @!p2 s1, s7  }
0x145: {  	[tilespmem:s12], [sflag:$0x1] =	stream.strided.gather @!p2 [hbm4b:s9+s10], $0x800, s11, s10, $0x38;
	v63 =	vld [tilespmem:$0x0]  }
.Ltmp8:
0x146: {  	_ = 	snop;
	(pc) =	sbr.rel @p1 .LBB2_14-.Ltmp8, $4  }
0x147: {  	s6 =	sshll.u32 @!p2 s6, $0x8;
	s7 =	sadd.s32 @!p2 s7, s8;
	s9 =	simm.s32 @!p2 $0x1B700  }
0x148: {  	[tilespmem:s9], [sflag:$0x1] =	stream.strided.gather @!p2 [hbm4b:s7+s10], $0x800, s11, s10, $0x38;
	v63 =	vld [tilespmem:$0x0]  }
0x149: {  	s6 =	sadd.s32 @!p2 s2, s6;
	s7 =	simm.s32 @!p2 $0x0;
	s9 =	simm.s32 @!p2 $0x19F00  }
0x14a: {  	[tilespmem:s9], [sflag:$0x1] =	stream.linear.gather @!p2 [hbm4b:s6+s7], $0x800, $0x38;
	v63 =	vld [tilespmem:$0x0]  }
0x14b: {  	_ =	swait.ge [sflag:s30], $0x800  }
0x14c: {  	[sflag:s30] =	ssyncset.done $0x0  }
0x14d: {  	[sflag:s30] =	ssyncadd.s32 $0xFFFFF800  }
0x14e: {  	_ =	swait.ge [sflag:s30], $0x800  }
0x14f: {  	[sflag:s30] =	ssyncset.done $0x0  }
0x150: {  	[sflag:s30] =	ssyncadd.s32 $0xFFFFF800  }
0x151: {  	_ =	swait.ge [sflag:s30], $0x800  }
0x152: {  	[sflag:s30] =	ssyncset.done $0x0  }
0x153: {  	s9 =	simm.s32 $0x0;
	[sflag:s30] =	ssyncadd.s32 $0xFFFFF800  }
0x154: {  	v1 =	vld [tilespmem:s9+$0x19700];
	_ =	sdelay $0x5  }
0x155: {  	v2 =	vld [tilespmem:s9+$0x19710]  }
0x156: {  	v3 =	vld [tilespmem:s9+$0x1AF00]  }
0x157: {  	v1 =	vld.idx.msk [tilespmem:v1+s5+$0x0], $0xffff;
	_ =	sdelay $0x4  }
0x158: {  	v1 =	vmul.f32 v1, v3  }
0x159: {  	v3 =	vld [tilespmem:s9+$0x1AF10]  }
0x15a: {  	[tilespmem:s9+$0x1DF00] =	vst v1;
	v1 =	vld [tilespmem:s9+$0x19720]  }
0x15b: {  	v2 =	vld.idx.msk [tilespmem:v2+s5+$0x0], $0xffff;
	_ =	sdelay $0x4  }
0x15c: {  	v2 =	vmul.f32 v2, v3  }
0x15d: {  	v3 =	vld [tilespmem:s9+$0x1AF20]  }
0x15e: {  	[tilespmem:s9+$0x1DF10] =	vst v2;
	v2 =	vld [tilespmem:s9+$0x19730]  }
0x15f: {  	v1 =	vld.idx.msk [tilespmem:v1+s5+$0x0], $0xffff;
	_ =	sdelay $0x4  }
0x160: {  	v1 =	vmul.f32 v1, v3  }
0x161: {  	v3 =	vld [tilespmem:s9+$0x1AF30]  }
0x162: {  	[tilespmem:s9+$0x1DF20] =	vst v1;
	v1 =	vld [tilespmem:s9+$0x19740]  }
0x163: {  	v2 =	vld.idx.msk [tilespmem:v2+s5+$0x0], $0xffff;
	_ =	sdelay $0x4  }
0x164: {  	v2 =	vmul.f32 v2, v3  }
0x165: {  	v3 =	vld [tilespmem:s9+$0x1AF40]  }
0x166: {  	[tilespmem:s9+$0x1DF30] =	vst v2;
	v2 =	vld [tilespmem:s9+$0x19750]  }
0x167: {  	v1 =	vld.idx.msk [tilespmem:v1+s5+$0x0], $0xffff;
	_ =	sdelay $0x4  }
0x168: {  	v1 =	vmul.f32 v1, v3  }
0x169: {  	v3 =	vld [tilespmem:s9+$0x1AF50]  }
0x16a: {  	[tilespmem:s9+$0x1DF40] =	vst v1;
	v1 =	vld [tilespmem:s9+$0x19760]  }
0x16b: {  	v2 =	vld.idx.msk [tilespmem:v2+s5+$0x0], $0xffff;
	_ =	sdelay $0x4  }
0x16c: {  	v2 =	vmul.f32 v2, v3  }
0x16d: {  	v3 =	vld [tilespmem:s9+$0x1AF60]  }
0x16e: {  	[tilespmem:s9+$0x1DF50] =	vst v2;
	v2 =	vld [tilespmem:s9+$0x19770]  }
0x16f: {  	v1 =	vld.idx.msk [tilespmem:v1+s5+$0x0], $0xffff;
	_ =	sdelay $0x4  }
0x170: {  	v1 =	vmul.f32 v1, v3;
	_ =	sdelay $0x1  }
0x171: {  	[tilespmem:s9+$0x1DF60] =	vst v1  }
0x172: {  	v1 =	vld.idx.msk [tilespmem:v2+s5+$0x0], $0xffff  }
0x173: {  	v2 =	vld [tilespmem:s9+$0x1AF70];
	_ =	sdelay $0x4  }
0x174: {  	v1 =	vmul.f32 v1, v2  }
0x175: {  	s6 =	simm.s32 $0x80  }
0x176: {  	s7 =	simm.s32 $0x400;
	s10 =	simm.s32 $0x1DF00;
	s11 =	simm.s32 $0x1C700;
	[tilespmem:s9+$0x1DF70] =	vst v1  }
.LBB2_12:
0x177: {  	[spmem:s3] =	stream.indirect.scatter.add.f32 [tilespmem:s10], [sflag:$0x6], $0x1, s11, s23, $0xb8;
	v63 =	vld [tilespmem:$0x0]  }
0x178: {  	s9 =	sshra.s32 s7, $0x2;
	p1 =	sne.s32 s7, $0x1E00;
	s7 =	sadd.s32 $0x200, s7;
	v1 =	vld [tilespmem:s6+$0x19700]  }
0x179: {  	_ =	sdelay $0x5  }
0x17a: {  	v2 =	vld [tilespmem:s6+$0x19710]  }
0x17b: {  	v1 =	vld.idx.msk [tilespmem:v1+s5+$0x0], $0xffff  }
0x17c: {  	v3 =	vld [tilespmem:s6+$0x1AF00];
	_ =	sdelay $0x4  }
0x17d: {  	v1 =	vmul.f32 v1, v3;
	_ =	sdelay $0x1  }
0x17e: {  	[tilespmem:s6+$0x1DF00] =	vst v1;
	v1 =	vld [tilespmem:s6+$0x19720]  }
0x17f: {  	v2 =	vld.idx.msk [tilespmem:v2+s5+$0x0], $0xffff  }
0x180: {  	v3 =	vld [tilespmem:s6+$0x1AF10];
	_ =	sdelay $0x4  }
0x181: {  	v2 =	vmul.f32 v2, v3;
	_ =	sdelay $0x1  }
0x182: {  	[tilespmem:s6+$0x1DF10] =	vst v2;
	v2 =	vld [tilespmem:s6+$0x19730]  }
0x183: {  	v1 =	vld.idx.msk [tilespmem:v1+s5+$0x0], $0xffff  }
0x184: {  	v3 =	vld [tilespmem:s6+$0x1AF20];
	_ =	sdelay $0x4  }
0x185: {  	v1 =	vmul.f32 v1, v3;
	_ =	sdelay $0x1  }
0x186: {  	[tilespmem:s6+$0x1DF20] =	vst v1;
	v1 =	vld [tilespmem:s6+$0x19740]  }
0x187: {  	v2 =	vld.idx.msk [tilespmem:v2+s5+$0x0], $0xffff  }
0x188: {  	v3 =	vld [tilespmem:s6+$0x1AF30];
	_ =	sdelay $0x4  }
0x189: {  	v2 =	vmul.f32 v2, v3;
	_ =	sdelay $0x1  }
0x18a: {  	[tilespmem:s6+$0x1DF30] =	vst v2;
	v2 =	vld [tilespmem:s6+$0x19750]  }
0x18b: {  	v1 =	vld.idx.msk [tilespmem:v1+s5+$0x0], $0xffff  }
0x18c: {  	v3 =	vld [tilespmem:s6+$0x1AF40];
	_ =	sdelay $0x4  }
0x18d: {  	v1 =	vmul.f32 v1, v3;
	_ =	sdelay $0x1  }
0x18e: {  	[tilespmem:s6+$0x1DF40] =	vst v1;
	v1 =	vld [tilespmem:s6+$0x19760]  }
0x18f: {  	v2 =	vld.idx.msk [tilespmem:v2+s5+$0x0], $0xffff  }
0x190: {  	v3 =	vld [tilespmem:s6+$0x1AF50];
	_ =	sdelay $0x4  }
0x191: {  	v2 =	vmul.f32 v2, v3;
	_ =	sdelay $0x1  }
0x192: {  	[tilespmem:s6+$0x1DF50] =	vst v2;
	v2 =	vld [tilespmem:s6+$0x19770]  }
0x193: {  	v1 =	vld.idx.msk [tilespmem:v1+s5+$0x0], $0xffff  }
0x194: {  	v3 =	vld [tilespmem:s6+$0x1AF60];
	_ =	sdelay $0x4  }
0x195: {  	v1 =	vmul.f32 v1, v3;
	_ =	sdelay $0x1  }
0x196: {  	[tilespmem:s6+$0x1DF60] =	vst v1  }
0x197: {  	v1 =	vld.idx.msk [tilespmem:v2+s5+$0x0], $0xffff  }
0x198: {  	v2 =	vld [tilespmem:s6+$0x1AF70];
	_ =	sdelay $0x2  }
.Ltmp9:
0x199: {  	(pc) =	sbr.rel @p1 .LBB2_12-.Ltmp9, $3  }
0x19a: {  	_ = 	snop  }
0x19b: {  	v1 =	vmul.f32 v1, v2;
	_ =	sdelay $0x1  }
0x19c: {  	s10 =	sadd.s32 $0x1DF00, s6;
	s11 =	sadd.s32 $0x1C700, s6;
	[tilespmem:s6+$0x1DF70] =	vst v1;
	s6 =	smov.u32 s9  }
0x19d: {  	[spmem:s3] =	stream.indirect.scatter.add.f32 [tilespmem:s10], [sflag:$0x6], $0x1, s11, s23, $0xb8;
	v63 =	vld [tilespmem:$0x0]  }
0x19e: {  	v1 =	vld [tilespmem:s6+$0x19700];
	_ =	sdelay $0x5  }
0x19f: {  	v2 =	vld [tilespmem:s6+$0x19710]  }
0x1a0: {  	v3 =	vld [tilespmem:s6+$0x1AF00]  }
0x1a1: {  	v1 =	vld.idx.msk [tilespmem:v1+s5+$0x0], $0xffff;
	_ =	sdelay $0x4  }
0x1a2: {  	v1 =	vmul.f32 v1, v3;
	_ =	sdelay $0x1  }
0x1a3: {  	v3 =	vld [tilespmem:s6+$0x19720];
	[tilespmem:s6+$0x1DF00] =	vst v1  }
0x1a4: {  	v1 =	vld.idx.msk [tilespmem:v2+s5+$0x0], $0xffff  }
0x1a5: {  	v2 =	vld [tilespmem:s6+$0x1AF10];
	_ =	sdelay $0x4  }
0x1a6: {  	v1 =	vmul.f32 v1, v2;
	_ =	sdelay $0x1  }
0x1a7: {  	[tilespmem:s6+$0x1DF10] =	vst v1;
	v1 =	vld [tilespmem:s6+$0x19730]  }
0x1a8: {  	v2 =	vld.idx.msk [tilespmem:v3+s5+$0x0], $0xffff  }
0x1a9: {  	v3 =	vld [tilespmem:s6+$0x1AF20];
	_ =	sdelay $0x4  }
0x1aa: {  	v2 =	vmul.f32 v2, v3  }
0x1ab: {  	v3 =	vld [tilespmem:s6+$0x19740]  }
0x1ac: {  	[tilespmem:s6+$0x1DF20] =	vst v2;
	v2 =	vld [tilespmem:s6+$0x1AF30]  }
0x1ad: {  	v1 =	vld.idx.msk [tilespmem:v1+s5+$0x0], $0xffff;
	_ =	sdelay $0x4  }
0x1ae: {  	v1 =	vmul.f32 v1, v2;
	_ =	sdelay $0x1  }
0x1af: {  	[tilespmem:s6+$0x1DF30] =	vst v1;
	v1 =	vld [tilespmem:s6+$0x19750]  }
0x1b0: {  	v2 =	vld.idx.msk [tilespmem:v3+s5+$0x0], $0xffff  }
0x1b1: {  	v3 =	vld [tilespmem:s6+$0x1AF40];
	_ =	sdelay $0x4  }
0x1b2: {  	v2 =	vmul.f32 v2, v3  }
0x1b3: {  	v3 =	vld [tilespmem:s6+$0x19760]  }
0x1b4: {  	[tilespmem:s6+$0x1DF40] =	vst v2;
	v2 =	vld [tilespmem:s6+$0x1AF50]  }
0x1b5: {  	v1 =	vld.idx.msk [tilespmem:v1+s5+$0x0], $0xffff;
	_ =	sdelay $0x4  }
0x1b6: {  	v1 =	vmul.f32 v1, v2;
	_ =	sdelay $0x1  }
0x1b7: {  	[tilespmem:s6+$0x1DF50] =	vst v1;
	v1 =	vld [tilespmem:s6+$0x19770]  }
0x1b8: {  	v2 =	vld.idx.msk [tilespmem:v3+s5+$0x0], $0xffff  }
0x1b9: {  	v3 =	vld [tilespmem:s6+$0x1AF60];
	_ =	sdelay $0x4  }
0x1ba: {  	v2 =	vmul.f32 v2, v3;
	_ =	sdelay $0x1  }
0x1bb: {  	[tilespmem:s6+$0x1DF60] =	vst v2;
	v2 =	vld [tilespmem:s6+$0x1AF70]  }
0x1bc: {  	v1 =	vld.idx.msk [tilespmem:v1+s5+$0x0], $0xffff;
	_ =	sdelay $0x3  }
.Ltmp10:
0x1bd: {  	_ = 	snop;
	(pc) =	sbr.rel .LBB2_14-.Ltmp10, $3  }
0x1be: {  	v1 =	vmul.f32 v1, v2;
	_ =	sdelay $0x1  }
0x1bf: {  	s7 =	sadd.s32 $0x1DF00, s6;
	s12 =	sadd.s32 $0x1C700, s6;
	[tilespmem:s6+$0x1DF70] =	vst v1  }
0x1c0: {  	[spmem:s3] =	stream.indirect.scatter.add.f32 [tilespmem:s7], [sflag:$0x6], $0x1, s12, s23, $0xb8;
	v63 =	vld [tilespmem:$0x0]  }
.LBB2_16:
0x1c1: {  	_ =	sfence.sel $0x180000  }
0x1c2: {  	[bflag:$0x0] =	sbarrier.arrive $0xFFFF  }
0x1c3: {  	_ =	strace $0x90000047  }
0x1c4: {  	s0 =	stileid.u32;
	[bflag:$0x2] =	sbarrier.arrive $0xFFFF  }
0x1c5: {  	p0 =	sne.s32 s0, $0x0;
	s0 =	rddreg [dreg:$0x4]  }
0x1c6: {  	s0 =	sadd.s32 @!p0 $0x100000, s0  }
0x1c7: {  	[sflag:s0] =	ssyncadd.tile.s32 @!p0 $0x1;
	_ =	shalt  }
.Lfunc_end2:
_tile_overlayer_lowered:
.L_overlay_start_2:
0x1c8: {  	(tag) =	ssettag $0x2  }
0x1c9: {  	s0 =	rddreg [dreg:$0x0];
	s2 =	stileid.u32  }
0x1ca: {  	s1 =	rddreg [dreg:$0x1];
	p0 =	sne.s32 s2, $0x0  }
0x1cb: {  	s3 =	rddreg [dreg:$0x2];
	[bflag:$0x3] =	sbarrier.arrive $0xFFFF;
	s2 =	simm.s32 @!p0 $0x1C07  }
0x1cc: {  	[timem:s3], [sflag:s2] =	dma.local @!p0 [hbm:s0], s1  }
0x1cd: {  	s0 =	simm.s32 @!p0 $0x7  }
0x1ce: {  	_ =	swait.ge @!p0 [sflag:s0], s1  }
0x1cf: {  	s1 =	ssub.s32 @!p0 $0x0, s1;
	[sflag:s0] =	ssyncset.done @!p0 $0x0  }
0x1d0: {  	[sflag:s0] =	ssyncadd.s32 @!p0 s1  }
0x1d1: {  	[bflag:$0x3] =	sbarrier.arrive $0xFFFF  }
0x1d2: {  	_ =	shalt  }

</sc_bundles>
